<compile_context>
chip_gen: v7x
topology: tpu7x:2x2x1
jax: 0.10.2.dev20260603
libtpu: 0.0.44.dev20260713+nightly
codegen_flags: <defaults>
</compile_context>

<pallas_src>
import functools

import jax
import jax.numpy as jnp
from jax import lax
from jax.experimental import pallas as pl
from jax.experimental.pallas import tpu as pltpu
from jax.experimental.pallas import tpu_sc as plsc

_B = 16384
_D = 32
_LN = int(_B * 0.1)
_CHUNK = 128


def _sc_gather(item_table, noise_table, user_table, idx_item, idx_noise, idx_user):
    info = plsc.get_sparse_core_info()
    nw = info.num_cores * info.num_subcores
    ci = idx_item.shape[0] // nw
    cn = idx_noise.shape[0] // nw
    cu = idx_user.shape[0] // nw
    mesh = plsc.VectorSubcoreMesh(core_axis_name="c", subcore_axis_name="s")

    @functools.partial(
        pl.kernel,
        mesh=mesh,
        compiler_params=pltpu.CompilerParams(use_tc_tiling_on_sc=False),
        out_type=[
            jax.ShapeDtypeStruct((idx_item.shape[0], _D), jnp.float32),
            jax.ShapeDtypeStruct((idx_noise.shape[0], _D), jnp.float32),
            jax.ShapeDtypeStruct((idx_user.shape[0], _D), jnp.float32),
        ],
        scratch_types=[
            pltpu.VMEM((ci,), jnp.int32),
            pltpu.VMEM((cn,), jnp.int32),
            pltpu.VMEM((cu,), jnp.int32),
            pltpu.VMEM((_CHUNK, _D), jnp.float32),
            pltpu.VMEM((_CHUNK, _D), jnp.float32),
            pltpu.SemaphoreType.DMA,
            pltpu.SemaphoreType.DMA,
        ],
    )
    def k(item_hbm, noise_hbm, user_hbm, ii_hbm, in_hbm, iu_hbm,
          oi_hbm, on_hbm, ou_hbm, ivi, ivn, ivu, rows_a, rows_b, sem_a, sem_b):
        w = lax.axis_index("s") * info.num_cores + lax.axis_index("c")

        def gather_list(idx_hbm, idx_v, nrows, table_hbm, out_hbm):
            base = w * nrows
            pltpu.sync_copy(idx_hbm.at[pl.ds(base, nrows)], idx_v)
            nchunks = nrows // _CHUNK
            bufs = (rows_a, rows_b)
            sems = (sem_a, sem_b)
            cps = []
            for c in range(nchunks):
                cp = pltpu.async_copy(
                    table_hbm.at[idx_v.at[pl.ds(c * _CHUNK, _CHUNK)]],
                    bufs[c % 2], sems[c % 2])
                cps.append(cp)
                if c >= 1:
                    cps[c - 1].wait()
                    pltpu.sync_copy(bufs[(c - 1) % 2],
                                    out_hbm.at[pl.ds(base + (c - 1) * _CHUNK, _CHUNK)])
            cps[nchunks - 1].wait()
            pltpu.sync_copy(bufs[(nchunks - 1) % 2],
                            out_hbm.at[pl.ds(base + (nchunks - 1) * _CHUNK, _CHUNK)])

        gather_list(ii_hbm, ivi, ci, item_hbm, oi_hbm)
        gather_list(in_hbm, ivn, cn, noise_hbm, on_hbm)
        gather_list(iu_hbm, ivu, cu, user_hbm, ou_hbm)

    return k(item_table, noise_table, user_table, idx_item, idx_noise, idx_user)


def _softplus(x):
    return jnp.maximum(x, 0.0) + jnp.log1p(jnp.exp(-jnp.abs(x)))


_ROWS_PER_STEP = 2048
_GRID = _B // _ROWS_PER_STEP


def _loss_kernel(i_ref, j_ref, jr_ref, lki_ref, ni_ref, njr_ref, lkn_ref,
                 u_ref, m_ref, out_ref):
    pr = _ROWS_PER_STEP * _D // 128
    pid = pl.program_id(0)
    prow = lax.broadcasted_iota(jnp.int32, (pr, 128), 0) + pid * pr
    lane = lax.broadcasted_iota(jnp.int32, (pr, 128), 1)
    it = prow * 4 + lane // _D

    u = u_ref[...]
    ib = i_ref[...]
    jb = j_ref[...]
    jr = jr_ref[...]
    lki = lki_ref[...]
    nib = ni_ref[...]
    njr = njr_ref[...]
    lkn = lkn_ref[...]
    m4 = m_ref[...]

    li = lax.broadcasted_iota(jnp.int32, (128, 128), 0)
    gi = lax.broadcasted_iota(jnp.int32, (128, 128), 1)
    sel = ((li // _D) == gi).astype(jnp.float32)
    colv = (lane < 128 // _D).astype(jnp.float32)

    noise_i = jnp.clip(ib, -1.0, 1.0) + nib
    add = jnp.where(it < _B - _LN, ib, noise_i)
    addj = jnp.where(it < _LN, jnp.clip(jr, -1.0, 1.0) + njr, jr)
    like = jnp.clip(lki, -1.0, 1.0) + lkn

    d4 = jnp.dot(u * (add - addj), sel, preferred_element_type=jnp.float32)
    s_add = jnp.sum(_softplus(-d4) * colv)

    s_l2 = jnp.sum(u * u + add * add + jb * jb)

    dm4 = jnp.dot(u * (like - jb), sel, preferred_element_type=jnp.float32)
    spm = _softplus(-dm4)
    s_fm = jnp.sum(spm * m4)
    s_ff = jnp.sum(spm * (colv - m4))

    lk4 = jnp.dot(like * like, sel, preferred_element_type=jnp.float32)
    s_lm = jnp.sum(lk4 * m4)
    s_lf = jnp.sum(lk4 * (colv - m4))

    zero = jnp.float32(0.0)
    vals = jnp.stack([jnp.broadcast_to(s, (128,)) for s in
                      (s_add, s_l2, s_fm, s_ff, s_lm, s_lf, zero, zero)])

    @pl.when(pid == 0)
    def _():
        out_ref[...] = jnp.zeros((8, 128), jnp.float32)

    out_ref[...] += vals


def kernel(u_batch, i_batch, j_batch, user_table, item_table, noise_table,
           users_features):
    u_batch = u_batch.astype(jnp.int32)
    i_batch = i_batch.astype(jnp.int32)
    j_batch = j_batch.astype(jnp.int32)

    gender = users_features[u_batch]
    male = gender.astype(bool)
    male_len = jnp.sum(gender)
    female_len = _B - male_len
    order_m = jnp.argsort(jnp.logical_not(male))
    cm = jnp.cumsum(gender)
    rank_m = cm - 1
    rank_f = jnp.arange(_B, dtype=cm.dtype) - cm
    mm = jnp.maximum(male_len - 1, 1)
    fm = jnp.maximum(female_len - 1, 1)
    like_pos = order_m[jnp.where(
        male,
        jnp.mod(jnp.mod(rank_m, fm) + male_len, _B),
        jnp.mod(rank_f, mm))]
    like_idx = i_batch[like_pos]

    j_roll = jnp.roll(j_batch, _LN)
    idx_item = jnp.concatenate([i_batch, j_batch, j_roll, like_idx])
    idx_noise = jnp.concatenate([i_batch, j_roll, like_idx])

    item_rows, noise_rows, u_rows = _sc_gather(
        item_table, noise_table, user_table, idx_item, idx_noise, u_batch)

    item_pack = item_rows.reshape(-1, 128)
    noise_pack = noise_rows.reshape(-1, 128)
    u_pack = u_rows.reshape(-1, 128)
    m_pack = jnp.pad(gender.astype(jnp.float32).reshape(-1, 128 // _D),
                     ((0, 0), (0, 128 - 128 // _D)))

    pr = _ROWS_PER_STEP * _D // 128
    seg = lambda k: pl.BlockSpec((pr, 128), lambda i, k=k: (k * _GRID + i, 0))
    sums = pl.pallas_call(
        _loss_kernel,
        grid=(_GRID,),
        in_specs=[seg(0), seg(1), seg(2), seg(3),
                  seg(0), seg(1), seg(2),
                  seg(0),
                  seg(0)],
        out_specs=pl.BlockSpec((8, 128), lambda i: (0, 0)),
        out_shape=jax.ShapeDtypeStruct((8, 128), jnp.float32),
    )(item_pack, item_pack, item_pack, item_pack,
      noise_pack, noise_pack, noise_pack, u_pack, m_pack)

    s_add, s_l2, s_fm, s_ff, s_lm, s_lf = (sums[k, 0] for k in range(6))
    loss_add = s_add / _B
    l2_reg = 0.01 * s_l2 / _B
    loss_fake = s_fm / male_len + s_ff / female_len
    l2_reg2 = 0.01 * (s_lm / male_len + s_lf / female_len)
    return (loss_add + l2_reg, l2_reg, loss_fake + l2_reg2)

# --- scband reference (transcript-rebuilt; emitter-appended) ---
"""Pipeline reference for scband-fair-data-81406810128825 (READ-ONLY COPY).

The authoritative reference and input builder live on the scoring server;
editing this copy changes nothing except your own understanding.
"""

import jax, jax.numpy as jnp
import numpy as np

NUM_USERS = 1000
NUM_ITEMS = 1000000
NUM_FACTORS = 32
NOISE_RATIO = 0.1
B = 16384
MIN_CLAMP = -1.0
MAX_CLAMP = 1.0


def setup_inputs(seed: int = 0) -> dict:
    key = jax.random.key(seed)
    k1, k2, k3, k4, k5, k6 = jax.random.split(key, 6)
    u_batch = jax.random.randint(k1, (B,), 0, NUM_USERS)
    i_batch = jax.random.randint(k2, (B,), 0, NUM_ITEMS)
    j_batch = jax.random.randint(k3, (B,), 0, NUM_ITEMS)
    user_table = 0.01 * jax.random.normal(k4, (NUM_USERS, NUM_FACTORS), dtype=jnp.float32)
    item_table = 0.01 * jax.random.normal(k5, (NUM_ITEMS, NUM_FACTORS), dtype=jnp.float32)
    noise_table = 0.01 * jax.random.normal(k6, (NUM_ITEMS, NUM_FACTORS), dtype=jnp.float32)
    users_features = jnp.tile(jnp.array([1, 0], dtype=jnp.int32), NUM_USERS // 2)
    return {"u_batch": u_batch, "i_batch": i_batch, "j_batch": j_batch,
            "user_table": user_table, "item_table": item_table,
            "noise_table": noise_table, "users_features": users_features}


def fake_pos(male_noise_i_emb, female_noise_i_emb, male_len, female_len):
    n = male_noise_i_emb.shape[0]
    idx = jnp.arange(n)
    avg_len = 1
    male_end_idx = avg_len
    male_noise_len = male_len - male_end_idx
    female_like = male_noise_i_emb[jnp.mod(idx, jnp.maximum(male_noise_len, 1))]
    female_end_idx = avg_len
    female_noise_len = female_len - female_end_idx
    male_like = female_noise_i_emb[jnp.mod(idx, jnp.maximum(female_noise_len, 1))]
    return male_like, female_like


def reference(u_batch, i_batch, j_batch, user_table, item_table, noise_table, users_features):
    noise_emb = jnp.clip(item_table, MIN_CLAMP, MAX_CLAMP) + noise_table
    gender = users_features[u_batch]
    male_mask = gender.astype(bool)
    female_mask = (1 - gender).astype(bool)
    male_len = male_mask.sum()
    female_len = female_mask.sum()
    order_m = jnp.argsort(jnp.logical_not(male_mask))
    order_f = jnp.argsort(jnp.logical_not(female_mask))
    male_i_batch = i_batch[order_m]; female_i_batch = i_batch[order_f]
    male_j_batch = j_batch[order_m]; female_j_batch = j_batch[order_f]
    male_u_batch = u_batch[order_m]; female_u_batch = u_batch[order_f]

    u_emb = user_table[u_batch]
    i_emb = item_table[i_batch]
    j_emb = item_table[j_batch]
    noise_i_emb2 = noise_emb[i_batch]
    len_noise = int(i_emb.shape[0] * NOISE_RATIO)
    add_emb = jnp.concatenate([i_emb[:-len_noise], noise_i_emb2[-len_noise:]], axis=0)
    noise_j_emb2 = noise_emb[j_batch]
    add_emb_j = jnp.concatenate([noise_j_emb2[-len_noise:], j_emb[:-len_noise]], axis=0)

    male_noise_i_emb = noise_emb[male_i_batch]
    female_noise_i_emb = noise_emb[female_i_batch]
    male_like_emb, female_like_emb = fake_pos(male_noise_i_emb, female_noise_i_emb, male_len, female_len)

    male_j_emb = item_table[male_j_batch]; female_j_emb = item_table[female_j_batch]
    male_u_emb = user_table[male_u_batch]; female_u_emb = user_table[female_u_batch]

    prediction_neg = (u_emb * add_emb_j).sum(axis=-1)
    prediction_add = (u_emb * add_emb).sum(axis=-1)
    loss_add = -jnp.log(jax.nn.sigmoid(prediction_add - prediction_neg)).mean()
    l2_regulization = 0.01 * ((u_emb ** 2 + add_emb ** 2 + j_emb ** 2).sum(axis=-1)).mean()

    valid_m = jnp.arange(B) < male_len
    valid_f = jnp.arange(B) < female_len
    prediction_neg_male = (male_u_emb * male_j_emb).sum(axis=-1)
    prediction_pos_male = (male_u_emb * male_like_emb).sum(axis=-1)
    loss_fake_male = -(jnp.where(valid_m, jnp.log(jax.nn.sigmoid(prediction_pos_male - prediction_neg_male)), 0.0).sum() / male_len)
    prediction_neg_female = (female_u_emb * female_j_emb).sum(axis=-1)
    prediction_pos_female = (female_u_emb * female_like_emb).sum(axis=-1)
    loss_fake_female = -(jnp.where(valid_f, jnp.log(jax.nn.sigmoid(prediction_pos_female - prediction_neg_female)), 0.0).sum() / female_len)
    loss_fake = loss_fake_male + loss_fake_female
    l2_regulization2 = 0.01 * (jnp.where(valid_m, (male_like_emb ** 2).sum(axis=-1), 0.0).sum() / male_len) \
        + 0.01 * (jnp.where(valid_f, (female_like_emb ** 2).sum(axis=-1), 0.0).sum() / female_len)

    loss_task = 1 * loss_add + l2_regulization
    loss_add_item = loss_fake + l2_regulization2
    return (loss_task, l2_regulization, loss_add_item)

if __name__ == "__main__":
    import jax
    _d = setup_inputs()
    print(jax.jit(kernel)(*tuple(_d.values())))

</pallas_src>

<mosaic_0001>
#map = affine_map<(d0, d1) -> (0, 0)>
#map1 = affine_map<(d0, d1) -> (0)>
module attributes {stable_mosaic.version = 14 : i64} {
  func.func @k(%arg0: i32, %arg1: i32, %arg2: memref<1000000x32xf32, #tpu.memory_space<hbm>>, %arg3: memref<1000000x32xf32, #tpu.memory_space<hbm>>, %arg4: memref<1000x32xf32, #tpu.memory_space<hbm>>, %arg5: memref<65536xi32, #tpu.memory_space<hbm>>, %arg6: memref<49152xi32, #tpu.memory_space<hbm>>, %arg7: memref<16384xi32, #tpu.memory_space<hbm>>, %arg8: memref<65536x32xf32, #tpu.memory_space<hbm>>, %arg9: memref<49152x32xf32, #tpu.memory_space<hbm>>, %arg10: memref<16384x32xf32, #tpu.memory_space<hbm>>, %arg11: memref<2048xi32, #tpu.memory_space<vmem>>, %arg12: memref<1536xi32, #tpu.memory_space<vmem>>, %arg13: memref<512xi32, #tpu.memory_space<vmem>>, %arg14: memref<128x32xf32, #tpu.memory_space<vmem>>, %arg15: memref<128x32xf32, #tpu.memory_space<vmem>>, %arg16: memref<!tpu.dma_semaphore, #tpu.memory_space<semaphore_mem>>, %arg17: memref<!tpu.dma_semaphore, #tpu.memory_space<semaphore_mem>>) attributes {dimension_semantics = [#tpu.dimension_semantics<core_parallel>, #tpu.dimension_semantics<subcore_parallel>], iteration_bounds = array<i64: 2, 16>, scalar_prefetch = 0 : i64, scratch_operands = 7 : i64, tpu.core_type = #tpu.core_type<sc_vector_subcore>, window_params = [{transform_indices = #map}, {transform_indices = #map}, {transform_indices = #map}, {transform_indices = #map1}, {transform_indices = #map1}, {transform_indices = #map1}, {transform_indices = #map}, {transform_indices = #map}, {transform_indices = #map}]} {
    %mul3A = arith.constant 2 : i32
    %mul3A_0 = arith.muli %arg1, %mul3A : i32
    %add3A = arith.addi %mul3A_0, %arg0 : i32
    %mul3A_1 = arith.constant 2048 : i32
    %mul3A_2 = arith.muli %add3A, %mul3A_1 : i32
    "tpu.region"() ({
      %run_scoped3A = tpu.sem_alloc : memref<!tpu.dma_semaphore, #tpu.memory_space<semaphore_mem>>
      %dma_start3A_389 = tpu.memref_slice %arg5[%mul3A_2] : memref<65536xi32, #tpu.memory_space<hbm>> -> memref<2048xi32, #tpu.memory_space<hbm>>
      %dma_start3A_390 = tpu.memref_slice %arg5[%mul3A_2] : memref<65536xi32, #tpu.memory_space<hbm>> -> memref<2048xi32, #tpu.memory_space<hbm>>
      tpu.enqueue_dma source(%dma_start3A_390 : memref<2048xi32, #tpu.memory_space<hbm>>) target(%arg11 : memref<2048xi32, #tpu.memory_space<vmem>>) target_semaphore(%run_scoped3A : memref<!tpu.dma_semaphore, #tpu.memory_space<semaphore_mem>>)
      %dma_wait3A_391 = tpu.memref_slice %arg5[%mul3A_2] : memref<65536xi32, #tpu.memory_space<hbm>> -> memref<2048xi32, #tpu.memory_space<hbm>>
      %dma_wait3A_392 = tpu.memref_slice %arg5[%mul3A_2] : memref<65536xi32, #tpu.memory_space<hbm>> -> memref<2048xi32, #tpu.memory_space<hbm>>
      tpu.wait_dma2 semaphore(%run_scoped3A : memref<!tpu.dma_semaphore, #tpu.memory_space<semaphore_mem>>) src(%dma_wait3A_392 : memref<2048xi32, #tpu.memory_space<hbm>>) dst(%arg11 : memref<2048xi32, #tpu.memory_space<vmem>>)
      tpu.yield
    }) : () -> ()
    %dma_start3A = arith.constant 0 : i32
    %dma_start3A_3 = tpu.memref_slice %arg11[%dma_start3A] : memref<2048xi32, #tpu.memory_space<vmem>> -> memref<128xi32, #tpu.memory_space<vmem>>
    %dma_start3A_4 = arith.constant 0 : i32
    %dma_start3A_5 = arith.constant 0 : i32
    %dma_start3A_6 = tpu.memref_slice %arg2[%dma_start3A_4, %dma_start3A_5] : memref<1000000x32xf32, #tpu.memory_space<hbm>> -> memref<1000000x32xf32, #tpu.memory_space<hbm>>
    tpu.enqueue_indirect_dma source(%dma_start3A_6 : memref<1000000x32xf32, #tpu.memory_space<hbm>>) target(%arg14 : memref<128x32xf32, #tpu.memory_space<vmem>>) offsets(%dma_start3A_3 : memref<128xi32, #tpu.memory_space<vmem>>) semaphore(%arg16 : memref<!tpu.dma_semaphore, #tpu.memory_space<semaphore_mem>>)
    %dma_start3A_7 = arith.constant 128 : i32
    %dma_start3A_8 = tpu.memref_slice %arg11[%dma_start3A_7] : memref<2048xi32, #tpu.memory_space<vmem>> -> memref<128xi32, #tpu.memory_space<vmem>>
    %dma_start3A_9 = arith.constant 0 : i32
    %dma_start3A_10 = arith.constant 0 : i32
    %dma_start3A_11 = tpu.memref_slice %arg2[%dma_start3A_9, %dma_start3A_10] : memref<1000000x32xf32, #tpu.memory_space<hbm>> -> memref<1000000x32xf32, #tpu.memory_space<hbm>>
    tpu.enqueue_indirect_dma source(%dma_start3A_11 : memref<1000000x32xf32, #tpu.memory_space<hbm>>) target(%arg15 : memref<128x32xf32, #tpu.memory_space<vmem>>) offsets(%dma_start3A_8 : memref<128xi32, #tpu.memory_space<vmem>>) semaphore(%arg17 : memref<!tpu.dma_semaphore, #tpu.memory_space<semaphore_mem>>)
    %dma_wait3A = arith.constant 0 : i32
    %dma_wait3A_12 = tpu.memref_slice %arg11[%dma_wait3A] : memref<2048xi32, #tpu.memory_space<vmem>> -> memref<128xi32, #tpu.memory_space<vmem>>
    %dma_wait3A_13 = arith.constant 0 : i32
    %dma_wait3A_14 = arith.constant 0 : i32
    %dma_wait3A_15 = tpu.memref_slice %arg2[%dma_wait3A_13, %dma_wait3A_14] : memref<1000000x32xf32, #tpu.memory_space<hbm>> -> memref<1000000x32xf32, #tpu.memory_space<hbm>>
    tpu.wait_indirect_dma semaphore(%arg16 : memref<!tpu.dma_semaphore, #tpu.memory_space<semaphore_mem>>) src(%dma_wait3A_15 : memref<1000000x32xf32, #tpu.memory_space<hbm>>) dst(%arg14 : memref<128x32xf32, #tpu.memory_space<vmem>>)
    %add3A_16 = arith.constant 0 : i32
    %add3A_17 = arith.addi %mul3A_2, %add3A_16 : i32
    "tpu.region"() ({
      %run_scoped3A = tpu.sem_alloc : memref<!tpu.dma_semaphore, #tpu.memory_space<semaphore_mem>>
      %dma_start3A_389 = arith.constant 0 : i32
      %dma_start3A_390 = tpu.memref_slice %arg8[%add3A_17, %dma_start3A_389] : memref<65536x32xf32, #tpu.memory_space<hbm>> -> memref<128x32xf32, #tpu.memory_space<hbm>>
      %dma_start3A_391 = arith.constant 0 : i32
      %dma_start3A_392 = tpu.memref_slice %arg8[%add3A_17, %dma_start3A_391] : memref<65536x32xf32, #tpu.memory_space<hbm>> -> memref<128x32xf32, #tpu.memory_space<hbm>>
      tpu.enqueue_dma source(%arg14 : memref<128x32xf32, #tpu.memory_space<vmem>>) target(%dma_start3A_392 : memref<128x32xf32, #tpu.memory_space<hbm>>) target_semaphore(%run_scoped3A : memref<!tpu.dma_semaphore, #tpu.memory_space<semaphore_mem>>)
      %dma_wait3A_393 = arith.constant 0 : i32
      %dma_wait3A_394 = tpu.memref_slice %arg8[%add3A_17, %dma_wait3A_393] : memref<65536x32xf32, #tpu.memory_space<hbm>> -> memref<128x32xf32, #tpu.memory_space<hbm>>
      %dma_wait3A_395 = arith.constant 0 : i32
      %dma_wait3A_396 = tpu.memref_slice %arg8[%add3A_17, %dma_wait3A_395] : memref<65536x32xf32, #tpu.memory_space<hbm>> -> memref<128x32xf32, #tpu.memory_space<hbm>>
      tpu.wait_dma2 semaphore(%run_scoped3A : memref<!tpu.dma_semaphore, #tpu.memory_space<semaphore_mem>>) src(%arg14 : memref<128x32xf32, #tpu.memory_space<vmem>>) dst(%dma_wait3A_396 : memref<128x32xf32, #tpu.memory_space<hbm>>)
      tpu.yield
    }) : () -> ()
    %dma_start3A_18 = arith.constant 256 : i32
    %dma_start3A_19 = tpu.memref_slice %arg11[%dma_start3A_18] : memref<2048xi32, #tpu.memory_space<vmem>> -> memref<128xi32, #tpu.memory_space<vmem>>
    %dma_start3A_20 = arith.constant 0 : i32
    %dma_start3A_21 = arith.constant 0 : i32
    %dma_start3A_22 = tpu.memref_slice %arg2[%dma_start3A_20, %dma_start3A_21] : memref<1000000x32xf32, #tpu.memory_space<hbm>> -> memref<1000000x32xf32, #tpu.memory_space<hbm>>
    tpu.enqueue_indirect_dma source(%dma_start3A_22 : memref<1000000x32xf32, #tpu.memory_space<hbm>>) target(%arg14 : memref<128x32xf32, #tpu.memory_space<vmem>>) offsets(%dma_start3A_19 : memref<128xi32, #tpu.memory_space<vmem>>) semaphore(%arg16 : memref<!tpu.dma_semaphore, #tpu.memory_space<semaphore_mem>>)
    %dma_wait3A_23 = arith.constant 128 : i32
    %dma_wait3A_24 = tpu.memref_slice %arg11[%dma_wait3A_23] : memref<2048xi32, #tpu.memory_space<vmem>> -> memref<128xi32, #tpu.memory_space<vmem>>
    %dma_wait3A_25 = arith.constant 0 : i32
    %dma_wait3A_26 = arith.constant 0 : i32
    %dma_wait3A_27 = tpu.memref_slice %arg2[%dma_wait3A_25, %dma_wait3A_26] : memref<1000000x32xf32, #tpu.memory_space<hbm>> -> memref<1000000x32xf32, #tpu.memory_space<hbm>>
    tpu.wait_indirect_dma semaphore(%arg17 : memref<!tpu.dma_semaphore, #tpu.memory_space<semaphore_mem>>) src(%dma_wait3A_27 : memref<1000000x32xf32, #tpu.memory_space<hbm>>) dst(%arg15 : memref<128x32xf32, #tpu.memory_space<vmem>>)
    %add3A_28 = arith.constant 128 : i32
    %add3A_29 = arith.addi %mul3A_2, %add3A_28 : i32
    "tpu.region"() ({
      %run_scoped3A = tpu.sem_alloc : memref<!tpu.dma_semaphore, #tpu.memory_space<semaphore_mem>>
      %dma_start3A_389 = arith.constant 0 : i32
      %dma_start3A_390 = tpu.memref_slice %arg8[%add3A_29, %dma_start3A_389] : memref<65536x32xf32, #tpu.memory_space<hbm>> -> memref<128x32xf32, #tpu.memory_space<hbm>>
      %dma_start3A_391 = arith.constant 0 : i32
      %dma_start3A_392 = tpu.memref_slice %arg8[%add3A_29, %dma_start3A_391] : memref<65536x32xf32, #tpu.memory_space<hbm>> -> memref<128x32xf32, #tpu.memory_space<hbm>>
      tpu.enqueue_dma source(%arg15 : memref<128x32xf32, #tpu.memory_space<vmem>>) target(%dma_start3A_392 : memref<128x32xf32, #tpu.memory_space<hbm>>) target_semaphore(%run_scoped3A : memref<!tpu.dma_semaphore, #tpu.memory_space<semaphore_mem>>)
      %dma_wait3A_393 = arith.constant 0 : i32
      %dma_wait3A_394 = tpu.memref_slice %arg8[%add3A_29, %dma_wait3A_393] : memref<65536x32xf32, #tpu.memory_space<hbm>> -> memref<128x32xf32, #tpu.memory_space<hbm>>
      %dma_wait3A_395 = arith.constant 0 : i32
      %dma_wait3A_396 = tpu.memref_slice %arg8[%add3A_29, %dma_wait3A_395] : memref<65536x32xf32, #tpu.memory_space<hbm>> -> memref<128x32xf32, #tpu.memory_space<hbm>>
      tpu.wait_dma2 semaphore(%run_scoped3A : memref<!tpu.dma_semaphore, #tpu.memory_space<semaphore_mem>>) src(%arg15 : memref<128x32xf32, #tpu.memory_space<vmem>>) dst(%dma_wait3A_396 : memref<128x32xf32, #tpu.memory_space<hbm>>)
      tpu.yield
    }) : () -> ()
    %dma_start3A_30 = arith.constant 384 : i32
    %dma_start3A_31 = tpu.memref_slice %arg11[%dma_start3A_30] : memref<2048xi32, #tpu.memory_space<vmem>> -> memref<128xi32, #tpu.memory_space<vmem>>
    %dma_start3A_32 = arith.constant 0 : i32
    %dma_start3A_33 = arith.constant 0 : i32
    %dma_start3A_34 = tpu.memref_slice %arg2[%dma_start3A_32, %dma_start3A_33] : memref<1000000x32xf32, #tpu.memory_space<hbm>> -> memref<1000000x32xf32, #tpu.memory_space<hbm>>
    tpu.enqueue_indirect_dma source(%dma_start3A_34 : memref<1000000x32xf32, #tpu.memory_space<hbm>>) target(%arg15 : memref<128x32xf32, #tpu.memory_space<vmem>>) offsets(%dma_start3A_31 : memref<128xi32, #tpu.memory_space<vmem>>) semaphore(%arg17 : memref<!tpu.dma_semaphore, #tpu.memory_space<semaphore_mem>>)
    %dma_wait3A_35 = arith.constant 256 : i32
    %dma_wait3A_36 = tpu.memref_slice %arg11[%dma_wait3A_35] : memref<2048xi32, #tpu.memory_space<vmem>> -> memref<128xi32, #tpu.memory_space<vmem>>
    %dma_wait3A_37 = arith.constant 0 : i32
    %dma_wait3A_38 = arith.constant 0 : i32
    %dma_wait3A_39 = tpu.memref_slice %arg2[%dma_wait3A_37, %dma_wait3A_38] : memref<1000000x32xf32, #tpu.memory_space<hbm>> -> memref<1000000x32xf32, #tpu.memory_space<hbm>>
    tpu.wait_indirect_dma semaphore(%arg16 : memref<!tpu.dma_semaphore, #tpu.memory_space<semaphore_mem>>) src(%dma_wait3A_39 : memref<1000000x32xf32, #tpu.memory_space<hbm>>) dst(%arg14 : memref<128x32xf32, #tpu.memory_space<vmem>>)
    %add3A_40 = arith.constant 256 : i32
    %add3A_41 = arith.addi %mul3A_2, %add3A_40 : i32
    "tpu.region"() ({
      %run_scoped3A = tpu.sem_alloc : memref<!tpu.dma_semaphore, #tpu.memory_space<semaphore_mem>>
      %dma_start3A_389 = arith.constant 0 : i32
      %dma_start3A_390 = tpu.memref_slice %arg8[%add3A_41, %dma_start3A_389] : memref<65536x32xf32, #tpu.memory_space<hbm>> -> memref<128x32xf32, #tpu.memory_space<hbm>>
      %dma_start3A_391 = arith.constant 0 : i32
      %dma_start3A_392 = tpu.memref_slice %arg8[%add3A_41, %dma_start3A_391] : memref<65536x32xf32, #tpu.memory_space<hbm>> -> memref<128x32xf32, #tpu.memory_space<hbm>>
      tpu.enqueue_dma source(%arg14 : memref<128x32xf32, #tpu.memory_space<vmem>>) target(%dma_start3A_392 : memref<128x32xf32, #tpu.memory_space<hbm>>) target_semaphore(%run_scoped3A : memref<!tpu.dma_semaphore, #tpu.memory_space<semaphore_mem>>)
      %dma_wait3A_393 = arith.constant 0 : i32
      %dma_wait3A_394 = tpu.memref_slice %arg8[%add3A_41, %dma_wait3A_393] : memref<65536x32xf32, #tpu.memory_space<hbm>> -> memref<128x32xf32, #tpu.memory_space<hbm>>
      %dma_wait3A_395 = arith.constant 0 : i32
      %dma_wait3A_396 = tpu.memref_slice %arg8[%add3A_41, %dma_wait3A_395] : memref<65536x32xf32, #tpu.memory_space<hbm>> -> memref<128x32xf32, #tpu.memory_space<hbm>>
      tpu.wait_dma2 semaphore(%run_scoped3A : memref<!tpu.dma_semaphore, #tpu.memory_space<semaphore_mem>>) src(%arg14 : memref<128x32xf32, #tpu.memory_space<vmem>>) dst(%dma_wait3A_396 : memref<128x32xf32, #tpu.memory_space<hbm>>)
      tpu.yield
    }) : () -> ()
    %dma_start3A_42 = arith.constant 512 : i32
    %dma_start3A_43 = tpu.memref_slice %arg11[%dma_start3A_42] : memref<2048xi32, #tpu.memory_space<vmem>> -> memref<128xi32, #tpu.memory_space<vmem>>
    %dma_start3A_44 = arith.constant 0 : i32
    %dma_start3A_45 = arith.constant 0 : i32
    %dma_start3A_46 = tpu.memref_slice %arg2[%dma_start3A_44, %dma_start3A_45] : memref<1000000x32xf32, #tpu.memory_space<hbm>> -> memref<1000000x32xf32, #tpu.memory_space<hbm>>
    tpu.enqueue_indirect_dma source(%dma_start3A_46 : memref<1000000x32xf32, #tpu.memory_space<hbm>>) target(%arg14 : memref<128x32xf32, #tpu.memory_space<vmem>>) offsets(%dma_start3A_43 : memref<128xi32, #tpu.memory_space<vmem>>) semaphore(%arg16 : memref<!tpu.dma_semaphore, #tpu.memory_space<semaphore_mem>>)
    %dma_wait3A_47 = arith.constant 384 : i32
    %dma_wait3A_48 = tpu.memref_slice %arg11[%dma_wait3A_47] : memref<2048xi32, #tpu.memory_space<vmem>> -> memref<128xi32, #tpu.memory_space<vmem>>
    %dma_wait3A_49 = arith.constant 0 : i32
    %dma_wait3A_50 = arith.constant 0 : i32
    %dma_wait3A_51 = tpu.memref_slice %arg2[%dma_wait3A_49, %dma_wait3A_50] : memref<1000000x32xf32, #tpu.memory_space<hbm>> -> memref<1000000x32xf32, #tpu.memory_space<hbm>>
    tpu.wait_indirect_dma semaphore(%arg17 : memref<!tpu.dma_semaphore, #tpu.memory_space<semaphore_mem>>) src(%dma_wait3A_51 : memref<1000000x32xf32, #tpu.memory_space<hbm>>) dst(%arg15 : memref<128x32xf32, #tpu.memory_space<vmem>>)
    %add3A_52 = arith.constant 384 : i32
    %add3A_53 = arith.addi %mul3A_2, %add3A_52 : i32
    "tpu.region"() ({
      %run_scoped3A = tpu.sem_alloc : memref<!tpu.dma_semaphore, #tpu.memory_space<semaphore_mem>>
      %dma_start3A_389 = arith.constant 0 : i32
      %dma_start3A_390 = tpu.memref_slice %arg8[%add3A_53, %dma_start3A_389] : memref<65536x32xf32, #tpu.memory_space<hbm>> -> memref<128x32xf32, #tpu.memory_space<hbm>>
      %dma_start3A_391 = arith.constant 0 : i32
      %dma_start3A_392 = tpu.memref_slice %arg8[%add3A_53, %dma_start3A_391] : memref<65536x32xf32, #tpu.memory_space<hbm>> -> memref<128x32xf32, #tpu.memory_space<hbm>>
      tpu.enqueue_dma source(%arg15 : memref<128x32xf32, #tpu.memory_space<vmem>>) target(%dma_start3A_392 : memref<128x32xf32, #tpu.memory_space<hbm>>) target_semaphore(%run_scoped3A : memref<!tpu.dma_semaphore, #tpu.memory_space<semaphore_mem>>)
      %dma_wait3A_393 = arith.constant 0 : i32
      %dma_wait3A_394 = tpu.memref_slice %arg8[%add3A_53, %dma_wait3A_393] : memref<65536x32xf32, #tpu.memory_space<hbm>> -> memref<128x32xf32, #tpu.memory_space<hbm>>
      %dma_wait3A_395 = arith.constant 0 : i32
      %dma_wait3A_396 = tpu.memref_slice %arg8[%add3A_53, %dma_wait3A_395] : memref<65536x32xf32, #tpu.memory_space<hbm>> -> memref<128x32xf32, #tpu.memory_space<hbm>>
      tpu.wait_dma2 semaphore(%run_scoped3A : memref<!tpu.dma_semaphore, #tpu.memory_space<semaphore_mem>>) src(%arg15 : memref<128x32xf32, #tpu.memory_space<vmem>>) dst(%dma_wait3A_396 : memref<128x32xf32, #tpu.memory_space<hbm>>)
      tpu.yield
    }) : () -> ()
    %dma_start3A_54 = arith.constant 640 : i32
    %dma_start3A_55 = tpu.memref_slice %arg11[%dma_start3A_54] : memref<2048xi32, #tpu.memory_space<vmem>> -> memref<128xi32, #tpu.memory_space<vmem>>
    %dma_start3A_56 = arith.constant 0 : i32
    %dma_start3A_57 = arith.constant 0 : i32
    %dma_start3A_58 = tpu.memref_slice %arg2[%dma_start3A_56, %dma_start3A_57] : memref<1000000x32xf32, #tpu.memory_space<hbm>> -> memref<1000000x32xf32, #tpu.memory_space<hbm>>
    tpu.enqueue_indirect_dma source(%dma_start3A_58 : memref<1000000x32xf32, #tpu.memory_space<hbm>>) target(%arg15 : memref<128x32xf32, #tpu.memory_space<vmem>>) offsets(%dma_start3A_55 : memref<128xi32, #tpu.memory_space<vmem>>) semaphore(%arg17 : memref<!tpu.dma_semaphore, #tpu.memory_space<semaphore_mem>>)
    %dma_wait3A_59 = arith.constant 512 : i32
    %dma_wait3A_60 = tpu.memref_slice %arg11[%dma_wait3A_59] : memref<2048xi32, #tpu.memory_space<vmem>> -> memref<128xi32, #tpu.memory_space<vmem>>
    %dma_wait3A_61 = arith.constant 0 : i32
    %dma_wait3A_62 = arith.constant 0 : i32
    %dma_wait3A_63 = tpu.memref_slice %arg2[%dma_wait3A_61, %dma_wait3A_62] : memref<1000000x32xf32, #tpu.memory_space<hbm>> -> memref<1000000x32xf32, #tpu.memory_space<hbm>>
    tpu.wait_indirect_dma semaphore(%arg16 : memref<!tpu.dma_semaphore, #tpu.memory_space<semaphore_mem>>) src(%dma_wait3A_63 : memref<1000000x32xf32, #tpu.memory_space<hbm>>) dst(%arg14 : memref<128x32xf32, #tpu.memory_space<vmem>>)
    %add3A_64 = arith.constant 512 : i32
    %add3A_65 = arith.addi %mul3A_2, %add3A_64 : i32
    "tpu.region"() ({
      %run_scoped3A = tpu.sem_alloc : memref<!tpu.dma_semaphore, #tpu.memory_space<semaphore_mem>>
      %dma_start3A_389 = arith.constant 0 : i32
      %dma_start3A_390 = tpu.memref_slice %arg8[%add3A_65, %dma_start3A_389] : memref<65536x32xf32, #tpu.memory_space<hbm>> -> memref<128x32xf32, #tpu.memory_space<hbm>>
      %dma_start3A_391 = arith.constant 0 : i32
      %dma_start3A_392 = tpu.memref_slice %arg8[%add3A_65, %dma_start3A_391] : memref<65536x32xf32, #tpu.memory_space<hbm>> -> memref<128x32xf32, #tpu.memory_space<hbm>>
      tpu.enqueue_dma source(%arg14 : memref<128x32xf32, #tpu.memory_space<vmem>>) target(%dma_start3A_392 : memref<128x32xf32, #tpu.memory_space<hbm>>) target_semaphore(%run_scoped3A : memref<!tpu.dma_semaphore, #tpu.memory_space<semaphore_mem>>)
      %dma_wait3A_393 = arith.constant 0 : i32
      %dma_wait3A_394 = tpu.memref_slice %arg8[%add3A_65, %dma_wait3A_393] : memref<65536x32xf32, #tpu.memory_space<hbm>> -> memref<128x32xf32, #tpu.memory_space<hbm>>
      %dma_wait3A_395 = arith.constant 0 : i32
      %dma_wait3A_396 = tpu.memref_slice %arg8[%add3A_65, %dma_wait3A_395] : memref<65536x32xf32, #tpu.memory_space<hbm>> -> memref<128x32xf32, #tpu.memory_space<hbm>>
      tpu.wait_dma2 semaphore(%run_scoped3A : memref<!tpu.dma_semaphore, #tpu.memory_space<semaphore_mem>>) src(%arg14 : memref<128x32xf32, #tpu.memory_space<vmem>>) dst(%dma_wait3A_396 : memref<128x32xf32, #tpu.memory_space<hbm>>)
      tpu.yield
    }) : () -> ()
    %dma_start3A_66 = arith.constant 768 : i32
    %dma_start3A_67 = tpu.memref_slice %arg11[%dma_start3A_66] : memref<2048xi32, #tpu.memory_space<vmem>> -> memref<128xi32, #tpu.memory_space<vmem>>
    %dma_start3A_68 = arith.constant 0 : i32
    %dma_start3A_69 = arith.constant 0 : i32
    %dma_start3A_70 = tpu.memref_slice %arg2[%dma_start3A_68, %dma_start3A_69] : memref<1000000x32xf32, #tpu.memory_space<hbm>> -> memref<1000000x32xf32, #tpu.memory_space<hbm>>
    tpu.enqueue_indirect_dma source(%dma_start3A_70 : memref<1000000x32xf32, #tpu.memory_space<hbm>>) target(%arg14 : memref<128x32xf32, #tpu.memory_space<vmem>>) offsets(%dma_start3A_67 : memref<128xi32, #tpu.memory_space<vmem>>) semaphore(%arg16 : memref<!tpu.dma_semaphore, #tpu.memory_space<semaphore_mem>>)
    %dma_wait3A_71 = arith.constant 640 : i32
    %dma_wait3A_72 = tpu.memref_slice %arg11[%dma_wait3A_71] : memref<2048xi32, #tpu.memory_space<vmem>> -> memref<128xi32, #tpu.memory_space<vmem>>
    %dma_wait3A_73 = arith.constant 0 : i32
    %dma_wait3A_74 = arith.constant 0 : i32
    %dma_wait3A_75 = tpu.memref_slice %arg2[%dma_wait3A_73, %dma_wait3A_74] : memref<1000000x32xf32, #tpu.memory_space<hbm>> -> memref<1000000x32xf32, #tpu.memory_space<hbm>>
    tpu.wait_indirect_dma semaphore(%arg17 : memref<!tpu.dma_semaphore, #tpu.memory_space<semaphore_mem>>) src(%dma_wait3A_75 : memref<1000000x32xf32, #tpu.memory_space<hbm>>) dst(%arg15 : memref<128x32xf32, #tpu.memory_space<vmem>>)
    %add3A_76 = arith.constant 640 : i32
    %add3A_77 = arith.addi %mul3A_2, %add3A_76 : i32
    "tpu.region"() ({
      %run_scoped3A = tpu.sem_alloc : memref<!tpu.dma_semaphore, #tpu.memory_space<semaphore_mem>>
      %dma_start3A_389 = arith.constant 0 : i32
      %dma_start3A_390 = tpu.memref_slice %arg8[%add3A_77, %dma_start3A_389] : memref<65536x32xf32, #tpu.memory_space<hbm>> -> memref<128x32xf32, #tpu.memory_space<hbm>>
      %dma_start3A_391 = arith.constant 0 : i32
      %dma_start3A_392 = tpu.memref_slice %arg8[%add3A_77, %dma_start3A_391] : memref<65536x32xf32, #tpu.memory_space<hbm>> -> memref<128x32xf32, #tpu.memory_space<hbm>>
      tpu.enqueue_dma source(%arg15 : memref<128x32xf32, #tpu.memory_space<vmem>>) target(%dma_start3A_392 : memref<128x32xf32, #tpu.memory_space<hbm>>) target_semaphore(%run_scoped3A : memref<!tpu.dma_semaphore, #tpu.memory_space<semaphore_mem>>)
      %dma_wait3A_393 = arith.constant 0 : i32
      %dma_wait3A_394 = tpu.memref_slice %arg8[%add3A_77, %dma_wait3A_393] : memref<65536x32xf32, #tpu.memory_space<hbm>> -> memref<128x32xf32, #tpu.memory_space<hbm>>
      %dma_wait3A_395 = arith.constant 0 : i32
      %dma_wait3A_396 = tpu.memref_slice %arg8[%add3A_77, %dma_wait3A_395] : memref<65536x32xf32, #tpu.memory_space<hbm>> -> memref<128x32xf32, #tpu.memory_space<hbm>>
      tpu.wait_dma2 semaphore(%run_scoped3A : memref<!tpu.dma_semaphore, #tpu.memory_space<semaphore_mem>>) src(%arg15 : memref<128x32xf32, #tpu.memory_space<vmem>>) dst(%dma_wait3A_396 : memref<128x32xf32, #tpu.memory_space<hbm>>)
      tpu.yield
    }) : () -> ()
    %dma_start3A_78 = arith.constant 896 : i32
    %dma_start3A_79 = tpu.memref_slice %arg11[%dma_start3A_78] : memref<2048xi32, #tpu.memory_space<vmem>> -> memref<128xi32, #tpu.memory_space<vmem>>
    %dma_start3A_80 = arith.constant 0 : i32
    %dma_start3A_81 = arith.constant 0 : i32
    %dma_start3A_82 = tpu.memref_slice %arg2[%dma_start3A_80, %dma_start3A_81] : memref<1000000x32xf32, #tpu.memory_space<hbm>> -> memref<1000000x32xf32, #tpu.memory_space<hbm>>
    tpu.enqueue_indirect_dma source(%dma_start3A_82 : memref<1000000x32xf32, #tpu.memory_space<hbm>>) target(%arg15 : memref<128x32xf32, #tpu.memory_space<vmem>>) offsets(%dma_start3A_79 : memref<128xi32, #tpu.memory_space<vmem>>) semaphore(%arg17 : memref<!tpu.dma_semaphore, #tpu.memory_space<semaphore_mem>>)
    %dma_wait3A_83 = arith.constant 768 : i32
    %dma_wait3A_84 = tpu.memref_slice %arg11[%dma_wait3A_83] : memref<2048xi32, #tpu.memory_space<vmem>> -> memref<128xi32, #tpu.memory_space<vmem>>
    %dma_wait3A_85 = arith.constant 0 : i32
    %dma_wait3A_86 = arith.constant 0 : i32
    %dma_wait3A_87 = tpu.memref_slice %arg2[%dma_wait3A_85, %dma_wait3A_86] : memref<1000000x32xf32, #tpu.memory_space<hbm>> -> memref<1000000x32xf32, #tpu.memory_space<hbm>>
    tpu.wait_indirect_dma semaphore(%arg16 : memref<!tpu.dma_semaphore, #tpu.memory_space<semaphore_mem>>) src(%dma_wait3A_87 : memref<1000000x32xf32, #tpu.memory_space<hbm>>) dst(%arg14 : memref<128x32xf32, #tpu.memory_space<vmem>>)
    %add3A_88 = arith.constant 768 : i32
    %add3A_89 = arith.addi %mul3A_2, %add3A_88 : i32
    "tpu.region"() ({
      %run_scoped3A = tpu.sem_alloc : memref<!tpu.dma_semaphore, #tpu.memory_space<semaphore_mem>>
      %dma_start3A_389 = arith.constant 0 : i32
      %dma_start3A_390 = tpu.memref_slice %arg8[%add3A_89, %dma_start3A_389] : memref<65536x32xf32, #tpu.memory_space<hbm>> -> memref<128x32xf32, #tpu.memory_space<hbm>>
      %dma_start3A_391 = arith.constant 0 : i32
      %dma_start3A_392 = tpu.memref_slice %arg8[%add3A_89, %dma_start3A_391] : memref<65536x32xf32, #tpu.memory_space<hbm>> -> memref<128x32xf32, #tpu.memory_space<hbm>>
      tpu.enqueue_dma source(%arg14 : memref<128x32xf32, #tpu.memory_space<vmem>>) target(%dma_start3A_392 : memref<128x32xf32, #tpu.memory_space<hbm>>) target_semaphore(%run_scoped3A : memref<!tpu.dma_semaphore, #tpu.memory_space<semaphore_mem>>)
      %dma_wait3A_393 = arith.constant 0 : i32
      %dma_wait3A_394 = tpu.memref_slice %arg8[%add3A_89, %dma_wait3A_393] : memref<65536x32xf32, #tpu.memory_space<hbm>> -> memref<128x32xf32, #tpu.memory_space<hbm>>
      %dma_wait3A_395 = arith.constant 0 : i32
      %dma_wait3A_396 = tpu.memref_slice %arg8[%add3A_89, %dma_wait3A_395] : memref<65536x32xf32, #tpu.memory_space<hbm>> -> memref<128x32xf32, #tpu.memory_space<hbm>>
      tpu.wait_dma2 semaphore(%run_scoped3A : memref<!tpu.dma_semaphore, #tpu.memory_space<semaphore_mem>>) src(%arg14 : memref<128x32xf32, #tpu.memory_space<vmem>>) dst(%dma_wait3A_396 : memref<128x32xf32, #tpu.memory_space<hbm>>)
      tpu.yield
    }) : () -> ()
    %dma_start3A_90 = arith.constant 1024 : i32
    %dma_start3A_91 = tpu.memref_slice %arg11[%dma_start3A_90] : memref<2048xi32, #tpu.memory_space<vmem>> -> memref<128xi32, #tpu.memory_space<vmem>>
    %dma_start3A_92 = arith.constant 0 : i32
    %dma_start3A_93 = arith.constant 0 : i32
    %dma_start3A_94 = tpu.memref_slice %arg2[%dma_start3A_92, %dma_start3A_93] : memref<1000000x32xf32, #tpu.memory_space<hbm>> -> memref<1000000x32xf32, #tpu.memory_space<hbm>>
    tpu.enqueue_indirect_dma source(%dma_start3A_94 : memref<1000000x32xf32, #tpu.memory_space<hbm>>) target(%arg14 : memref<128x32xf32, #tpu.memory_space<vmem>>) offsets(%dma_start3A_91 : memref<128xi32, #tpu.memory_space<vmem>>) semaphore(%arg16 : memref<!tpu.dma_semaphore, #tpu.memory_space<semaphore_mem>>)
    %dma_wait3A_95 = arith.constant 896 : i32
    %dma_wait3A_96 = tpu.memref_slice %arg11[%dma_wait3A_95] : memref<2048xi32, #tpu.memory_space<vmem>> -> memref<128xi32, #tpu.memory_space<vmem>>
    %dma_wait3A_97 = arith.constant 0 : i32
    %dma_wait3A_98 = arith.constant 0 : i32
    %dma_wait3A_99 = tpu.memref_slice %arg2[%dma_wait3A_97, %dma_wait3A_98] : memref<1000000x32xf32, #tpu.memory_space<hbm>> -> memref<1000000x32xf32, #tpu.memory_space<hbm>>
    tpu.wait_indirect_dma semaphore(%arg17 : memref<!tpu.dma_semaphore, #tpu.memory_space<semaphore_mem>>) src(%dma_wait3A_99 : memref<1000000x32xf32, #tpu.memory_space<hbm>>) dst(%arg15 : memref<128x32xf32, #tpu.memory_space<vmem>>)
    %add3A_100 = arith.constant 896 : i32
    %add3A_101 = arith.addi %mul3A_2, %add3A_100 : i32
    "tpu.region"() ({
      %run_scoped3A = tpu.sem_alloc : memref<!tpu.dma_semaphore, #tpu.memory_space<semaphore_mem>>
      %dma_start3A_389 = arith.constant 0 : i32
      %dma_start3A_390 = tpu.memref_slice %arg8[%add3A_101, %dma_start3A_389] : memref<65536x32xf32, #tpu.memory_space<hbm>> -> memref<128x32xf32, #tpu.memory_space<hbm>>
      %dma_start3A_391 = arith.constant 0 : i32
      %dma_start3A_392 = tpu.memref_slice %arg8[%add3A_101, %dma_start3A_391] : memref<65536x32xf32, #tpu.memory_space<hbm>> -> memref<128x32xf32, #tpu.memory_space<hbm>>
      tpu.enqueue_dma source(%arg15 : memref<128x32xf32, #tpu.memory_space<vmem>>) target(%dma_start3A_392 : memref<128x32xf32, #tpu.memory_space<hbm>>) target_semaphore(%run_scoped3A : memref<!tpu.dma_semaphore, #tpu.memory_space<semaphore_mem>>)
      %dma_wait3A_393 = arith.constant 0 : i32
      %dma_wait3A_394 = tpu.memref_slice %arg8[%add3A_101, %dma_wait3A_393] : memref<65536x32xf32, #tpu.memory_space<hbm>> -> memref<128x32xf32, #tpu.memory_space<hbm>>
      %dma_wait3A_395 = arith.constant 0 : i32
      %dma_wait3A_396 = tpu.memref_slice %arg8[%add3A_101, %dma_wait3A_395] : memref<65536x32xf32, #tpu.memory_space<hbm>> -> memref<128x32xf32, #tpu.memory_space<hbm>>
      tpu.wait_dma2 semaphore(%run_scoped3A : memref<!tpu.dma_semaphore, #tpu.memory_space<semaphore_mem>>) src(%arg15 : memref<128x32xf32, #tpu.memory_space<vmem>>) dst(%dma_wait3A_396 : memref<128x32xf32, #tpu.memory_space<hbm>>)
      tpu.yield
    }) : () -> ()
    %dma_start3A_102 = arith.constant 1152 : i32
    %dma_start3A_103 = tpu.memref_slice %arg11[%dma_start3A_102] : memref<2048xi32, #tpu.memory_space<vmem>> -> memref<128xi32, #tpu.memory_space<vmem>>
    %dma_start3A_104 = arith.constant 0 : i32
    %dma_start3A_105 = arith.constant 0 : i32
    %dma_start3A_106 = tpu.memref_slice %arg2[%dma_start3A_104, %dma_start3A_105] : memref<1000000x32xf32, #tpu.memory_space<hbm>> -> memref<1000000x32xf32, #tpu.memory_space<hbm>>
    tpu.enqueue_indirect_dma source(%dma_start3A_106 : memref<1000000x32xf32, #tpu.memory_space<hbm>>) target(%arg15 : memref<128x32xf32, #tpu.memory_space<vmem>>) offsets(%dma_start3A_103 : memref<128xi32, #tpu.memory_space<vmem>>) semaphore(%arg17 : memref<!tpu.dma_semaphore, #tpu.memory_space<semaphore_mem>>)
    %dma_wait3A_107 = arith.constant 1024 : i32
    %dma_wait3A_108 = tpu.memref_slice %arg11[%dma_wait3A_107] : memref<2048xi32, #tpu.memory_space<vmem>> -> memref<128xi32, #tpu.memory_space<vmem>>
    %dma_wait3A_109 = arith.constant 0 : i32
    %dma_wait3A_110 = arith.constant 0 : i32
    %dma_wait3A_111 = tpu.memref_slice %arg2[%dma_wait3A_109, %dma_wait3A_110] : memref<1000000x32xf32, #tpu.memory_space<hbm>> -> memref<1000000x32xf32, #tpu.memory_space<hbm>>
    tpu.wait_indirect_dma semaphore(%arg16 : memref<!tpu.dma_semaphore, #tpu.memory_space<semaphore_mem>>) src(%dma_wait3A_111 : memref<1000000x32xf32, #tpu.memory_space<hbm>>) dst(%arg14 : memref<128x32xf32, #tpu.memory_space<vmem>>)
    %add3A_112 = arith.constant 1024 : i32
    %add3A_113 = arith.addi %mul3A_2, %add3A_112 : i32
    "tpu.region"() ({
      %run_scoped3A = tpu.sem_alloc : memref<!tpu.dma_semaphore, #tpu.memory_space<semaphore_mem>>
      %dma_start3A_389 = arith.constant 0 : i32
      %dma_start3A_390 = tpu.memref_slice %arg8[%add3A_113, %dma_start3A_389] : memref<65536x32xf32, #tpu.memory_space<hbm>> -> memref<128x32xf32, #tpu.memory_space<hbm>>
      %dma_start3A_391 = arith.constant 0 : i32
      %dma_start3A_392 = tpu.memref_slice %arg8[%add3A_113, %dma_start3A_391] : memref<65536x32xf32, #tpu.memory_space<hbm>> -> memref<128x32xf32, #tpu.memory_space<hbm>>
      tpu.enqueue_dma source(%arg14 : memref<128x32xf32, #tpu.memory_space<vmem>>) target(%dma_start3A_392 : memref<128x32xf32, #tpu.memory_space<hbm>>) target_semaphore(%run_scoped3A : memref<!tpu.dma_semaphore, #tpu.memory_space<semaphore_mem>>)
      %dma_wait3A_393 = arith.constant 0 : i32
      %dma_wait3A_394 = tpu.memref_slice %arg8[%add3A_113, %dma_wait3A_393] : memref<65536x32xf32, #tpu.memory_space<hbm>> -> memref<128x32xf32, #tpu.memory_space<hbm>>
      %dma_wait3A_395 = arith.constant 0 : i32
      %dma_wait3A_396 = tpu.memref_slice %arg8[%add3A_113, %dma_wait3A_395] : memref<65536x32xf32, #tpu.memory_space<hbm>> -> memref<128x32xf32, #tpu.memory_space<hbm>>
      tpu.wait_dma2 semaphore(%run_scoped3A : memref<!tpu.dma_semaphore, #tpu.memory_space<semaphore_mem>>) src(%arg14 : memref<128x32xf32, #tpu.memory_space<vmem>>) dst(%dma_wait3A_396 : memref<128x32xf32, #tpu.memory_space<hbm>>)
      tpu.yield
    }) : () -> ()
    %dma_start3A_114 = arith.constant 1280 : i32
    %dma_start3A_115 = tpu.memref_slice %arg11[%dma_start3A_114] : memref<2048xi32, #tpu.memory_space<vmem>> -> memref<128xi32, #tpu.memory_space<vmem>>
    %dma_start3A_116 = arith.constant 0 : i32
    %dma_start3A_117 = arith.constant 0 : i32
    %dma_start3A_118 = tpu.memref_slice %arg2[%dma_start3A_116, %dma_start3A_117] : memref<1000000x32xf32, #tpu.memory_space<hbm>> -> memref<1000000x32xf32, #tpu.memory_space<hbm>>
    tpu.enqueue_indirect_dma source(%dma_start3A_118 : memref<1000000x32xf32, #tpu.memory_space<hbm>>) target(%arg14 : memref<128x32xf32, #tpu.memory_space<vmem>>) offsets(%dma_start3A_115 : memref<128xi32, #tpu.memory_space<vmem>>) semaphore(%arg16 : memref<!tpu.dma_semaphore, #tpu.memory_space<semaphore_mem>>)
    %dma_wait3A_119 = arith.constant 1152 : i32
    %dma_wait3A_120 = tpu.memref_slice %arg11[%dma_wait3A_119] : memref<2048xi32, #tpu.memory_space<vmem>> -> memref<128xi32, #tpu.memory_space<vmem>>
    %dma_wait3A_121 = arith.constant 0 : i32
    %dma_wait3A_122 = arith.constant 0 : i32
    %dma_wait3A_123 = tpu.memref_slice %arg2[%dma_wait3A_121, %dma_wait3A_122] : memref<1000000x32xf32, #tpu.memory_space<hbm>> -> memref<1000000x32xf32, #tpu.memory_space<hbm>>
    tpu.wait_indirect_dma semaphore(%arg17 : memref<!tpu.dma_semaphore, #tpu.memory_space<semaphore_mem>>) src(%dma_wait3A_123 : memref<1000000x32xf32, #tpu.memory_space<hbm>>) dst(%arg15 : memref<128x32xf32, #tpu.memory_space<vmem>>)
    %add3A_124 = arith.constant 1152 : i32
    %add3A_125 = arith.addi %mul3A_2, %add3A_124 : i32
    "tpu.region"() ({
      %run_scoped3A = tpu.sem_alloc : memref<!tpu.dma_semaphore, #tpu.memory_space<semaphore_mem>>
      %dma_start3A_389 = arith.constant 0 : i32
      %dma_start3A_390 = tpu.memref_slice %arg8[%add3A_125, %dma_start3A_389] : memref<65536x32xf32, #tpu.memory_space<hbm>> -> memref<128x32xf32, #tpu.memory_space<hbm>>
      %dma_start3A_391 = arith.constant 0 : i32
      %dma_start3A_392 = tpu.memref_slice %arg8[%add3A_125, %dma_start3A_391] : memref<65536x32xf32, #tpu.memory_space<hbm>> -> memref<128x32xf32, #tpu.memory_space<hbm>>
      tpu.enqueue_dma source(%arg15 : memref<128x32xf32, #tpu.memory_space<vmem>>) target(%dma_start3A_392 : memref<128x32xf32, #tpu.memory_space<hbm>>) target_semaphore(%run_scoped3A : memref<!tpu.dma_semaphore, #tpu.memory_space<semaphore_mem>>)
      %dma_wait3A_393 = arith.constant 0 : i32
      %dma_wait3A_394 = tpu.memref_slice %arg8[%add3A_125, %dma_wait3A_393] : memref<65536x32xf32, #tpu.memory_space<hbm>> -> memref<128x32xf32, #tpu.memory_space<hbm>>
      %dma_wait3A_395 = arith.constant 0 : i32
      %dma_wait3A_396 = tpu.memref_slice %arg8[%add3A_125, %dma_wait3A_395] : memref<65536x32xf32, #tpu.memory_space<hbm>> -> memref<128x32xf32, #tpu.memory_space<hbm>>
      tpu.wait_dma2 semaphore(%run_scoped3A : memref<!tpu.dma_semaphore, #tpu.memory_space<semaphore_mem>>) src(%arg15 : memref<128x32xf32, #tpu.memory_space<vmem>>) dst(%dma_wait3A_396 : memref<128x32xf32, #tpu.memory_space<hbm>>)
      tpu.yield
    }) : () -> ()
    %dma_start3A_126 = arith.constant 1408 : i32
    %dma_start3A_127 = tpu.memref_slice %arg11[%dma_start3A_126] : memref<2048xi32, #tpu.memory_space<vmem>> -> memref<128xi32, #tpu.memory_space<vmem>>
    %dma_start3A_128 = arith.constant 0 : i32
    %dma_start3A_129 = arith.constant 0 : i32
    %dma_start3A_130 = tpu.memref_slice %arg2[%dma_start3A_128, %dma_start3A_129] : memref<1000000x32xf32, #tpu.memory_space<hbm>> -> memref<1000000x32xf32, #tpu.memory_space<hbm>>
    tpu.enqueue_indirect_dma source(%dma_start3A_130 : memref<1000000x32xf32, #tpu.memory_space<hbm>>) target(%arg15 : memref<128x32xf32, #tpu.memory_space<vmem>>) offsets(%dma_start3A_127 : memref<128xi32, #tpu.memory_space<vmem>>) semaphore(%arg17 : memref<!tpu.dma_semaphore, #tpu.memory_space<semaphore_mem>>)
    %dma_wait3A_131 = arith.constant 1280 : i32
    %dma_wait3A_132 = tpu.memref_slice %arg11[%dma_wait3A_131] : memref<2048xi32, #tpu.memory_space<vmem>> -> memref<128xi32, #tpu.memory_space<vmem>>
    %dma_wait3A_133 = arith.constant 0 : i32
    %dma_wait3A_134 = arith.constant 0 : i32
    %dma_wait3A_135 = tpu.memref_slice %arg2[%dma_wait3A_133, %dma_wait3A_134] : memref<1000000x32xf32, #tpu.memory_space<hbm>> -> memref<1000000x32xf32, #tpu.memory_space<hbm>>
    tpu.wait_indirect_dma semaphore(%arg16 : memref<!tpu.dma_semaphore, #tpu.memory_space<semaphore_mem>>) src(%dma_wait3A_135 : memref<1000000x32xf32, #tpu.memory_space<hbm>>) dst(%arg14 : memref<128x32xf32, #tpu.memory_space<vmem>>)
    %add3A_136 = arith.constant 1280 : i32
    %add3A_137 = arith.addi %mul3A_2, %add3A_136 : i32
    "tpu.region"() ({
      %run_scoped3A = tpu.sem_alloc : memref<!tpu.dma_semaphore, #tpu.memory_space<semaphore_mem>>
      %dma_start3A_389 = arith.constant 0 : i32
      %dma_start3A_390 = tpu.memref_slice %arg8[%add3A_137, %dma_start3A_389] : memref<65536x32xf32, #tpu.memory_space<hbm>> -> memref<128x32xf32, #tpu.memory_space<hbm>>
      %dma_start3A_391 = arith.constant 0 : i32
      %dma_start3A_392 = tpu.memref_slice %arg8[%add3A_137, %dma_start3A_391] : memref<65536x32xf32, #tpu.memory_space<hbm>> -> memref<128x32xf32, #tpu.memory_space<hbm>>
      tpu.enqueue_dma source(%arg14 : memref<128x32xf32, #tpu.memory_space<vmem>>) target(%dma_start3A_392 : memref<128x32xf32, #tpu.memory_space<hbm>>) target_semaphore(%run_scoped3A : memref<!tpu.dma_semaphore, #tpu.memory_space<semaphore_mem>>)
      %dma_wait3A_393 = arith.constant 0 : i32
      %dma_wait3A_394 = tpu.memref_slice %arg8[%add3A_137, %dma_wait3A_393] : memref<65536x32xf32, #tpu.memory_space<hbm>> -> memref<128x32xf32, #tpu.memory_space<hbm>>
      %dma_wait3A_395 = arith.constant 0 : i32
      %dma_wait3A_396 = tpu.memref_slice %arg8[%add3A_137, %dma_wait3A_395] : memref<65536x32xf32, #tpu.memory_space<hbm>> -> memref<128x32xf32, #tpu.memory_space<hbm>>
      tpu.wait_dma2 semaphore(%run_scoped3A : memref<!tpu.dma_semaphore, #tpu.memory_space<semaphore_mem>>) src(%arg14 : memref<128x32xf32, #tpu.memory_space<vmem>>) dst(%dma_wait3A_396 : memref<128x32xf32, #tpu.memory_space<hbm>>)
      tpu.yield
    }) : () -> ()
    %dma_start3A_138 = arith.constant 1536 : i32
    %dma_start3A_139 = tpu.memref_slice %arg11[%dma_start3A_138] : memref<2048xi32, #tpu.memory_space<vmem>> -> memref<128xi32, #tpu.memory_space<vmem>>
    %dma_start3A_140 = arith.constant 0 : i32
    %dma_start3A_141 = arith.constant 0 : i32
    %dma_start3A_142 = tpu.memref_slice %arg2[%dma_start3A_140, %dma_start3A_141] : memref<1000000x32xf32, #tpu.memory_space<hbm>> -> memref<1000000x32xf32, #tpu.memory_space<hbm>>
    tpu.enqueue_indirect_dma source(%dma_start3A_142 : memref<1000000x32xf32, #tpu.memory_space<hbm>>) target(%arg14 : memref<128x32xf32, #tpu.memory_space<vmem>>) offsets(%dma_start3A_139 : memref<128xi32, #tpu.memory_space<vmem>>) semaphore(%arg16 : memref<!tpu.dma_semaphore, #tpu.memory_space<semaphore_mem>>)
    %dma_wait3A_143 = arith.constant 1408 : i32
    %dma_wait3A_144 = tpu.memref_slice %arg11[%dma_wait3A_143] : memref<2048xi32, #tpu.memory_space<vmem>> -> memref<128xi32, #tpu.memory_space<vmem>>
    %dma_wait3A_145 = arith.constant 0 : i32
    %dma_wait3A_146 = arith.constant 0 : i32
    %dma_wait3A_147 = tpu.memref_slice %arg2[%dma_wait3A_145, %dma_wait3A_146] : memref<1000000x32xf32, #tpu.memory_space<hbm>> -> memref<1000000x32xf32, #tpu.memory_space<hbm>>
    tpu.wait_indirect_dma semaphore(%arg17 : memref<!tpu.dma_semaphore, #tpu.memory_space<semaphore_mem>>) src(%dma_wait3A_147 : memref<1000000x32xf32, #tpu.memory_space<hbm>>) dst(%arg15 : memref<128x32xf32, #tpu.memory_space<vmem>>)
    %add3A_148 = arith.constant 1408 : i32
    %add3A_149 = arith.addi %mul3A_2, %add3A_148 : i32
    "tpu.region"() ({
      %run_scoped3A = tpu.sem_alloc : memref<!tpu.dma_semaphore, #tpu.memory_space<semaphore_mem>>
      %dma_start3A_389 = arith.constant 0 : i32
      %dma_start3A_390 = tpu.memref_slice %arg8[%add3A_149, %dma_start3A_389] : memref<65536x32xf32, #tpu.memory_space<hbm>> -> memref<128x32xf32, #tpu.memory_space<hbm>>
      %dma_start3A_391 = arith.constant 0 : i32
      %dma_start3A_392 = tpu.memref_slice %arg8[%add3A_149, %dma_start3A_391] : memref<65536x32xf32, #tpu.memory_space<hbm>> -> memref<128x32xf32, #tpu.memory_space<hbm>>
      tpu.enqueue_dma source(%arg15 : memref<128x32xf32, #tpu.memory_space<vmem>>) target(%dma_start3A_392 : memref<128x32xf32, #tpu.memory_space<hbm>>) target_semaphore(%run_scoped3A : memref<!tpu.dma_semaphore, #tpu.memory_space<semaphore_mem>>)
      %dma_wait3A_393 = arith.constant 0 : i32
      %dma_wait3A_394 = tpu.memref_slice %arg8[%add3A_149, %dma_wait3A_393] : memref<65536x32xf32, #tpu.memory_space<hbm>> -> memref<128x32xf32, #tpu.memory_space<hbm>>
      %dma_wait3A_395 = arith.constant 0 : i32
      %dma_wait3A_396 = tpu.memref_slice %arg8[%add3A_149, %dma_wait3A_395] : memref<65536x32xf32, #tpu.memory_space<hbm>> -> memref<128x32xf32, #tpu.memory_space<hbm>>
      tpu.wait_dma2 semaphore(%run_scoped3A : memref<!tpu.dma_semaphore, #tpu.memory_space<semaphore_mem>>) src(%arg15 : memref<128x32xf32, #tpu.memory_space<vmem>>) dst(%dma_wait3A_396 : memref<128x32xf32, #tpu.memory_space<hbm>>)
      tpu.yield
    }) : () -> ()
    %dma_start3A_150 = arith.constant 1664 : i32
    %dma_start3A_151 = tpu.memref_slice %arg11[%dma_start3A_150] : memref<2048xi32, #tpu.memory_space<vmem>> -> memref<128xi32, #tpu.memory_space<vmem>>
    %dma_start3A_152 = arith.constant 0 : i32
    %dma_start3A_153 = arith.constant 0 : i32
    %dma_start3A_154 = tpu.memref_slice %arg2[%dma_start3A_152, %dma_start3A_153] : memref<1000000x32xf32, #tpu.memory_space<hbm>> -> memref<1000000x32xf32, #tpu.memory_space<hbm>>
    tpu.enqueue_indirect_dma source(%dma_start3A_154 : memref<1000000x32xf32, #tpu.memory_space<hbm>>) target(%arg15 : memref<128x32xf32, #tpu.memory_space<vmem>>) offsets(%dma_start3A_151 : memref<128xi32, #tpu.memory_space<vmem>>) semaphore(%arg17 : memref<!tpu.dma_semaphore, #tpu.memory_space<semaphore_mem>>)
    %dma_wait3A_155 = arith.constant 1536 : i32
    %dma_wait3A_156 = tpu.memref_slice %arg11[%dma_wait3A_155] : memref<2048xi32, #tpu.memory_space<vmem>> -> memref<128xi32, #tpu.memory_space<vmem>>
    %dma_wait3A_157 = arith.constant 0 : i32
    %dma_wait3A_158 = arith.constant 0 : i32
    %dma_wait3A_159 = tpu.memref_slice %arg2[%dma_wait3A_157, %dma_wait3A_158] : memref<1000000x32xf32, #tpu.memory_space<hbm>> -> memref<1000000x32xf32, #tpu.memory_space<hbm>>
    tpu.wait_indirect_dma semaphore(%arg16 : memref<!tpu.dma_semaphore, #tpu.memory_space<semaphore_mem>>) src(%dma_wait3A_159 : memref<1000000x32xf32, #tpu.memory_space<hbm>>) dst(%arg14 : memref<128x32xf32, #tpu.memory_space<vmem>>)
    %add3A_160 = arith.constant 1536 : i32
    %add3A_161 = arith.addi %mul3A_2, %add3A_160 : i32
    "tpu.region"() ({
      %run_scoped3A = tpu.sem_alloc : memref<!tpu.dma_semaphore, #tpu.memory_space<semaphore_mem>>
      %dma_start3A_389 = arith.constant 0 : i32
      %dma_start3A_390 = tpu.memref_slice %arg8[%add3A_161, %dma_start3A_389] : memref<65536x32xf32, #tpu.memory_space<hbm>> -> memref<128x32xf32, #tpu.memory_space<hbm>>
      %dma_start3A_391 = arith.constant 0 : i32
      %dma_start3A_392 = tpu.memref_slice %arg8[%add3A_161, %dma_start3A_391] : memref<65536x32xf32, #tpu.memory_space<hbm>> -> memref<128x32xf32, #tpu.memory_space<hbm>>
      tpu.enqueue_dma source(%arg14 : memref<128x32xf32, #tpu.memory_space<vmem>>) target(%dma_start3A_392 : memref<128x32xf32, #tpu.memory_space<hbm>>) target_semaphore(%run_scoped3A : memref<!tpu.dma_semaphore, #tpu.memory_space<semaphore_mem>>)
      %dma_wait3A_393 = arith.constant 0 : i32
      %dma_wait3A_394 = tpu.memref_slice %arg8[%add3A_161, %dma_wait3A_393] : memref<65536x32xf32, #tpu.memory_space<hbm>> -> memref<128x32xf32, #tpu.memory_space<hbm>>
      %dma_wait3A_395 = arith.constant 0 : i32
      %dma_wait3A_396 = tpu.memref_slice %arg8[%add3A_161, %dma_wait3A_395] : memref<65536x32xf32, #tpu.memory_space<hbm>> -> memref<128x32xf32, #tpu.memory_space<hbm>>
      tpu.wait_dma2 semaphore(%run_scoped3A : memref<!tpu.dma_semaphore, #tpu.memory_space<semaphore_mem>>) src(%arg14 : memref<128x32xf32, #tpu.memory_space<vmem>>) dst(%dma_wait3A_396 : memref<128x32xf32, #tpu.memory_space<hbm>>)
      tpu.yield
    }) : () -> ()
    %dma_start3A_162 = arith.constant 1792 : i32
    %dma_start3A_163 = tpu.memref_slice %arg11[%dma_start3A_162] : memref<2048xi32, #tpu.memory_space<vmem>> -> memref<128xi32, #tpu.memory_space<vmem>>
    %dma_start3A_164 = arith.constant 0 : i32
    %dma_start3A_165 = arith.constant 0 : i32
    %dma_start3A_166 = tpu.memref_slice %arg2[%dma_start3A_164, %dma_start3A_165] : memref<1000000x32xf32, #tpu.memory_space<hbm>> -> memref<1000000x32xf32, #tpu.memory_space<hbm>>
    tpu.enqueue_indirect_dma source(%dma_start3A_166 : memref<1000000x32xf32, #tpu.memory_space<hbm>>) target(%arg14 : memref<128x32xf32, #tpu.memory_space<vmem>>) offsets(%dma_start3A_163 : memref<128xi32, #tpu.memory_space<vmem>>) semaphore(%arg16 : memref<!tpu.dma_semaphore, #tpu.memory_space<semaphore_mem>>)
    %dma_wait3A_167 = arith.constant 1664 : i32
    %dma_wait3A_168 = tpu.memref_slice %arg11[%dma_wait3A_167] : memref<2048xi32, #tpu.memory_space<vmem>> -> memref<128xi32, #tpu.memory_space<vmem>>
    %dma_wait3A_169 = arith.constant 0 : i32
    %dma_wait3A_170 = arith.constant 0 : i32
    %dma_wait3A_171 = tpu.memref_slice %arg2[%dma_wait3A_169, %dma_wait3A_170] : memref<1000000x32xf32, #tpu.memory_space<hbm>> -> memref<1000000x32xf32, #tpu.memory_space<hbm>>
    tpu.wait_indirect_dma semaphore(%arg17 : memref<!tpu.dma_semaphore, #tpu.memory_space<semaphore_mem>>) src(%dma_wait3A_171 : memref<1000000x32xf32, #tpu.memory_space<hbm>>) dst(%arg15 : memref<128x32xf32, #tpu.memory_space<vmem>>)
    %add3A_172 = arith.constant 1664 : i32
    %add3A_173 = arith.addi %mul3A_2, %add3A_172 : i32
    "tpu.region"() ({
      %run_scoped3A = tpu.sem_alloc : memref<!tpu.dma_semaphore, #tpu.memory_space<semaphore_mem>>
      %dma_start3A_389 = arith.constant 0 : i32
      %dma_start3A_390 = tpu.memref_slice %arg8[%add3A_173, %dma_start3A_389] : memref<65536x32xf32, #tpu.memory_space<hbm>> -> memref<128x32xf32, #tpu.memory_space<hbm>>
      %dma_start3A_391 = arith.constant 0 : i32
      %dma_start3A_392 = tpu.memref_slice %arg8[%add3A_173, %dma_start3A_391] : memref<65536x32xf32, #tpu.memory_space<hbm>> -> memref<128x32xf32, #tpu.memory_space<hbm>>
      tpu.enqueue_dma source(%arg15 : memref<128x32xf32, #tpu.memory_space<vmem>>) target(%dma_start3A_392 : memref<128x32xf32, #tpu.memory_space<hbm>>) target_semaphore(%run_scoped3A : memref<!tpu.dma_semaphore, #tpu.memory_space<semaphore_mem>>)
      %dma_wait3A_393 = arith.constant 0 : i32
      %dma_wait3A_394 = tpu.memref_slice %arg8[%add3A_173, %dma_wait3A_393] : memref<65536x32xf32, #tpu.memory_space<hbm>> -> memref<128x32xf32, #tpu.memory_space<hbm>>
      %dma_wait3A_395 = arith.constant 0 : i32
      %dma_wait3A_396 = tpu.memref_slice %arg8[%add3A_173, %dma_wait3A_395] : memref<65536x32xf32, #tpu.memory_space<hbm>> -> memref<128x32xf32, #tpu.memory_space<hbm>>
      tpu.wait_dma2 semaphore(%run_scoped3A : memref<!tpu.dma_semaphore, #tpu.memory_space<semaphore_mem>>) src(%arg15 : memref<128x32xf32, #tpu.memory_space<vmem>>) dst(%dma_wait3A_396 : memref<128x32xf32, #tpu.memory_space<hbm>>)
      tpu.yield
    }) : () -> ()
    %dma_start3A_174 = arith.constant 1920 : i32
    %dma_start3A_175 = tpu.memref_slice %arg11[%dma_start3A_174] : memref<2048xi32, #tpu.memory_space<vmem>> -> memref<128xi32, #tpu.memory_space<vmem>>
    %dma_start3A_176 = arith.constant 0 : i32
    %dma_start3A_177 = arith.constant 0 : i32
    %dma_start3A_178 = tpu.memref_slice %arg2[%dma_start3A_176, %dma_start3A_177] : memref<1000000x32xf32, #tpu.memory_space<hbm>> -> memref<1000000x32xf32, #tpu.memory_space<hbm>>
    tpu.enqueue_indirect_dma source(%dma_start3A_178 : memref<1000000x32xf32, #tpu.memory_space<hbm>>) target(%arg15 : memref<128x32xf32, #tpu.memory_space<vmem>>) offsets(%dma_start3A_175 : memref<128xi32, #tpu.memory_space<vmem>>) semaphore(%arg17 : memref<!tpu.dma_semaphore, #tpu.memory_space<semaphore_mem>>)
    %dma_wait3A_179 = arith.constant 1792 : i32
    %dma_wait3A_180 = tpu.memref_slice %arg11[%dma_wait3A_179] : memref<2048xi32, #tpu.memory_space<vmem>> -> memref<128xi32, #tpu.memory_space<vmem>>
    %dma_wait3A_181 = arith.constant 0 : i32
    %dma_wait3A_182 = arith.constant 0 : i32
    %dma_wait3A_183 = tpu.memref_slice %arg2[%dma_wait3A_181, %dma_wait3A_182] : memref<1000000x32xf32, #tpu.memory_space<hbm>> -> memref<1000000x32xf32, #tpu.memory_space<hbm>>
    tpu.wait_indirect_dma semaphore(%arg16 : memref<!tpu.dma_semaphore, #tpu.memory_space<semaphore_mem>>) src(%dma_wait3A_183 : memref<1000000x32xf32, #tpu.memory_space<hbm>>) dst(%arg14 : memref<128x32xf32, #tpu.memory_space<vmem>>)
    %add3A_184 = arith.constant 1792 : i32
    %add3A_185 = arith.addi %mul3A_2, %add3A_184 : i32
    "tpu.region"() ({
      %run_scoped3A = tpu.sem_alloc : memref<!tpu.dma_semaphore, #tpu.memory_space<semaphore_mem>>
      %dma_start3A_389 = arith.constant 0 : i32
      %dma_start3A_390 = tpu.memref_slice %arg8[%add3A_185, %dma_start3A_389] : memref<65536x32xf32, #tpu.memory_space<hbm>> -> memref<128x32xf32, #tpu.memory_space<hbm>>
      %dma_start3A_391 = arith.constant 0 : i32
      %dma_start3A_392 = tpu.memref_slice %arg8[%add3A_185, %dma_start3A_391] : memref<65536x32xf32, #tpu.memory_space<hbm>> -> memref<128x32xf32, #tpu.memory_space<hbm>>
      tpu.enqueue_dma source(%arg14 : memref<128x32xf32, #tpu.memory_space<vmem>>) target(%dma_start3A_392 : memref<128x32xf32, #tpu.memory_space<hbm>>) target_semaphore(%run_scoped3A : memref<!tpu.dma_semaphore, #tpu.memory_space<semaphore_mem>>)
      %dma_wait3A_393 = arith.constant 0 : i32
      %dma_wait3A_394 = tpu.memref_slice %arg8[%add3A_185, %dma_wait3A_393] : memref<65536x32xf32, #tpu.memory_space<hbm>> -> memref<128x32xf32, #tpu.memory_space<hbm>>
      %dma_wait3A_395 = arith.constant 0 : i32
      %dma_wait3A_396 = tpu.memref_slice %arg8[%add3A_185, %dma_wait3A_395] : memref<65536x32xf32, #tpu.memory_space<hbm>> -> memref<128x32xf32, #tpu.memory_space<hbm>>
      tpu.wait_dma2 semaphore(%run_scoped3A : memref<!tpu.dma_semaphore, #tpu.memory_space<semaphore_mem>>) src(%arg14 : memref<128x32xf32, #tpu.memory_space<vmem>>) dst(%dma_wait3A_396 : memref<128x32xf32, #tpu.memory_space<hbm>>)
      tpu.yield
    }) : () -> ()
    %dma_wait3A_186 = arith.constant 1920 : i32
    %dma_wait3A_187 = tpu.memref_slice %arg11[%dma_wait3A_186] : memref<2048xi32, #tpu.memory_space<vmem>> -> memref<128xi32, #tpu.memory_space<vmem>>
    %dma_wait3A_188 = arith.constant 0 : i32
    %dma_wait3A_189 = arith.constant 0 : i32
    %dma_wait3A_190 = tpu.memref_slice %arg2[%dma_wait3A_188, %dma_wait3A_189] : memref<1000000x32xf32, #tpu.memory_space<hbm>> -> memref<1000000x32xf32, #tpu.memory_space<hbm>>
    tpu.wait_indirect_dma semaphore(%arg17 : memref<!tpu.dma_semaphore, #tpu.memory_space<semaphore_mem>>) src(%dma_wait3A_190 : memref<1000000x32xf32, #tpu.memory_space<hbm>>) dst(%arg15 : memref<128x32xf32, #tpu.memory_space<vmem>>)
    %add3A_191 = arith.constant 1920 : i32
    %add3A_192 = arith.addi %mul3A_2, %add3A_191 : i32
    "tpu.region"() ({
      %run_scoped3A = tpu.sem_alloc : memref<!tpu.dma_semaphore, #tpu.memory_space<semaphore_mem>>
      %dma_start3A_389 = arith.constant 0 : i32
      %dma_start3A_390 = tpu.memref_slice %arg8[%add3A_192, %dma_start3A_389] : memref<65536x32xf32, #tpu.memory_space<hbm>> -> memref<128x32xf32, #tpu.memory_space<hbm>>
      %dma_start3A_391 = arith.constant 0 : i32
      %dma_start3A_392 = tpu.memref_slice %arg8[%add3A_192, %dma_start3A_391] : memref<65536x32xf32, #tpu.memory_space<hbm>> -> memref<128x32xf32, #tpu.memory_space<hbm>>
      tpu.enqueue_dma source(%arg15 : memref<128x32xf32, #tpu.memory_space<vmem>>) target(%dma_start3A_392 : memref<128x32xf32, #tpu.memory_space<hbm>>) target_semaphore(%run_scoped3A : memref<!tpu.dma_semaphore, #tpu.memory_space<semaphore_mem>>)
      %dma_wait3A_393 = arith.constant 0 : i32
      %dma_wait3A_394 = tpu.memref_slice %arg8[%add3A_192, %dma_wait3A_393] : memref<65536x32xf32, #tpu.memory_space<hbm>> -> memref<128x32xf32, #tpu.memory_space<hbm>>
      %dma_wait3A_395 = arith.constant 0 : i32
      %dma_wait3A_396 = tpu.memref_slice %arg8[%add3A_192, %dma_wait3A_395] : memref<65536x32xf32, #tpu.memory_space<hbm>> -> memref<128x32xf32, #tpu.memory_space<hbm>>
      tpu.wait_dma2 semaphore(%run_scoped3A : memref<!tpu.dma_semaphore, #tpu.memory_space<semaphore_mem>>) src(%arg15 : memref<128x32xf32, #tpu.memory_space<vmem>>) dst(%dma_wait3A_396 : memref<128x32xf32, #tpu.memory_space<hbm>>)
      tpu.yield
    }) : () -> ()
    %mul3A_193 = arith.constant 1536 : i32
    %mul3A_194 = arith.muli %add3A, %mul3A_193 : i32
    "tpu.region"() ({
      %run_scoped3A = tpu.sem_alloc : memref<!tpu.dma_semaphore, #tpu.memory_space<semaphore_mem>>
      %dma_start3A_389 = tpu.memref_slice %arg6[%mul3A_194] : memref<49152xi32, #tpu.memory_space<hbm>> -> memref<1536xi32, #tpu.memory_space<hbm>>
      %dma_start3A_390 = tpu.memref_slice %arg6[%mul3A_194] : memref<49152xi32, #tpu.memory_space<hbm>> -> memref<1536xi32, #tpu.memory_space<hbm>>
      tpu.enqueue_dma source(%dma_start3A_390 : memref<1536xi32, #tpu.memory_space<hbm>>) target(%arg12 : memref<1536xi32, #tpu.memory_space<vmem>>) target_semaphore(%run_scoped3A : memref<!tpu.dma_semaphore, #tpu.memory_space<semaphore_mem>>)
      %dma_wait3A_391 = tpu.memref_slice %arg6[%mul3A_194] : memref<49152xi32, #tpu.memory_space<hbm>> -> memref<1536xi32, #tpu.memory_space<hbm>>
      %dma_wait3A_392 = tpu.memref_slice %arg6[%mul3A_194] : memref<49152xi32, #tpu.memory_space<hbm>> -> memref<1536xi32, #tpu.memory_space<hbm>>
      tpu.wait_dma2 semaphore(%run_scoped3A : memref<!tpu.dma_semaphore, #tpu.memory_space<semaphore_mem>>) src(%dma_wait3A_392 : memref<1536xi32, #tpu.memory_space<hbm>>) dst(%arg12 : memref<1536xi32, #tpu.memory_space<vmem>>)
      tpu.yield
    }) : () -> ()
    %dma_start3A_195 = arith.constant 0 : i32
    %dma_start3A_196 = tpu.memref_slice %arg12[%dma_start3A_195] : memref<1536xi32, #tpu.memory_space<vmem>> -> memref<128xi32, #tpu.memory_space<vmem>>
    %dma_start3A_197 = arith.constant 0 : i32
    %dma_start3A_198 = arith.constant 0 : i32
    %dma_start3A_199 = tpu.memref_slice %arg3[%dma_start3A_197, %dma_start3A_198] : memref<1000000x32xf32, #tpu.memory_space<hbm>> -> memref<1000000x32xf32, #tpu.memory_space<hbm>>
    tpu.enqueue_indirect_dma source(%dma_start3A_199 : memref<1000000x32xf32, #tpu.memory_space<hbm>>) target(%arg14 : memref<128x32xf32, #tpu.memory_space<vmem>>) offsets(%dma_start3A_196 : memref<128xi32, #tpu.memory_space<vmem>>) semaphore(%arg16 : memref<!tpu.dma_semaphore, #tpu.memory_space<semaphore_mem>>)
    %dma_start3A_200 = arith.constant 128 : i32
    %dma_start3A_201 = tpu.memref_slice %arg12[%dma_start3A_200] : memref<1536xi32, #tpu.memory_space<vmem>> -> memref<128xi32, #tpu.memory_space<vmem>>
    %dma_start3A_202 = arith.constant 0 : i32
    %dma_start3A_203 = arith.constant 0 : i32
    %dma_start3A_204 = tpu.memref_slice %arg3[%dma_start3A_202, %dma_start3A_203] : memref<1000000x32xf32, #tpu.memory_space<hbm>> -> memref<1000000x32xf32, #tpu.memory_space<hbm>>
    tpu.enqueue_indirect_dma source(%dma_start3A_204 : memref<1000000x32xf32, #tpu.memory_space<hbm>>) target(%arg15 : memref<128x32xf32, #tpu.memory_space<vmem>>) offsets(%dma_start3A_201 : memref<128xi32, #tpu.memory_space<vmem>>) semaphore(%arg17 : memref<!tpu.dma_semaphore, #tpu.memory_space<semaphore_mem>>)
    %dma_wait3A_205 = arith.constant 0 : i32
    %dma_wait3A_206 = tpu.memref_slice %arg12[%dma_wait3A_205] : memref<1536xi32, #tpu.memory_space<vmem>> -> memref<128xi32, #tpu.memory_space<vmem>>
    %dma_wait3A_207 = arith.constant 0 : i32
    %dma_wait3A_208 = arith.constant 0 : i32
    %dma_wait3A_209 = tpu.memref_slice %arg3[%dma_wait3A_207, %dma_wait3A_208] : memref<1000000x32xf32, #tpu.memory_space<hbm>> -> memref<1000000x32xf32, #tpu.memory_space<hbm>>
    tpu.wait_indirect_dma semaphore(%arg16 : memref<!tpu.dma_semaphore, #tpu.memory_space<semaphore_mem>>) src(%dma_wait3A_209 : memref<1000000x32xf32, #tpu.memory_space<hbm>>) dst(%arg14 : memref<128x32xf32, #tpu.memory_space<vmem>>)
    %add3A_210 = arith.constant 0 : i32
    %add3A_211 = arith.addi %mul3A_194, %add3A_210 : i32
    "tpu.region"() ({
      %run_scoped3A = tpu.sem_alloc : memref<!tpu.dma_semaphore, #tpu.memory_space<semaphore_mem>>
      %dma_start3A_389 = arith.constant 0 : i32
      %dma_start3A_390 = tpu.memref_slice %arg9[%add3A_211, %dma_start3A_389] : memref<49152x32xf32, #tpu.memory_space<hbm>> -> memref<128x32xf32, #tpu.memory_space<hbm>>
      %dma_start3A_391 = arith.constant 0 : i32
      %dma_start3A_392 = tpu.memref_slice %arg9[%add3A_211, %dma_start3A_391] : memref<49152x32xf32, #tpu.memory_space<hbm>> -> memref<128x32xf32, #tpu.memory_space<hbm>>
      tpu.enqueue_dma source(%arg14 : memref<128x32xf32, #tpu.memory_space<vmem>>) target(%dma_start3A_392 : memref<128x32xf32, #tpu.memory_space<hbm>>) target_semaphore(%run_scoped3A : memref<!tpu.dma_semaphore, #tpu.memory_space<semaphore_mem>>)
      %dma_wait3A_393 = arith.constant 0 : i32
      %dma_wait3A_394 = tpu.memref_slice %arg9[%add3A_211, %dma_wait3A_393] : memref<49152x32xf32, #tpu.memory_space<hbm>> -> memref<128x32xf32, #tpu.memory_space<hbm>>
      %dma_wait3A_395 = arith.constant 0 : i32
      %dma_wait3A_396 = tpu.memref_slice %arg9[%add3A_211, %dma_wait3A_395] : memref<49152x32xf32, #tpu.memory_space<hbm>> -> memref<128x32xf32, #tpu.memory_space<hbm>>
      tpu.wait_dma2 semaphore(%run_scoped3A : memref<!tpu.dma_semaphore, #tpu.memory_space<semaphore_mem>>) src(%arg14 : memref<128x32xf32, #tpu.memory_space<vmem>>) dst(%dma_wait3A_396 : memref<128x32xf32, #tpu.memory_space<hbm>>)
      tpu.yield
    }) : () -> ()
    %dma_start3A_212 = arith.constant 256 : i32
    %dma_start3A_213 = tpu.memref_slice %arg12[%dma_start3A_212] : memref<1536xi32, #tpu.memory_space<vmem>> -> memref<128xi32, #tpu.memory_space<vmem>>
    %dma_start3A_214 = arith.constant 0 : i32
    %dma_start3A_215 = arith.constant 0 : i32
    %dma_start3A_216 = tpu.memref_slice %arg3[%dma_start3A_214, %dma_start3A_215] : memref<1000000x32xf32, #tpu.memory_space<hbm>> -> memref<1000000x32xf32, #tpu.memory_space<hbm>>
    tpu.enqueue_indirect_dma source(%dma_start3A_216 : memref<1000000x32xf32, #tpu.memory_space<hbm>>) target(%arg14 : memref<128x32xf32, #tpu.memory_space<vmem>>) offsets(%dma_start3A_213 : memref<128xi32, #tpu.memory_space<vmem>>) semaphore(%arg16 : memref<!tpu.dma_semaphore, #tpu.memory_space<semaphore_mem>>)
    %dma_wait3A_217 = arith.constant 128 : i32
    %dma_wait3A_218 = tpu.memref_slice %arg12[%dma_wait3A_217] : memref<1536xi32, #tpu.memory_space<vmem>> -> memref<128xi32, #tpu.memory_space<vmem>>
    %dma_wait3A_219 = arith.constant 0 : i32
    %dma_wait3A_220 = arith.constant 0 : i32
    %dma_wait3A_221 = tpu.memref_slice %arg3[%dma_wait3A_219, %dma_wait3A_220] : memref<1000000x32xf32, #tpu.memory_space<hbm>> -> memref<1000000x32xf32, #tpu.memory_space<hbm>>
    tpu.wait_indirect_dma semaphore(%arg17 : memref<!tpu.dma_semaphore, #tpu.memory_space<semaphore_mem>>) src(%dma_wait3A_221 : memref<1000000x32xf32, #tpu.memory_space<hbm>>) dst(%arg15 : memref<128x32xf32, #tpu.memory_space<vmem>>)
    %add3A_222 = arith.constant 128 : i32
    %add3A_223 = arith.addi %mul3A_194, %add3A_222 : i32
    "tpu.region"() ({
      %run_scoped3A = tpu.sem_alloc : memref<!tpu.dma_semaphore, #tpu.memory_space<semaphore_mem>>
      %dma_start3A_389 = arith.constant 0 : i32
      %dma_start3A_390 = tpu.memref_slice %arg9[%add3A_223, %dma_start3A_389] : memref<49152x32xf32, #tpu.memory_space<hbm>> -> memref<128x32xf32, #tpu.memory_space<hbm>>
      %dma_start3A_391 = arith.constant 0 : i32
      %dma_start3A_392 = tpu.memref_slice %arg9[%add3A_223, %dma_start3A_391] : memref<49152x32xf32, #tpu.memory_space<hbm>> -> memref<128x32xf32, #tpu.memory_space<hbm>>
      tpu.enqueue_dma source(%arg15 : memref<128x32xf32, #tpu.memory_space<vmem>>) target(%dma_start3A_392 : memref<128x32xf32, #tpu.memory_space<hbm>>) target_semaphore(%run_scoped3A : memref<!tpu.dma_semaphore, #tpu.memory_space<semaphore_mem>>)
      %dma_wait3A_393 = arith.constant 0 : i32
      %dma_wait3A_394 = tpu.memref_slice %arg9[%add3A_223, %dma_wait3A_393] : memref<49152x32xf32, #tpu.memory_space<hbm>> -> memref<128x32xf32, #tpu.memory_space<hbm>>
      %dma_wait3A_395 = arith.constant 0 : i32
      %dma_wait3A_396 = tpu.memref_slice %arg9[%add3A_223, %dma_wait3A_395] : memref<49152x32xf32, #tpu.memory_space<hbm>> -> memref<128x32xf32, #tpu.memory_space<hbm>>
      tpu.wait_dma2 semaphore(%run_scoped3A : memref<!tpu.dma_semaphore, #tpu.memory_space<semaphore_mem>>) src(%arg15 : memref<128x32xf32, #tpu.memory_space<vmem>>) dst(%dma_wait3A_396 : memref<128x32xf32, #tpu.memory_space<hbm>>)
      tpu.yield
    }) : () -> ()
    %dma_start3A_224 = arith.constant 384 : i32
    %dma_start3A_225 = tpu.memref_slice %arg12[%dma_start3A_224] : memref<1536xi32, #tpu.memory_space<vmem>> -> memref<128xi32, #tpu.memory_space<vmem>>
    %dma_start3A_226 = arith.constant 0 : i32
    %dma_start3A_227 = arith.constant 0 : i32
    %dma_start3A_228 = tpu.memref_slice %arg3[%dma_start3A_226, %dma_start3A_227] : memref<1000000x32xf32, #tpu.memory_space<hbm>> -> memref<1000000x32xf32, #tpu.memory_space<hbm>>
    tpu.enqueue_indirect_dma source(%dma_start3A_228 : memref<1000000x32xf32, #tpu.memory_space<hbm>>) target(%arg15 : memref<128x32xf32, #tpu.memory_space<vmem>>) offsets(%dma_start3A_225 : memref<128xi32, #tpu.memory_space<vmem>>) semaphore(%arg17 : memref<!tpu.dma_semaphore, #tpu.memory_space<semaphore_mem>>)
    %dma_wait3A_229 = arith.constant 256 : i32
    %dma_wait3A_230 = tpu.memref_slice %arg12[%dma_wait3A_229] : memref<1536xi32, #tpu.memory_space<vmem>> -> memref<128xi32, #tpu.memory_space<vmem>>
    %dma_wait3A_231 = arith.constant 0 : i32
    %dma_wait3A_232 = arith.constant 0 : i32
    %dma_wait3A_233 = tpu.memref_slice %arg3[%dma_wait3A_231, %dma_wait3A_232] : memref<1000000x32xf32, #tpu.memory_space<hbm>> -> memref<1000000x32xf32, #tpu.memory_space<hbm>>
    tpu.wait_indirect_dma semaphore(%arg16 : memref<!tpu.dma_semaphore, #tpu.memory_space<semaphore_mem>>) src(%dma_wait3A_233 : memref<1000000x32xf32, #tpu.memory_space<hbm>>) dst(%arg14 : memref<128x32xf32, #tpu.memory_space<vmem>>)
    %add3A_234 = arith.constant 256 : i32
    %add3A_235 = arith.addi %mul3A_194, %add3A_234 : i32
    "tpu.region"() ({
      %run_scoped3A = tpu.sem_alloc : memref<!tpu.dma_semaphore, #tpu.memory_space<semaphore_mem>>
      %dma_start3A_389 = arith.constant 0 : i32
      %dma_start3A_390 = tpu.memref_slice %arg9[%add3A_235, %dma_start3A_389] : memref<49152x32xf32, #tpu.memory_space<hbm>> -> memref<128x32xf32, #tpu.memory_space<hbm>>
      %dma_start3A_391 = arith.constant 0 : i32
      %dma_start3A_392 = tpu.memref_slice %arg9[%add3A_235, %dma_start3A_391] : memref<49152x32xf32, #tpu.memory_space<hbm>> -> memref<128x32xf32, #tpu.memory_space<hbm>>
      tpu.enqueue_dma source(%arg14 : memref<128x32xf32, #tpu.memory_space<vmem>>) target(%dma_start3A_392 : memref<128x32xf32, #tpu.memory_space<hbm>>) target_semaphore(%run_scoped3A : memref<!tpu.dma_semaphore, #tpu.memory_space<semaphore_mem>>)
      %dma_wait3A_393 = arith.constant 0 : i32
      %dma_wait3A_394 = tpu.memref_slice %arg9[%add3A_235, %dma_wait3A_393] : memref<49152x32xf32, #tpu.memory_space<hbm>> -> memref<128x32xf32, #tpu.memory_space<hbm>>
      %dma_wait3A_395 = arith.constant 0 : i32
      %dma_wait3A_396 = tpu.memref_slice %arg9[%add3A_235, %dma_wait3A_395] : memref<49152x32xf32, #tpu.memory_space<hbm>> -> memref<128x32xf32, #tpu.memory_space<hbm>>
      tpu.wait_dma2 semaphore(%run_scoped3A : memref<!tpu.dma_semaphore, #tpu.memory_space<semaphore_mem>>) src(%arg14 : memref<128x32xf32, #tpu.memory_space<vmem>>) dst(%dma_wait3A_396 : memref<128x32xf32, #tpu.memory_space<hbm>>)
      tpu.yield
    }) : () -> ()
    %dma_start3A_236 = arith.constant 512 : i32
    %dma_start3A_237 = tpu.memref_slice %arg12[%dma_start3A_236] : memref<1536xi32, #tpu.memory_space<vmem>> -> memref<128xi32, #tpu.memory_space<vmem>>
    %dma_start3A_238 = arith.constant 0 : i32
    %dma_start3A_239 = arith.constant 0 : i32
    %dma_start3A_240 = tpu.memref_slice %arg3[%dma_start3A_238, %dma_start3A_239] : memref<1000000x32xf32, #tpu.memory_space<hbm>> -> memref<1000000x32xf32, #tpu.memory_space<hbm>>
    tpu.enqueue_indirect_dma source(%dma_start3A_240 : memref<1000000x32xf32, #tpu.memory_space<hbm>>) target(%arg14 : memref<128x32xf32, #tpu.memory_space<vmem>>) offsets(%dma_start3A_237 : memref<128xi32, #tpu.memory_space<vmem>>) semaphore(%arg16 : memref<!tpu.dma_semaphore, #tpu.memory_space<semaphore_mem>>)
    %dma_wait3A_241 = arith.constant 384 : i32
    %dma_wait3A_242 = tpu.memref_slice %arg12[%dma_wait3A_241] : memref<1536xi32, #tpu.memory_space<vmem>> -> memref<128xi32, #tpu.memory_space<vmem>>
    %dma_wait3A_243 = arith.constant 0 : i32
    %dma_wait3A_244 = arith.constant 0 : i32
    %dma_wait3A_245 = tpu.memref_slice %arg3[%dma_wait3A_243, %dma_wait3A_244] : memref<1000000x32xf32, #tpu.memory_space<hbm>> -> memref<1000000x32xf32, #tpu.memory_space<hbm>>
    tpu.wait_indirect_dma semaphore(%arg17 : memref<!tpu.dma_semaphore, #tpu.memory_space<semaphore_mem>>) src(%dma_wait3A_245 : memref<1000000x32xf32, #tpu.memory_space<hbm>>) dst(%arg15 : memref<128x32xf32, #tpu.memory_space<vmem>>)
    %add3A_246 = arith.constant 384 : i32
    %add3A_247 = arith.addi %mul3A_194, %add3A_246 : i32
    "tpu.region"() ({
      %run_scoped3A = tpu.sem_alloc : memref<!tpu.dma_semaphore, #tpu.memory_space<semaphore_mem>>
      %dma_start3A_389 = arith.constant 0 : i32
      %dma_start3A_390 = tpu.memref_slice %arg9[%add3A_247, %dma_start3A_389] : memref<49152x32xf32, #tpu.memory_space<hbm>> -> memref<128x32xf32, #tpu.memory_space<hbm>>
      %dma_start3A_391 = arith.constant 0 : i32
      %dma_start3A_392 = tpu.memref_slice %arg9[%add3A_247, %dma_start3A_391] : memref<49152x32xf32, #tpu.memory_space<hbm>> -> memref<128x32xf32, #tpu.memory_space<hbm>>
      tpu.enqueue_dma source(%arg15 : memref<128x32xf32, #tpu.memory_space<vmem>>) target(%dma_start3A_392 : memref<128x32xf32, #tpu.memory_space<hbm>>) target_semaphore(%run_scoped3A : memref<!tpu.dma_semaphore, #tpu.memory_space<semaphore_mem>>)
      %dma_wait3A_393 = arith.constant 0 : i32
      %dma_wait3A_394 = tpu.memref_slice %arg9[%add3A_247, %dma_wait3A_393] : memref<49152x32xf32, #tpu.memory_space<hbm>> -> memref<128x32xf32, #tpu.memory_space<hbm>>
      %dma_wait3A_395 = arith.constant 0 : i32
      %dma_wait3A_396 = tpu.memref_slice %arg9[%add3A_247, %dma_wait3A_395] : memref<49152x32xf32, #tpu.memory_space<hbm>> -> memref<128x32xf32, #tpu.memory_space<hbm>>
      tpu.wait_dma2 semaphore(%run_scoped3A : memref<!tpu.dma_semaphore, #tpu.memory_space<semaphore_mem>>) src(%arg15 : memref<128x32xf32, #tpu.memory_space<vmem>>) dst(%dma_wait3A_396 : memref<128x32xf32, #tpu.memory_space<hbm>>)
      tpu.yield
    }) : () -> ()
    %dma_start3A_248 = arith.constant 640 : i32
    %dma_start3A_249 = tpu.memref_slice %arg12[%dma_start3A_248] : memref<1536xi32, #tpu.memory_space<vmem>> -> memref<128xi32, #tpu.memory_space<vmem>>
    %dma_start3A_250 = arith.constant 0 : i32
    %dma_start3A_251 = arith.constant 0 : i32
    %dma_start3A_252 = tpu.memref_slice %arg3[%dma_start3A_250, %dma_start3A_251] : memref<1000000x32xf32, #tpu.memory_space<hbm>> -> memref<1000000x32xf32, #tpu.memory_space<hbm>>
    tpu.enqueue_indirect_dma source(%dma_start3A_252 : memref<1000000x32xf32, #tpu.memory_space<hbm>>) target(%arg15 : memref<128x32xf32, #tpu.memory_space<vmem>>) offsets(%dma_start3A_249 : memref<128xi32, #tpu.memory_space<vmem>>) semaphore(%arg17 : memref<!tpu.dma_semaphore, #tpu.memory_space<semaphore_mem>>)
    %dma_wait3A_253 = arith.constant 512 : i32
    %dma_wait3A_254 = tpu.memref_slice %arg12[%dma_wait3A_253] : memref<1536xi32, #tpu.memory_space<vmem>> -> memref<128xi32, #tpu.memory_space<vmem>>
    %dma_wait3A_255 = arith.constant 0 : i32
    %dma_wait3A_256 = arith.constant 0 : i32
    %dma_wait3A_257 = tpu.memref_slice %arg3[%dma_wait3A_255, %dma_wait3A_256] : memref<1000000x32xf32, #tpu.memory_space<hbm>> -> memref<1000000x32xf32, #tpu.memory_space<hbm>>
    tpu.wait_indirect_dma semaphore(%arg16 : memref<!tpu.dma_semaphore, #tpu.memory_space<semaphore_mem>>) src(%dma_wait3A_257 : memref<1000000x32xf32, #tpu.memory_space<hbm>>) dst(%arg14 : memref<128x32xf32, #tpu.memory_space<vmem>>)
    %add3A_258 = arith.constant 512 : i32
    %add3A_259 = arith.addi %mul3A_194, %add3A_258 : i32
    "tpu.region"() ({
      %run_scoped3A = tpu.sem_alloc : memref<!tpu.dma_semaphore, #tpu.memory_space<semaphore_mem>>
      %dma_start3A_389 = arith.constant 0 : i32
      %dma_start3A_390 = tpu.memref_slice %arg9[%add3A_259, %dma_start3A_389] : memref<49152x32xf32, #tpu.memory_space<hbm>> -> memref<128x32xf32, #tpu.memory_space<hbm>>
      %dma_start3A_391 = arith.constant 0 : i32
      %dma_start3A_392 = tpu.memref_slice %arg9[%add3A_259, %dma_start3A_391] : memref<49152x32xf32, #tpu.memory_space<hbm>> -> memref<128x32xf32, #tpu.memory_space<hbm>>
      tpu.enqueue_dma source(%arg14 : memref<128x32xf32, #tpu.memory_space<vmem>>) target(%dma_start3A_392 : memref<128x32xf32, #tpu.memory_space<hbm>>) target_semaphore(%run_scoped3A : memref<!tpu.dma_semaphore, #tpu.memory_space<semaphore_mem>>)
      %dma_wait3A_393 = arith.constant 0 : i32
      %dma_wait3A_394 = tpu.memref_slice %arg9[%add3A_259, %dma_wait3A_393] : memref<49152x32xf32, #tpu.memory_space<hbm>> -> memref<128x32xf32, #tpu.memory_space<hbm>>
      %dma_wait3A_395 = arith.constant 0 : i32
      %dma_wait3A_396 = tpu.memref_slice %arg9[%add3A_259, %dma_wait3A_395] : memref<49152x32xf32, #tpu.memory_space<hbm>> -> memref<128x32xf32, #tpu.memory_space<hbm>>
      tpu.wait_dma2 semaphore(%run_scoped3A : memref<!tpu.dma_semaphore, #tpu.memory_space<semaphore_mem>>) src(%arg14 : memref<128x32xf32, #tpu.memory_space<vmem>>) dst(%dma_wait3A_396 : memref<128x32xf32, #tpu.memory_space<hbm>>)
      tpu.yield
    }) : () -> ()
    %dma_start3A_260 = arith.constant 768 : i32
    %dma_start3A_261 = tpu.memref_slice %arg12[%dma_start3A_260] : memref<1536xi32, #tpu.memory_space<vmem>> -> memref<128xi32, #tpu.memory_space<vmem>>
    %dma_start3A_262 = arith.constant 0 : i32
    %dma_start3A_263 = arith.constant 0 : i32
    %dma_start3A_264 = tpu.memref_slice %arg3[%dma_start3A_262, %dma_start3A_263] : memref<1000000x32xf32, #tpu.memory_space<hbm>> -> memref<1000000x32xf32, #tpu.memory_space<hbm>>
    tpu.enqueue_indirect_dma source(%dma_start3A_264 : memref<1000000x32xf32, #tpu.memory_space<hbm>>) target(%arg14 : memref<128x32xf32, #tpu.memory_space<vmem>>) offsets(%dma_start3A_261 : memref<128xi32, #tpu.memory_space<vmem>>) semaphore(%arg16 : memref<!tpu.dma_semaphore, #tpu.memory_space<semaphore_mem>>)
    %dma_wait3A_265 = arith.constant 640 : i32
    %dma_wait3A_266 = tpu.memref_slice %arg12[%dma_wait3A_265] : memref<1536xi32, #tpu.memory_space<vmem>> -> memref<128xi32, #tpu.memory_space<vmem>>
    %dma_wait3A_267 = arith.constant 0 : i32
    %dma_wait3A_268 = arith.constant 0 : i32
    %dma_wait3A_269 = tpu.memref_slice %arg3[%dma_wait3A_267, %dma_wait3A_268] : memref<1000000x32xf32, #tpu.memory_space<hbm>> -> memref<1000000x32xf32, #tpu.memory_space<hbm>>
    tpu.wait_indirect_dma semaphore(%arg17 : memref<!tpu.dma_semaphore, #tpu.memory_space<semaphore_mem>>) src(%dma_wait3A_269 : memref<1000000x32xf32, #tpu.memory_space<hbm>>) dst(%arg15 : memref<128x32xf32, #tpu.memory_space<vmem>>)
    %add3A_270 = arith.constant 640 : i32
    %add3A_271 = arith.addi %mul3A_194, %add3A_270 : i32
    "tpu.region"() ({
      %run_scoped3A = tpu.sem_alloc : memref<!tpu.dma_semaphore, #tpu.memory_space<semaphore_mem>>
      %dma_start3A_389 = arith.constant 0 : i32
      %dma_start3A_390 = tpu.memref_slice %arg9[%add3A_271, %dma_start3A_389] : memref<49152x32xf32, #tpu.memory_space<hbm>> -> memref<128x32xf32, #tpu.memory_space<hbm>>
      %dma_start3A_391 = arith.constant 0 : i32
      %dma_start3A_392 = tpu.memref_slice %arg9[%add3A_271, %dma_start3A_391] : memref<49152x32xf32, #tpu.memory_space<hbm>> -> memref<128x32xf32, #tpu.memory_space<hbm>>
      tpu.enqueue_dma source(%arg15 : memref<128x32xf32, #tpu.memory_space<vmem>>) target(%dma_start3A_392 : memref<128x32xf32, #tpu.memory_space<hbm>>) target_semaphore(%run_scoped3A : memref<!tpu.dma_semaphore, #tpu.memory_space<semaphore_mem>>)
      %dma_wait3A_393 = arith.constant 0 : i32
      %dma_wait3A_394 = tpu.memref_slice %arg9[%add3A_271, %dma_wait3A_393] : memref<49152x32xf32, #tpu.memory_space<hbm>> -> memref<128x32xf32, #tpu.memory_space<hbm>>
      %dma_wait3A_395 = arith.constant 0 : i32
      %dma_wait3A_396 = tpu.memref_slice %arg9[%add3A_271, %dma_wait3A_395] : memref<49152x32xf32, #tpu.memory_space<hbm>> -> memref<128x32xf32, #tpu.memory_space<hbm>>
      tpu.wait_dma2 semaphore(%run_scoped3A : memref<!tpu.dma_semaphore, #tpu.memory_space<semaphore_mem>>) src(%arg15 : memref<128x32xf32, #tpu.memory_space<vmem>>) dst(%dma_wait3A_396 : memref<128x32xf32, #tpu.memory_space<hbm>>)
      tpu.yield
    }) : () -> ()
    %dma_start3A_272 = arith.constant 896 : i32
    %dma_start3A_273 = tpu.memref_slice %arg12[%dma_start3A_272] : memref<1536xi32, #tpu.memory_space<vmem>> -> memref<128xi32, #tpu.memory_space<vmem>>
    %dma_start3A_274 = arith.constant 0 : i32
    %dma_start3A_275 = arith.constant 0 : i32
    %dma_start3A_276 = tpu.memref_slice %arg3[%dma_start3A_274, %dma_start3A_275] : memref<1000000x32xf32, #tpu.memory_space<hbm>> -> memref<1000000x32xf32, #tpu.memory_space<hbm>>
    tpu.enqueue_indirect_dma source(%dma_start3A_276 : memref<1000000x32xf32, #tpu.memory_space<hbm>>) target(%arg15 : memref<128x32xf32, #tpu.memory_space<vmem>>) offsets(%dma_start3A_273 : memref<128xi32, #tpu.memory_space<vmem>>) semaphore(%arg17 : memref<!tpu.dma_semaphore, #tpu.memory_space<semaphore_mem>>)
    %dma_wait3A_277 = arith.constant 768 : i32
    %dma_wait3A_278 = tpu.memref_slice %arg12[%dma_wait3A_277] : memref<1536xi32, #tpu.memory_space<vmem>> -> memref<128xi32, #tpu.memory_space<vmem>>
    %dma_wait3A_279 = arith.constant 0 : i32
    %dma_wait3A_280 = arith.constant 0 : i32
    %dma_wait3A_281 = tpu.memref_slice %arg3[%dma_wait3A_279, %dma_wait3A_280] : memref<1000000x32xf32, #tpu.memory_space<hbm>> -> memref<1000000x32xf32, #tpu.memory_space<hbm>>
    tpu.wait_indirect_dma semaphore(%arg16 : memref<!tpu.dma_semaphore, #tpu.memory_space<semaphore_mem>>) src(%dma_wait3A_281 : memref<1000000x32xf32, #tpu.memory_space<hbm>>) dst(%arg14 : memref<128x32xf32, #tpu.memory_space<vmem>>)
    %add3A_282 = arith.constant 768 : i32
    %add3A_283 = arith.addi %mul3A_194, %add3A_282 : i32
    "tpu.region"() ({
      %run_scoped3A = tpu.sem_alloc : memref<!tpu.dma_semaphore, #tpu.memory_space<semaphore_mem>>
      %dma_start3A_389 = arith.constant 0 : i32
      %dma_start3A_390 = tpu.memref_slice %arg9[%add3A_283, %dma_start3A_389] : memref<49152x32xf32, #tpu.memory_space<hbm>> -> memref<128x32xf32, #tpu.memory_space<hbm>>
      %dma_start3A_391 = arith.constant 0 : i32
      %dma_start3A_392 = tpu.memref_slice %arg9[%add3A_283, %dma_start3A_391] : memref<49152x32xf32, #tpu.memory_space<hbm>> -> memref<128x32xf32, #tpu.memory_space<hbm>>
      tpu.enqueue_dma source(%arg14 : memref<128x32xf32, #tpu.memory_space<vmem>>) target(%dma_start3A_392 : memref<128x32xf32, #tpu.memory_space<hbm>>) target_semaphore(%run_scoped3A : memref<!tpu.dma_semaphore, #tpu.memory_space<semaphore_mem>>)
      %dma_wait3A_393 = arith.constant 0 : i32
      %dma_wait3A_394 = tpu.memref_slice %arg9[%add3A_283, %dma_wait3A_393] : memref<49152x32xf32, #tpu.memory_space<hbm>> -> memref<128x32xf32, #tpu.memory_space<hbm>>
      %dma_wait3A_395 = arith.constant 0 : i32
      %dma_wait3A_396 = tpu.memref_slice %arg9[%add3A_283, %dma_wait3A_395] : memref<49152x32xf32, #tpu.memory_space<hbm>> -> memref<128x32xf32, #tpu.memory_space<hbm>>
      tpu.wait_dma2 semaphore(%run_scoped3A : memref<!tpu.dma_semaphore, #tpu.memory_space<semaphore_mem>>) src(%arg14 : memref<128x32xf32, #tpu.memory_space<vmem>>) dst(%dma_wait3A_396 : memref<128x32xf32, #tpu.memory_space<hbm>>)
      tpu.yield
    }) : () -> ()
    %dma_start3A_284 = arith.constant 1024 : i32
    %dma_start3A_285 = tpu.memref_slice %arg12[%dma_start3A_284] : memref<1536xi32, #tpu.memory_space<vmem>> -> memref<128xi32, #tpu.memory_space<vmem>>
    %dma_start3A_286 = arith.constant 0 : i32
    %dma_start3A_287 = arith.constant 0 : i32
    %dma_start3A_288 = tpu.memref_slice %arg3[%dma_start3A_286, %dma_start3A_287] : memref<1000000x32xf32, #tpu.memory_space<hbm>> -> memref<1000000x32xf32, #tpu.memory_space<hbm>>
    tpu.enqueue_indirect_dma source(%dma_start3A_288 : memref<1000000x32xf32, #tpu.memory_space<hbm>>) target(%arg14 : memref<128x32xf32, #tpu.memory_space<vmem>>) offsets(%dma_start3A_285 : memref<128xi32, #tpu.memory_space<vmem>>) semaphore(%arg16 : memref<!tpu.dma_semaphore, #tpu.memory_space<semaphore_mem>>)
    %dma_wait3A_289 = arith.constant 896 : i32
    %dma_wait3A_290 = tpu.memref_slice %arg12[%dma_wait3A_289] : memref<1536xi32, #tpu.memory_space<vmem>> -> memref<128xi32, #tpu.memory_space<vmem>>
    %dma_wait3A_291 = arith.constant 0 : i32
    %dma_wait3A_292 = arith.constant 0 : i32
    %dma_wait3A_293 = tpu.memref_slice %arg3[%dma_wait3A_291, %dma_wait3A_292] : memref<1000000x32xf32, #tpu.memory_space<hbm>> -> memref<1000000x32xf32, #tpu.memory_space<hbm>>
    tpu.wait_indirect_dma semaphore(%arg17 : memref<!tpu.dma_semaphore, #tpu.memory_space<semaphore_mem>>) src(%dma_wait3A_293 : memref<1000000x32xf32, #tpu.memory_space<hbm>>) dst(%arg15 : memref<128x32xf32, #tpu.memory_space<vmem>>)
    %add3A_294 = arith.constant 896 : i32
    %add3A_295 = arith.addi %mul3A_194, %add3A_294 : i32
    "tpu.region"() ({
      %run_scoped3A = tpu.sem_alloc : memref<!tpu.dma_semaphore, #tpu.memory_space<semaphore_mem>>
      %dma_start3A_389 = arith.constant 0 : i32
      %dma_start3A_390 = tpu.memref_slice %arg9[%add3A_295, %dma_start3A_389] : memref<49152x32xf32, #tpu.memory_space<hbm>> -> memref<128x32xf32, #tpu.memory_space<hbm>>
      %dma_start3A_391 = arith.constant 0 : i32
      %dma_start3A_392 = tpu.memref_slice %arg9[%add3A_295, %dma_start3A_391] : memref<49152x32xf32, #tpu.memory_space<hbm>> -> memref<128x32xf32, #tpu.memory_space<hbm>>
      tpu.enqueue_dma source(%arg15 : memref<128x32xf32, #tpu.memory_space<vmem>>) target(%dma_start3A_392 : memref<128x32xf32, #tpu.memory_space<hbm>>) target_semaphore(%run_scoped3A : memref<!tpu.dma_semaphore, #tpu.memory_space<semaphore_mem>>)
      %dma_wait3A_393 = arith.constant 0 : i32
      %dma_wait3A_394 = tpu.memref_slice %arg9[%add3A_295, %dma_wait3A_393] : memref<49152x32xf32, #tpu.memory_space<hbm>> -> memref<128x32xf32, #tpu.memory_space<hbm>>
      %dma_wait3A_395 = arith.constant 0 : i32
      %dma_wait3A_396 = tpu.memref_slice %arg9[%add3A_295, %dma_wait3A_395] : memref<49152x32xf32, #tpu.memory_space<hbm>> -> memref<128x32xf32, #tpu.memory_space<hbm>>
      tpu.wait_dma2 semaphore(%run_scoped3A : memref<!tpu.dma_semaphore, #tpu.memory_space<semaphore_mem>>) src(%arg15 : memref<128x32xf32, #tpu.memory_space<vmem>>) dst(%dma_wait3A_396 : memref<128x32xf32, #tpu.memory_space<hbm>>)
      tpu.yield
    }) : () -> ()
    %dma_start3A_296 = arith.constant 1152 : i32
    %dma_start3A_297 = tpu.memref_slice %arg12[%dma_start3A_296] : memref<1536xi32, #tpu.memory_space<vmem>> -> memref<128xi32, #tpu.memory_space<vmem>>
    %dma_start3A_298 = arith.constant 0 : i32
    %dma_start3A_299 = arith.constant 0 : i32
    %dma_start3A_300 = tpu.memref_slice %arg3[%dma_start3A_298, %dma_start3A_299] : memref<1000000x32xf32, #tpu.memory_space<hbm>> -> memref<1000000x32xf32, #tpu.memory_space<hbm>>
    tpu.enqueue_indirect_dma source(%dma_start3A_300 : memref<1000000x32xf32, #tpu.memory_space<hbm>>) target(%arg15 : memref<128x32xf32, #tpu.memory_space<vmem>>) offsets(%dma_start3A_297 : memref<128xi32, #tpu.memory_space<vmem>>) semaphore(%arg17 : memref<!tpu.dma_semaphore, #tpu.memory_space<semaphore_mem>>)
    %dma_wait3A_301 = arith.constant 1024 : i32
    %dma_wait3A_302 = tpu.memref_slice %arg12[%dma_wait3A_301] : memref<1536xi32, #tpu.memory_space<vmem>> -> memref<128xi32, #tpu.memory_space<vmem>>
    %dma_wait3A_303 = arith.constant 0 : i32
    %dma_wait3A_304 = arith.constant 0 : i32
    %dma_wait3A_305 = tpu.memref_slice %arg3[%dma_wait3A_303, %dma_wait3A_304] : memref<1000000x32xf32, #tpu.memory_space<hbm>> -> memref<1000000x32xf32, #tpu.memory_space<hbm>>
    tpu.wait_indirect_dma semaphore(%arg16 : memref<!tpu.dma_semaphore, #tpu.memory_space<semaphore_mem>>) src(%dma_wait3A_305 : memref<1000000x32xf32, #tpu.memory_space<hbm>>) dst(%arg14 : memref<128x32xf32, #tpu.memory_space<vmem>>)
    %add3A_306 = arith.constant 1024 : i32
    %add3A_307 = arith.addi %mul3A_194, %add3A_306 : i32
    "tpu.region"() ({
      %run_scoped3A = tpu.sem_alloc : memref<!tpu.dma_semaphore, #tpu.memory_space<semaphore_mem>>
      %dma_start3A_389 = arith.constant 0 : i32
      %dma_start3A_390 = tpu.memref_slice %arg9[%add3A_307, %dma_start3A_389] : memref<49152x32xf32, #tpu.memory_space<hbm>> -> memref<128x32xf32, #tpu.memory_space<hbm>>
      %dma_start3A_391 = arith.constant 0 : i32
      %dma_start3A_392 = tpu.memref_slice %arg9[%add3A_307, %dma_start3A_391] : memref<49152x32xf32, #tpu.memory_space<hbm>> -> memref<128x32xf32, #tpu.memory_space<hbm>>
      tpu.enqueue_dma source(%arg14 : memref<128x32xf32, #tpu.memory_space<vmem>>) target(%dma_start3A_392 : memref<128x32xf32, #tpu.memory_space<hbm>>) target_semaphore(%run_scoped3A : memref<!tpu.dma_semaphore, #tpu.memory_space<semaphore_mem>>)
      %dma_wait3A_393 = arith.constant 0 : i32
      %dma_wait3A_394 = tpu.memref_slice %arg9[%add3A_307, %dma_wait3A_393] : memref<49152x32xf32, #tpu.memory_space<hbm>> -> memref<128x32xf32, #tpu.memory_space<hbm>>
      %dma_wait3A_395 = arith.constant 0 : i32
      %dma_wait3A_396 = tpu.memref_slice %arg9[%add3A_307, %dma_wait3A_395] : memref<49152x32xf32, #tpu.memory_space<hbm>> -> memref<128x32xf32, #tpu.memory_space<hbm>>
      tpu.wait_dma2 semaphore(%run_scoped3A : memref<!tpu.dma_semaphore, #tpu.memory_space<semaphore_mem>>) src(%arg14 : memref<128x32xf32, #tpu.memory_space<vmem>>) dst(%dma_wait3A_396 : memref<128x32xf32, #tpu.memory_space<hbm>>)
      tpu.yield
    }) : () -> ()
    %dma_start3A_308 = arith.constant 1280 : i32
    %dma_start3A_309 = tpu.memref_slice %arg12[%dma_start3A_308] : memref<1536xi32, #tpu.memory_space<vmem>> -> memref<128xi32, #tpu.memory_space<vmem>>
    %dma_start3A_310 = arith.constant 0 : i32
    %dma_start3A_311 = arith.constant 0 : i32
    %dma_start3A_312 = tpu.memref_slice %arg3[%dma_start3A_310, %dma_start3A_311] : memref<1000000x32xf32, #tpu.memory_space<hbm>> -> memref<1000000x32xf32, #tpu.memory_space<hbm>>
    tpu.enqueue_indirect_dma source(%dma_start3A_312 : memref<1000000x32xf32, #tpu.memory_space<hbm>>) target(%arg14 : memref<128x32xf32, #tpu.memory_space<vmem>>) offsets(%dma_start3A_309 : memref<128xi32, #tpu.memory_space<vmem>>) semaphore(%arg16 : memref<!tpu.dma_semaphore, #tpu.memory_space<semaphore_mem>>)
    %dma_wait3A_313 = arith.constant 1152 : i32
    %dma_wait3A_314 = tpu.memref_slice %arg12[%dma_wait3A_313] : memref<1536xi32, #tpu.memory_space<vmem>> -> memref<128xi32, #tpu.memory_space<vmem>>
    %dma_wait3A_315 = arith.constant 0 : i32
    %dma_wait3A_316 = arith.constant 0 : i32
    %dma_wait3A_317 = tpu.memref_slice %arg3[%dma_wait3A_315, %dma_wait3A_316] : memref<1000000x32xf32, #tpu.memory_space<hbm>> -> memref<1000000x32xf32, #tpu.memory_space<hbm>>
    tpu.wait_indirect_dma semaphore(%arg17 : memref<!tpu.dma_semaphore, #tpu.memory_space<semaphore_mem>>) src(%dma_wait3A_317 : memref<1000000x32xf32, #tpu.memory_space<hbm>>) dst(%arg15 : memref<128x32xf32, #tpu.memory_space<vmem>>)
    %add3A_318 = arith.constant 1152 : i32
    %add3A_319 = arith.addi %mul3A_194, %add3A_318 : i32
    "tpu.region"() ({
      %run_scoped3A = tpu.sem_alloc : memref<!tpu.dma_semaphore, #tpu.memory_space<semaphore_mem>>
      %dma_start3A_389 = arith.constant 0 : i32
      %dma_start3A_390 = tpu.memref_slice %arg9[%add3A_319, %dma_start3A_389] : memref<49152x32xf32, #tpu.memory_space<hbm>> -> memref<128x32xf32, #tpu.memory_space<hbm>>
      %dma_start3A_391 = arith.constant 0 : i32
      %dma_start3A_392 = tpu.memref_slice %arg9[%add3A_319, %dma_start3A_391] : memref<49152x32xf32, #tpu.memory_space<hbm>> -> memref<128x32xf32, #tpu.memory_space<hbm>>
      tpu.enqueue_dma source(%arg15 : memref<128x32xf32, #tpu.memory_space<vmem>>) target(%dma_start3A_392 : memref<128x32xf32, #tpu.memory_space<hbm>>) target_semaphore(%run_scoped3A : memref<!tpu.dma_semaphore, #tpu.memory_space<semaphore_mem>>)
      %dma_wait3A_393 = arith.constant 0 : i32
      %dma_wait3A_394 = tpu.memref_slice %arg9[%add3A_319, %dma_wait3A_393] : memref<49152x32xf32, #tpu.memory_space<hbm>> -> memref<128x32xf32, #tpu.memory_space<hbm>>
      %dma_wait3A_395 = arith.constant 0 : i32
      %dma_wait3A_396 = tpu.memref_slice %arg9[%add3A_319, %dma_wait3A_395] : memref<49152x32xf32, #tpu.memory_space<hbm>> -> memref<128x32xf32, #tpu.memory_space<hbm>>
      tpu.wait_dma2 semaphore(%run_scoped3A : memref<!tpu.dma_semaphore, #tpu.memory_space<semaphore_mem>>) src(%arg15 : memref<128x32xf32, #tpu.memory_space<vmem>>) dst(%dma_wait3A_396 : memref<128x32xf32, #tpu.memory_space<hbm>>)
      tpu.yield
    }) : () -> ()
    %dma_start3A_320 = arith.constant 1408 : i32
    %dma_start3A_321 = tpu.memref_slice %arg12[%dma_start3A_320] : memref<1536xi32, #tpu.memory_space<vmem>> -> memref<128xi32, #tpu.memory_space<vmem>>
    %dma_start3A_322 = arith.constant 0 : i32
    %dma_start3A_323 = arith.constant 0 : i32
    %dma_start3A_324 = tpu.memref_slice %arg3[%dma_start3A_322, %dma_start3A_323] : memref<1000000x32xf32, #tpu.memory_space<hbm>> -> memref<1000000x32xf32, #tpu.memory_space<hbm>>
    tpu.enqueue_indirect_dma source(%dma_start3A_324 : memref<1000000x32xf32, #tpu.memory_space<hbm>>) target(%arg15 : memref<128x32xf32, #tpu.memory_space<vmem>>) offsets(%dma_start3A_321 : memref<128xi32, #tpu.memory_space<vmem>>) semaphore(%arg17 : memref<!tpu.dma_semaphore, #tpu.memory_space<semaphore_mem>>)
    %dma_wait3A_325 = arith.constant 1280 : i32
    %dma_wait3A_326 = tpu.memref_slice %arg12[%dma_wait3A_325] : memref<1536xi32, #tpu.memory_space<vmem>> -> memref<128xi32, #tpu.memory_space<vmem>>
    %dma_wait3A_327 = arith.constant 0 : i32
    %dma_wait3A_328 = arith.constant 0 : i32
    %dma_wait3A_329 = tpu.memref_slice %arg3[%dma_wait3A_327, %dma_wait3A_328] : memref<1000000x32xf32, #tpu.memory_space<hbm>> -> memref<1000000x32xf32, #tpu.memory_space<hbm>>
    tpu.wait_indirect_dma semaphore(%arg16 : memref<!tpu.dma_semaphore, #tpu.memory_space<semaphore_mem>>) src(%dma_wait3A_329 : memref<1000000x32xf32, #tpu.memory_space<hbm>>) dst(%arg14 : memref<128x32xf32, #tpu.memory_space<vmem>>)
    %add3A_330 = arith.constant 1280 : i32
    %add3A_331 = arith.addi %mul3A_194, %add3A_330 : i32
    "tpu.region"() ({
      %run_scoped3A = tpu.sem_alloc : memref<!tpu.dma_semaphore, #tpu.memory_space<semaphore_mem>>
      %dma_start3A_389 = arith.constant 0 : i32
      %dma_start3A_390 = tpu.memref_slice %arg9[%add3A_331, %dma_start3A_389] : memref<49152x32xf32, #tpu.memory_space<hbm>> -> memref<128x32xf32, #tpu.memory_space<hbm>>
      %dma_start3A_391 = arith.constant 0 : i32
      %dma_start3A_392 = tpu.memref_slice %arg9[%add3A_331, %dma_start3A_391] : memref<49152x32xf32, #tpu.memory_space<hbm>> -> memref<128x32xf32, #tpu.memory_space<hbm>>
      tpu.enqueue_dma source(%arg14 : memref<128x32xf32, #tpu.memory_space<vmem>>) target(%dma_start3A_392 : memref<128x32xf32, #tpu.memory_space<hbm>>) target_semaphore(%run_scoped3A : memref<!tpu.dma_semaphore, #tpu.memory_space<semaphore_mem>>)
      %dma_wait3A_393 = arith.constant 0 : i32
      %dma_wait3A_394 = tpu.memref_slice %arg9[%add3A_331, %dma_wait3A_393] : memref<49152x32xf32, #tpu.memory_space<hbm>> -> memref<128x32xf32, #tpu.memory_space<hbm>>
      %dma_wait3A_395 = arith.constant 0 : i32
      %dma_wait3A_396 = tpu.memref_slice %arg9[%add3A_331, %dma_wait3A_395] : memref<49152x32xf32, #tpu.memory_space<hbm>> -> memref<128x32xf32, #tpu.memory_space<hbm>>
      tpu.wait_dma2 semaphore(%run_scoped3A : memref<!tpu.dma_semaphore, #tpu.memory_space<semaphore_mem>>) src(%arg14 : memref<128x32xf32, #tpu.memory_space<vmem>>) dst(%dma_wait3A_396 : memref<128x32xf32, #tpu.memory_space<hbm>>)
      tpu.yield
    }) : () -> ()
    %dma_wait3A_332 = arith.constant 1408 : i32
    %dma_wait3A_333 = tpu.memref_slice %arg12[%dma_wait3A_332] : memref<1536xi32, #tpu.memory_space<vmem>> -> memref<128xi32, #tpu.memory_space<vmem>>
    %dma_wait3A_334 = arith.constant 0 : i32
    %dma_wait3A_335 = arith.constant 0 : i32
    %dma_wait3A_336 = tpu.memref_slice %arg3[%dma_wait3A_334, %dma_wait3A_335] : memref<1000000x32xf32, #tpu.memory_space<hbm>> -> memref<1000000x32xf32, #tpu.memory_space<hbm>>
    tpu.wait_indirect_dma semaphore(%arg17 : memref<!tpu.dma_semaphore, #tpu.memory_space<semaphore_mem>>) src(%dma_wait3A_336 : memref<1000000x32xf32, #tpu.memory_space<hbm>>) dst(%arg15 : memref<128x32xf32, #tpu.memory_space<vmem>>)
    %add3A_337 = arith.constant 1408 : i32
    %add3A_338 = arith.addi %mul3A_194, %add3A_337 : i32
    "tpu.region"() ({
      %run_scoped3A = tpu.sem_alloc : memref<!tpu.dma_semaphore, #tpu.memory_space<semaphore_mem>>
      %dma_start3A_389 = arith.constant 0 : i32
      %dma_start3A_390 = tpu.memref_slice %arg9[%add3A_338, %dma_start3A_389] : memref<49152x32xf32, #tpu.memory_space<hbm>> -> memref<128x32xf32, #tpu.memory_space<hbm>>
      %dma_start3A_391 = arith.constant 0 : i32
      %dma_start3A_392 = tpu.memref_slice %arg9[%add3A_338, %dma_start3A_391] : memref<49152x32xf32, #tpu.memory_space<hbm>> -> memref<128x32xf32, #tpu.memory_space<hbm>>
      tpu.enqueue_dma source(%arg15 : memref<128x32xf32, #tpu.memory_space<vmem>>) target(%dma_start3A_392 : memref<128x32xf32, #tpu.memory_space<hbm>>) target_semaphore(%run_scoped3A : memref<!tpu.dma_semaphore, #tpu.memory_space<semaphore_mem>>)
      %dma_wait3A_393 = arith.constant 0 : i32
      %dma_wait3A_394 = tpu.memref_slice %arg9[%add3A_338, %dma_wait3A_393] : memref<49152x32xf32, #tpu.memory_space<hbm>> -> memref<128x32xf32, #tpu.memory_space<hbm>>
      %dma_wait3A_395 = arith.constant 0 : i32
      %dma_wait3A_396 = tpu.memref_slice %arg9[%add3A_338, %dma_wait3A_395] : memref<49152x32xf32, #tpu.memory_space<hbm>> -> memref<128x32xf32, #tpu.memory_space<hbm>>
      tpu.wait_dma2 semaphore(%run_scoped3A : memref<!tpu.dma_semaphore, #tpu.memory_space<semaphore_mem>>) src(%arg15 : memref<128x32xf32, #tpu.memory_space<vmem>>) dst(%dma_wait3A_396 : memref<128x32xf32, #tpu.memory_space<hbm>>)
      tpu.yield
    }) : () -> ()
    %mul3A_339 = arith.constant 512 : i32
    %mul3A_340 = arith.muli %add3A, %mul3A_339 : i32
    "tpu.region"() ({
      %run_scoped3A = tpu.sem_alloc : memref<!tpu.dma_semaphore, #tpu.memory_space<semaphore_mem>>
      %dma_start3A_389 = tpu.memref_slice %arg7[%mul3A_340] : memref<16384xi32, #tpu.memory_space<hbm>> -> memref<512xi32, #tpu.memory_space<hbm>>
      %dma_start3A_390 = tpu.memref_slice %arg7[%mul3A_340] : memref<16384xi32, #tpu.memory_space<hbm>> -> memref<512xi32, #tpu.memory_space<hbm>>
      tpu.enqueue_dma source(%dma_start3A_390 : memref<512xi32, #tpu.memory_space<hbm>>) target(%arg13 : memref<512xi32, #tpu.memory_space<vmem>>) target_semaphore(%run_scoped3A : memref<!tpu.dma_semaphore, #tpu.memory_space<semaphore_mem>>)
      %dma_wait3A_391 = tpu.memref_slice %arg7[%mul3A_340] : memref<16384xi32, #tpu.memory_space<hbm>> -> memref<512xi32, #tpu.memory_space<hbm>>
      %dma_wait3A_392 = tpu.memref_slice %arg7[%mul3A_340] : memref<16384xi32, #tpu.memory_space<hbm>> -> memref<512xi32, #tpu.memory_space<hbm>>
      tpu.wait_dma2 semaphore(%run_scoped3A : memref<!tpu.dma_semaphore, #tpu.memory_space<semaphore_mem>>) src(%dma_wait3A_392 : memref<512xi32, #tpu.memory_space<hbm>>) dst(%arg13 : memref<512xi32, #tpu.memory_space<vmem>>)
      tpu.yield
    }) : () -> ()
    %dma_start3A_341 = arith.constant 0 : i32
    %dma_start3A_342 = tpu.memref_slice %arg13[%dma_start3A_341] : memref<512xi32, #tpu.memory_space<vmem>> -> memref<128xi32, #tpu.memory_space<vmem>>
    %dma_start3A_343 = arith.constant 0 : i32
    %dma_start3A_344 = arith.constant 0 : i32
    %dma_start3A_345 = tpu.memref_slice %arg4[%dma_start3A_343, %dma_start3A_344] : memref<1000x32xf32, #tpu.memory_space<hbm>> -> memref<1000x32xf32, #tpu.memory_space<hbm>>
    tpu.enqueue_indirect_dma source(%dma_start3A_345 : memref<1000x32xf32, #tpu.memory_space<hbm>>) target(%arg14 : memref<128x32xf32, #tpu.memory_space<vmem>>) offsets(%dma_start3A_342 : memref<128xi32, #tpu.memory_space<vmem>>) semaphore(%arg16 : memref<!tpu.dma_semaphore, #tpu.memory_space<semaphore_mem>>)
    %dma_start3A_346 = arith.constant 128 : i32
    %dma_start3A_347 = tpu.memref_slice %arg13[%dma_start3A_346] : memref<512xi32, #tpu.memory_space<vmem>> -> memref<128xi32, #tpu.memory_space<vmem>>
    %dma_start3A_348 = arith.constant 0 : i32
    %dma_start3A_349 = arith.constant 0 : i32
    %dma_start3A_350 = tpu.memref_slice %arg4[%dma_start3A_348, %dma_start3A_349] : memref<1000x32xf32, #tpu.memory_space<hbm>> -> memref<1000x32xf32, #tpu.memory_space<hbm>>
    tpu.enqueue_indirect_dma source(%dma_start3A_350 : memref<1000x32xf32, #tpu.memory_space<hbm>>) target(%arg15 : memref<128x32xf32, #tpu.memory_space<vmem>>) offsets(%dma_start3A_347 : memref<128xi32, #tpu.memory_space<vmem>>) semaphore(%arg17 : memref<!tpu.dma_semaphore, #tpu.memory_space<semaphore_mem>>)
    %dma_wait3A_351 = arith.constant 0 : i32
    %dma_wait3A_352 = tpu.memref_slice %arg13[%dma_wait3A_351] : memref<512xi32, #tpu.memory_space<vmem>> -> memref<128xi32, #tpu.memory_space<vmem>>
    %dma_wait3A_353 = arith.constant 0 : i32
    %dma_wait3A_354 = arith.constant 0 : i32
    %dma_wait3A_355 = tpu.memref_slice %arg4[%dma_wait3A_353, %dma_wait3A_354] : memref<1000x32xf32, #tpu.memory_space<hbm>> -> memref<1000x32xf32, #tpu.memory_space<hbm>>
    tpu.wait_indirect_dma semaphore(%arg16 : memref<!tpu.dma_semaphore, #tpu.memory_space<semaphore_mem>>) src(%dma_wait3A_355 : memref<1000x32xf32, #tpu.memory_space<hbm>>) dst(%arg14 : memref<128x32xf32, #tpu.memory_space<vmem>>)
    %add3A_356 = arith.constant 0 : i32
    %add3A_357 = arith.addi %mul3A_340, %add3A_356 : i32
    "tpu.region"() ({
      %run_scoped3A = tpu.sem_alloc : memref<!tpu.dma_semaphore, #tpu.memory_space<semaphore_mem>>
      %dma_start3A_389 = arith.constant 0 : i32
      %dma_start3A_390 = tpu.memref_slice %arg10[%add3A_357, %dma_start3A_389] : memref<16384x32xf32, #tpu.memory_space<hbm>> -> memref<128x32xf32, #tpu.memory_space<hbm>>
      %dma_start3A_391 = arith.constant 0 : i32
      %dma_start3A_392 = tpu.memref_slice %arg10[%add3A_357, %dma_start3A_391] : memref<16384x32xf32, #tpu.memory_space<hbm>> -> memref<128x32xf32, #tpu.memory_space<hbm>>
      tpu.enqueue_dma source(%arg14 : memref<128x32xf32, #tpu.memory_space<vmem>>) target(%dma_start3A_392 : memref<128x32xf32, #tpu.memory_space<hbm>>) target_semaphore(%run_scoped3A : memref<!tpu.dma_semaphore, #tpu.memory_space<semaphore_mem>>)
      %dma_wait3A_393 = arith.constant 0 : i32
      %dma_wait3A_394 = tpu.memref_slice %arg10[%add3A_357, %dma_wait3A_393] : memref<16384x32xf32, #tpu.memory_space<hbm>> -> memref<128x32xf32, #tpu.memory_space<hbm>>
      %dma_wait3A_395 = arith.constant 0 : i32
      %dma_wait3A_396 = tpu.memref_slice %arg10[%add3A_357, %dma_wait3A_395] : memref<16384x32xf32, #tpu.memory_space<hbm>> -> memref<128x32xf32, #tpu.memory_space<hbm>>
      tpu.wait_dma2 semaphore(%run_scoped3A : memref<!tpu.dma_semaphore, #tpu.memory_space<semaphore_mem>>) src(%arg14 : memref<128x32xf32, #tpu.memory_space<vmem>>) dst(%dma_wait3A_396 : memref<128x32xf32, #tpu.memory_space<hbm>>)
      tpu.yield
    }) : () -> ()
    %dma_start3A_358 = arith.constant 256 : i32
    %dma_start3A_359 = tpu.memref_slice %arg13[%dma_start3A_358] : memref<512xi32, #tpu.memory_space<vmem>> -> memref<128xi32, #tpu.memory_space<vmem>>
    %dma_start3A_360 = arith.constant 0 : i32
    %dma_start3A_361 = arith.constant 0 : i32
    %dma_start3A_362 = tpu.memref_slice %arg4[%dma_start3A_360, %dma_start3A_361] : memref<1000x32xf32, #tpu.memory_space<hbm>> -> memref<1000x32xf32, #tpu.memory_space<hbm>>
    tpu.enqueue_indirect_dma source(%dma_start3A_362 : memref<1000x32xf32, #tpu.memory_space<hbm>>) target(%arg14 : memref<128x32xf32, #tpu.memory_space<vmem>>) offsets(%dma_start3A_359 : memref<128xi32, #tpu.memory_space<vmem>>) semaphore(%arg16 : memref<!tpu.dma_semaphore, #tpu.memory_space<semaphore_mem>>)
    %dma_wait3A_363 = arith.constant 128 : i32
    %dma_wait3A_364 = tpu.memref_slice %arg13[%dma_wait3A_363] : memref<512xi32, #tpu.memory_space<vmem>> -> memref<128xi32, #tpu.memory_space<vmem>>
    %dma_wait3A_365 = arith.constant 0 : i32
    %dma_wait3A_366 = arith.constant 0 : i32
    %dma_wait3A_367 = tpu.memref_slice %arg4[%dma_wait3A_365, %dma_wait3A_366] : memref<1000x32xf32, #tpu.memory_space<hbm>> -> memref<1000x32xf32, #tpu.memory_space<hbm>>
    tpu.wait_indirect_dma semaphore(%arg17 : memref<!tpu.dma_semaphore, #tpu.memory_space<semaphore_mem>>) src(%dma_wait3A_367 : memref<1000x32xf32, #tpu.memory_space<hbm>>) dst(%arg15 : memref<128x32xf32, #tpu.memory_space<vmem>>)
    %add3A_368 = arith.constant 128 : i32
    %add3A_369 = arith.addi %mul3A_340, %add3A_368 : i32
    "tpu.region"() ({
      %run_scoped3A = tpu.sem_alloc : memref<!tpu.dma_semaphore, #tpu.memory_space<semaphore_mem>>
      %dma_start3A_389 = arith.constant 0 : i32
      %dma_start3A_390 = tpu.memref_slice %arg10[%add3A_369, %dma_start3A_389] : memref<16384x32xf32, #tpu.memory_space<hbm>> -> memref<128x32xf32, #tpu.memory_space<hbm>>
      %dma_start3A_391 = arith.constant 0 : i32
      %dma_start3A_392 = tpu.memref_slice %arg10[%add3A_369, %dma_start3A_391] : memref<16384x32xf32, #tpu.memory_space<hbm>> -> memref<128x32xf32, #tpu.memory_space<hbm>>
      tpu.enqueue_dma source(%arg15 : memref<128x32xf32, #tpu.memory_space<vmem>>) target(%dma_start3A_392 : memref<128x32xf32, #tpu.memory_space<hbm>>) target_semaphore(%run_scoped3A : memref<!tpu.dma_semaphore, #tpu.memory_space<semaphore_mem>>)
      %dma_wait3A_393 = arith.constant 0 : i32
      %dma_wait3A_394 = tpu.memref_slice %arg10[%add3A_369, %dma_wait3A_393] : memref<16384x32xf32, #tpu.memory_space<hbm>> -> memref<128x32xf32, #tpu.memory_space<hbm>>
      %dma_wait3A_395 = arith.constant 0 : i32
      %dma_wait3A_396 = tpu.memref_slice %arg10[%add3A_369, %dma_wait3A_395] : memref<16384x32xf32, #tpu.memory_space<hbm>> -> memref<128x32xf32, #tpu.memory_space<hbm>>
      tpu.wait_dma2 semaphore(%run_scoped3A : memref<!tpu.dma_semaphore, #tpu.memory_space<semaphore_mem>>) src(%arg15 : memref<128x32xf32, #tpu.memory_space<vmem>>) dst(%dma_wait3A_396 : memref<128x32xf32, #tpu.memory_space<hbm>>)
      tpu.yield
    }) : () -> ()
    %dma_start3A_370 = arith.constant 384 : i32
    %dma_start3A_371 = tpu.memref_slice %arg13[%dma_start3A_370] : memref<512xi32, #tpu.memory_space<vmem>> -> memref<128xi32, #tpu.memory_space<vmem>>
    %dma_start3A_372 = arith.constant 0 : i32
    %dma_start3A_373 = arith.constant 0 : i32
    %dma_start3A_374 = tpu.memref_slice %arg4[%dma_start3A_372, %dma_start3A_373] : memref<1000x32xf32, #tpu.memory_space<hbm>> -> memref<1000x32xf32, #tpu.memory_space<hbm>>
    tpu.enqueue_indirect_dma source(%dma_start3A_374 : memref<1000x32xf32, #tpu.memory_space<hbm>>) target(%arg15 : memref<128x32xf32, #tpu.memory_space<vmem>>) offsets(%dma_start3A_371 : memref<128xi32, #tpu.memory_space<vmem>>) semaphore(%arg17 : memref<!tpu.dma_semaphore, #tpu.memory_space<semaphore_mem>>)
    %dma_wait3A_375 = arith.constant 256 : i32
    %dma_wait3A_376 = tpu.memref_slice %arg13[%dma_wait3A_375] : memref<512xi32, #tpu.memory_space<vmem>> -> memref<128xi32, #tpu.memory_space<vmem>>
    %dma_wait3A_377 = arith.constant 0 : i32
    %dma_wait3A_378 = arith.constant 0 : i32
    %dma_wait3A_379 = tpu.memref_slice %arg4[%dma_wait3A_377, %dma_wait3A_378] : memref<1000x32xf32, #tpu.memory_space<hbm>> -> memref<1000x32xf32, #tpu.memory_space<hbm>>
    tpu.wait_indirect_dma semaphore(%arg16 : memref<!tpu.dma_semaphore, #tpu.memory_space<semaphore_mem>>) src(%dma_wait3A_379 : memref<1000x32xf32, #tpu.memory_space<hbm>>) dst(%arg14 : memref<128x32xf32, #tpu.memory_space<vmem>>)
    %add3A_380 = arith.constant 256 : i32
    %add3A_381 = arith.addi %mul3A_340, %add3A_380 : i32
    "tpu.region"() ({
      %run_scoped3A = tpu.sem_alloc : memref<!tpu.dma_semaphore, #tpu.memory_space<semaphore_mem>>
      %dma_start3A_389 = arith.constant 0 : i32
      %dma_start3A_390 = tpu.memref_slice %arg10[%add3A_381, %dma_start3A_389] : memref<16384x32xf32, #tpu.memory_space<hbm>> -> memref<128x32xf32, #tpu.memory_space<hbm>>
      %dma_start3A_391 = arith.constant 0 : i32
      %dma_start3A_392 = tpu.memref_slice %arg10[%add3A_381, %dma_start3A_391] : memref<16384x32xf32, #tpu.memory_space<hbm>> -> memref<128x32xf32, #tpu.memory_space<hbm>>
      tpu.enqueue_dma source(%arg14 : memref<128x32xf32, #tpu.memory_space<vmem>>) target(%dma_start3A_392 : memref<128x32xf32, #tpu.memory_space<hbm>>) target_semaphore(%run_scoped3A : memref<!tpu.dma_semaphore, #tpu.memory_space<semaphore_mem>>)
      %dma_wait3A_393 = arith.constant 0 : i32
      %dma_wait3A_394 = tpu.memref_slice %arg10[%add3A_381, %dma_wait3A_393] : memref<16384x32xf32, #tpu.memory_space<hbm>> -> memref<128x32xf32, #tpu.memory_space<hbm>>
      %dma_wait3A_395 = arith.constant 0 : i32
      %dma_wait3A_396 = tpu.memref_slice %arg10[%add3A_381, %dma_wait3A_395] : memref<16384x32xf32, #tpu.memory_space<hbm>> -> memref<128x32xf32, #tpu.memory_space<hbm>>
      tpu.wait_dma2 semaphore(%run_scoped3A : memref<!tpu.dma_semaphore, #tpu.memory_space<semaphore_mem>>) src(%arg14 : memref<128x32xf32, #tpu.memory_space<vmem>>) dst(%dma_wait3A_396 : memref<128x32xf32, #tpu.memory_space<hbm>>)
      tpu.yield
    }) : () -> ()
    %dma_wait3A_382 = arith.constant 384 : i32
    %dma_wait3A_383 = tpu.memref_slice %arg13[%dma_wait3A_382] : memref<512xi32, #tpu.memory_space<vmem>> -> memref<128xi32, #tpu.memory_space<vmem>>
    %dma_wait3A_384 = arith.constant 0 : i32
    %dma_wait3A_385 = arith.constant 0 : i32
    %dma_wait3A_386 = tpu.memref_slice %arg4[%dma_wait3A_384, %dma_wait3A_385] : memref<1000x32xf32, #tpu.memory_space<hbm>> -> memref<1000x32xf32, #tpu.memory_space<hbm>>
    tpu.wait_indirect_dma semaphore(%arg17 : memref<!tpu.dma_semaphore, #tpu.memory_space<semaphore_mem>>) src(%dma_wait3A_386 : memref<1000x32xf32, #tpu.memory_space<hbm>>) dst(%arg15 : memref<128x32xf32, #tpu.memory_space<vmem>>)
    %add3A_387 = arith.constant 384 : i32
    %add3A_388 = arith.addi %mul3A_340, %add3A_387 : i32
    "tpu.region"() ({
      %run_scoped3A = tpu.sem_alloc : memref<!tpu.dma_semaphore, #tpu.memory_space<semaphore_mem>>
      %dma_start3A_389 = arith.constant 0 : i32
      %dma_start3A_390 = tpu.memref_slice %arg10[%add3A_388, %dma_start3A_389] : memref<16384x32xf32, #tpu.memory_space<hbm>> -> memref<128x32xf32, #tpu.memory_space<hbm>>
      %dma_start3A_391 = arith.constant 0 : i32
      %dma_start3A_392 = tpu.memref_slice %arg10[%add3A_388, %dma_start3A_391] : memref<16384x32xf32, #tpu.memory_space<hbm>> -> memref<128x32xf32, #tpu.memory_space<hbm>>
      tpu.enqueue_dma source(%arg15 : memref<128x32xf32, #tpu.memory_space<vmem>>) target(%dma_start3A_392 : memref<128x32xf32, #tpu.memory_space<hbm>>) target_semaphore(%run_scoped3A : memref<!tpu.dma_semaphore, #tpu.memory_space<semaphore_mem>>)
      %dma_wait3A_393 = arith.constant 0 : i32
      %dma_wait3A_394 = tpu.memref_slice %arg10[%add3A_388, %dma_wait3A_393] : memref<16384x32xf32, #tpu.memory_space<hbm>> -> memref<128x32xf32, #tpu.memory_space<hbm>>
      %dma_wait3A_395 = arith.constant 0 : i32
      %dma_wait3A_396 = tpu.memref_slice %arg10[%add3A_388, %dma_wait3A_395] : memref<16384x32xf32, #tpu.memory_space<hbm>> -> memref<128x32xf32, #tpu.memory_space<hbm>>
      tpu.wait_dma2 semaphore(%run_scoped3A : memref<!tpu.dma_semaphore, #tpu.memory_space<semaphore_mem>>) src(%arg15 : memref<128x32xf32, #tpu.memory_space<vmem>>) dst(%dma_wait3A_396 : memref<128x32xf32, #tpu.memory_space<hbm>>)
      tpu.yield
    }) : () -> ()
    return
  }
}

module attributes {stable_mosaic.version = 14 : i64} {
  func.func @_loss_kernel(%arg0: i32, %arg1: memref<512x128xf32, #tpu.memory_space<vmem>>, %arg2: memref<512x128xf32, #tpu.memory_space<vmem>>, %arg3: memref<512x128xf32, #tpu.memory_space<vmem>>, %arg4: memref<512x128xf32, #tpu.memory_space<vmem>>, %arg5: memref<512x128xf32, #tpu.memory_space<vmem>>, %arg6: memref<512x128xf32, #tpu.memory_space<vmem>>, %arg7: memref<512x128xf32, #tpu.memory_space<vmem>>, %arg8: memref<512x128xf32, #tpu.memory_space<vmem>>, %arg9: memref<512x128xf32, #tpu.memory_space<vmem>>, %arg10: memref<8x128xf32, #tpu.memory_space<vmem>>) attributes {dimension_semantics = [#tpu.dimension_semantics<arbitrary>], iteration_bounds = array<i64: 8>, scalar_prefetch = 0 : i64, scratch_operands = 0 : i64, tpu.core_type = #tpu.core_type<tc>, window_params = [{transform_indices = @transform_0, window_bounds = array<i64: 512, 128>}, {transform_indices = @transform_1, window_bounds = array<i64: 512, 128>}, {transform_indices = @transform_2, window_bounds = array<i64: 512, 128>}, {transform_indices = @transform_3, window_bounds = array<i64: 512, 128>}, {transform_indices = @transform_4, window_bounds = array<i64: 512, 128>}, {transform_indices = @transform_5, window_bounds = array<i64: 512, 128>}, {transform_indices = @transform_6, window_bounds = array<i64: 512, 128>}, {transform_indices = @transform_7, window_bounds = array<i64: 512, 128>}, {transform_indices = @transform_8, window_bounds = array<i64: 512, 128>}, {pipeline_mode = #tpu.pipeline_mode<synchronous>, transform_indices = @transform_9, window_bounds = array<i64: 8, 128>}]} {
    %iota3A = tpu.iota {dimensions = array<i32: 0>} : vector<512x128xi32>
    %mul3A = arith.constant 512 : i32
    %mul3A_0 = arith.muli %arg0, %mul3A : i32
    %add3A = vector.broadcast %mul3A_0 : i32 to vector<512x128xi32>
    %add3A_1 = arith.addi %iota3A, %add3A : vector<512x128xi32>
    %iota3A_2 = tpu.iota {dimensions = array<i32: 1>} : vector<512x128xi32>
    %mul3A_3 = arith.constant 4 : i32
    %mul3A_4 = vector.broadcast %mul3A_3 : i32 to vector<512x128xi32>
    %mul3A_5 = arith.muli %add3A_1, %mul3A_4 : vector<512x128xi32>
    %jit3A = arith.constant 32 : i32
    %div3A = vector.broadcast %jit3A : i32 to vector<512x128xi32>
    %div3A_6 = arith.divsi %iota3A_2, %div3A : vector<512x128xi32>
    %sign3A = arith.constant 0 : i32
    %sign3A_7 = vector.broadcast %sign3A : i32 to vector<512x128xi32>
    %sign3A_8 = arith.cmpi sgt, %iota3A_2, %sign3A_7 : vector<512x128xi32>
    %sign3A_9 = arith.extui %sign3A_8 : vector<512x128xi1> to vector<512x128xi32>
    %sign3A_10 = arith.constant 0 : i32
    %sign3A_11 = vector.broadcast %sign3A_10 : i32 to vector<512x128xi32>
    %sign3A_12 = arith.cmpi slt, %iota3A_2, %sign3A_11 : vector<512x128xi32>
    %sign3A_13 = arith.extui %sign3A_12 : vector<512x128xi1> to vector<512x128xi32>
    %sign3A_14 = arith.subi %sign3A_9, %sign3A_13 : vector<512x128xi32>
    %sign3A_15 = arith.constant 0 : i32
    %sign3A_16 = arith.cmpi sgt, %jit3A, %sign3A_15 : i32
    %sign3A_17 = arith.extui %sign3A_16 : i1 to i32
    %sign3A_18 = arith.constant 0 : i32
    %sign3A_19 = arith.cmpi slt, %jit3A, %sign3A_18 : i32
    %sign3A_20 = arith.extui %sign3A_19 : i1 to i32
    %sign3A_21 = arith.subi %sign3A_17, %sign3A_20 : i32
    %ne3A = vector.broadcast %sign3A_21 : i32 to vector<512x128xi32>
    %ne3A_22 = arith.cmpi ne, %sign3A_14, %ne3A : vector<512x128xi32>
    %rem3A = vector.broadcast %jit3A : i32 to vector<512x128xi32>
    %rem3A_23 = arith.remsi %iota3A_2, %rem3A : vector<512x128xi32>
    %ne3A_24 = arith.constant 0 : i32
    %ne3A_25 = vector.broadcast %ne3A_24 : i32 to vector<512x128xi32>
    %ne3A_26 = arith.cmpi ne, %rem3A_23, %ne3A_25 : vector<512x128xi32>
    %and3A = arith.andi %ne3A_22, %ne3A_26 : vector<512x128xi1>
    %sub3A = arith.constant 1 : i32
    %sub3A_27 = vector.broadcast %sub3A : i32 to vector<512x128xi32>
    %sub3A_28 = arith.subi %div3A_6, %sub3A_27 : vector<512x128xi32>
    %select_n3A = arith.select %and3A, %sub3A_28, %div3A_6 : vector<512x128xi1>, vector<512x128xi32>
    %add3A_29 = arith.addi %mul3A_5, %select_n3A : vector<512x128xi32>
    %get3A = arith.constant 0 : index
    %get3A_30 = arith.constant 0 : index
    %get3A_31 = vector.load %arg8[%get3A, %get3A_30] : memref<512x128xf32, #tpu.memory_space<vmem>>, vector<512x128xf32>
    %get3A_32 = arith.constant 0 : index
    %get3A_33 = arith.constant 0 : index
    %get3A_34 = vector.load %arg1[%get3A_32, %get3A_33] : memref<512x128xf32, #tpu.memory_space<vmem>>, vector<512x128xf32>
    %get3A_35 = arith.constant 0 : index
    %get3A_36 = arith.constant 0 : index
    %get3A_37 = vector.load %arg2[%get3A_35, %get3A_36] : memref<512x128xf32, #tpu.memory_space<vmem>>, vector<512x128xf32>
    %get3A_38 = arith.constant 0 : index
    %get3A_39 = arith.constant 0 : index
    %get3A_40 = vector.load %arg3[%get3A_38, %get3A_39] : memref<512x128xf32, #tpu.memory_space<vmem>>, vector<512x128xf32>
    %get3A_41 = arith.constant 0 : index
    %get3A_42 = arith.constant 0 : index
    %get3A_43 = vector.load %arg4[%get3A_41, %get3A_42] : memref<512x128xf32, #tpu.memory_space<vmem>>, vector<512x128xf32>
    %get3A_44 = arith.constant 0 : index
    %get3A_45 = arith.constant 0 : index
    %get3A_46 = vector.load %arg5[%get3A_44, %get3A_45] : memref<512x128xf32, #tpu.memory_space<vmem>>, vector<512x128xf32>
    %get3A_47 = arith.constant 0 : index
    %get3A_48 = arith.constant 0 : index
    %get3A_49 = vector.load %arg6[%get3A_47, %get3A_48] : memref<512x128xf32, #tpu.memory_space<vmem>>, vector<512x128xf32>
    %get3A_50 = arith.constant 0 : index
    %get3A_51 = arith.constant 0 : index
    %get3A_52 = vector.load %arg7[%get3A_50, %get3A_51] : memref<512x128xf32, #tpu.memory_space<vmem>>, vector<512x128xf32>
    %get3A_53 = arith.constant 0 : index
    %get3A_54 = arith.constant 0 : index
    %get3A_55 = vector.load %arg9[%get3A_53, %get3A_54] : memref<512x128xf32, #tpu.memory_space<vmem>>, vector<512x128xf32>
    %iota3A_56 = tpu.iota {dimensions = array<i32: 0>} : vector<128x128xi32>
    %iota3A_57 = tpu.iota {dimensions = array<i32: 1>} : vector<128x128xi32>
    %jit3A_58 = arith.constant 32 : i32
    %div3A_59 = vector.broadcast %jit3A_58 : i32 to vector<128x128xi32>
    %div3A_60 = arith.divsi %iota3A_56, %div3A_59 : vector<128x128xi32>
    %sign3A_61 = arith.constant 0 : i32
    %sign3A_62 = vector.broadcast %sign3A_61 : i32 to vector<128x128xi32>
    %sign3A_63 = arith.cmpi sgt, %iota3A_56, %sign3A_62 : vector<128x128xi32>
    %sign3A_64 = arith.extui %sign3A_63 : vector<128x128xi1> to vector<128x128xi32>
    %sign3A_65 = arith.constant 0 : i32
    %sign3A_66 = vector.broadcast %sign3A_65 : i32 to vector<128x128xi32>
    %sign3A_67 = arith.cmpi slt, %iota3A_56, %sign3A_66 : vector<128x128xi32>
    %sign3A_68 = arith.extui %sign3A_67 : vector<128x128xi1> to vector<128x128xi32>
    %sign3A_69 = arith.subi %sign3A_64, %sign3A_68 : vector<128x128xi32>
    %sign3A_70 = arith.constant 0 : i32
    %sign3A_71 = arith.cmpi sgt, %jit3A_58, %sign3A_70 : i32
    %sign3A_72 = arith.extui %sign3A_71 : i1 to i32
    %sign3A_73 = arith.constant 0 : i32
    %sign3A_74 = arith.cmpi slt, %jit3A_58, %sign3A_73 : i32
    %sign3A_75 = arith.extui %sign3A_74 : i1 to i32
    %sign3A_76 = arith.subi %sign3A_72, %sign3A_75 : i32
    %ne3A_77 = vector.broadcast %sign3A_76 : i32 to vector<128x128xi32>
    %ne3A_78 = arith.cmpi ne, %sign3A_69, %ne3A_77 : vector<128x128xi32>
    %rem3A_79 = vector.broadcast %jit3A_58 : i32 to vector<128x128xi32>
    %rem3A_80 = arith.remsi %iota3A_56, %rem3A_79 : vector<128x128xi32>
    %ne3A_81 = arith.constant 0 : i32
    %ne3A_82 = vector.broadcast %ne3A_81 : i32 to vector<128x128xi32>
    %ne3A_83 = arith.cmpi ne, %rem3A_80, %ne3A_82 : vector<128x128xi32>
    %and3A_84 = arith.andi %ne3A_78, %ne3A_83 : vector<128x128xi1>
    %sub3A_85 = arith.constant 1 : i32
    %sub3A_86 = vector.broadcast %sub3A_85 : i32 to vector<128x128xi32>
    %sub3A_87 = arith.subi %div3A_60, %sub3A_86 : vector<128x128xi32>
    %select_n3A_88 = arith.select %and3A_84, %sub3A_87, %div3A_60 : vector<128x128xi1>, vector<128x128xi32>
    %eq3A = arith.cmpi eq, %select_n3A_88, %iota3A_57 : vector<128x128xi32>
    %convert_element_type3A = arith.extui %eq3A : vector<128x128xi1> to vector<128x128xi32>
    %convert_element_type3A_89 = arith.sitofp %convert_element_type3A : vector<128x128xi32> to vector<128x128xf32>
    %lt3A = arith.constant 4 : i32
    %lt3A_90 = vector.broadcast %lt3A : i32 to vector<512x128xi32>
    %lt3A_91 = arith.cmpi slt, %iota3A_2, %lt3A_90 : vector<512x128xi32>
    %convert_element_type3A_92 = arith.extui %lt3A_91 : vector<512x128xi1> to vector<512x128xi32>
    %convert_element_type3A_93 = arith.sitofp %convert_element_type3A_92 : vector<512x128xi32> to vector<512x128xf32>
    %jit3A_94 = arith.constant -1.000000e+00 : f32
    %jit3A_95 = arith.constant 1.000000e+00 : f32
    %max3A = vector.broadcast %jit3A_94 : f32 to vector<512x128xf32>
    %max3A_96 = arith.maximumf %max3A, %get3A_34 : vector<512x128xf32>
    %min3A = vector.broadcast %jit3A_95 : f32 to vector<512x128xf32>
    %min3A_97 = arith.minimumf %min3A, %max3A_96 : vector<512x128xf32>
    %add3A_98 = arith.addf %min3A_97, %get3A_46 : vector<512x128xf32>
    %lt3A_99 = arith.constant 14746 : i32
    %lt3A_100 = vector.broadcast %lt3A_99 : i32 to vector<512x128xi32>
    %lt3A_101 = arith.cmpi slt, %add3A_29, %lt3A_100 : vector<512x128xi32>
    %select_n3A_102 = arith.select %lt3A_101, %get3A_34, %add3A_98 : vector<512x128xi1>, vector<512x128xf32>
    %lt3A_103 = arith.constant 1638 : i32
    %lt3A_104 = vector.broadcast %lt3A_103 : i32 to vector<512x128xi32>
    %lt3A_105 = arith.cmpi slt, %add3A_29, %lt3A_104 : vector<512x128xi32>
    %jit3A_106 = arith.constant -1.000000e+00 : f32
    %jit3A_107 = arith.constant 1.000000e+00 : f32
    %max3A_108 = vector.broadcast %jit3A_106 : f32 to vector<512x128xf32>
    %max3A_109 = arith.maximumf %max3A_108, %get3A_40 : vector<512x128xf32>
    %min3A_110 = vector.broadcast %jit3A_107 : f32 to vector<512x128xf32>
    %min3A_111 = arith.minimumf %min3A_110, %max3A_109 : vector<512x128xf32>
    %add3A_112 = arith.addf %min3A_111, %get3A_49 : vector<512x128xf32>
    %select_n3A_113 = arith.select %lt3A_105, %add3A_112, %get3A_40 : vector<512x128xi1>, vector<512x128xf32>
    %jit3A_114 = arith.constant -1.000000e+00 : f32
    %jit3A_115 = arith.constant 1.000000e+00 : f32
    %max3A_116 = vector.broadcast %jit3A_114 : f32 to vector<512x128xf32>
    %max3A_117 = arith.maximumf %max3A_116, %get3A_43 : vector<512x128xf32>
    %min3A_118 = vector.broadcast %jit3A_115 : f32 to vector<512x128xf32>
    %min3A_119 = arith.minimumf %min3A_118, %max3A_117 : vector<512x128xf32>
    %add3A_120 = arith.addf %min3A_119, %get3A_52 : vector<512x128xf32>
    %sub3A_121 = arith.subf %select_n3A_102, %select_n3A_113 : vector<512x128xf32>
    %mul3A_122 = arith.mulf %get3A_31, %sub3A_121 : vector<512x128xf32>
    %dot_general3A = arith.constant dense<0.000000e+00> : vector<512x128xf32>
    %dot_general3A_123 = tpu.matmul %mul3A_122, %convert_element_type3A_89, %dot_general3A {dimension_numbers = #tpu.dot_dimension_numbers<[1], [0], [0], [1], [0, 0, 1, 1], [], []>, transpose_lhs_hint = false} : vector<512x128xf32>, vector<128x128xf32>, vector<512x128xf32> -> vector<512x128xf32>
    %neg3A = arith.constant 0.000000e+00 : f32
    %neg3A_124 = vector.broadcast %neg3A : f32 to vector<512x128xf32>
    %neg3A_125 = arith.subf %neg3A_124, %dot_general3A_123 : vector<512x128xf32>
    %max3A_126 = arith.constant 0.000000e+00 : f32
    %max3A_127 = vector.broadcast %max3A_126 : f32 to vector<512x128xf32>
    %max3A_128 = arith.maximumf %neg3A_125, %max3A_127 : vector<512x128xf32>
    %abs3A = math.absf %neg3A_125 : vector<512x128xf32>
    %neg3A_129 = arith.constant 0.000000e+00 : f32
    %neg3A_130 = vector.broadcast %neg3A_129 : f32 to vector<512x128xf32>
    %neg3A_131 = arith.subf %neg3A_130, %abs3A : vector<512x128xf32>
    %exp3A = math.exp %neg3A_131 : vector<512x128xf32>
    %log1p3A = math.log1p %exp3A : vector<512x128xf32>
    %add3A_132 = arith.addf %max3A_128, %log1p3A : vector<512x128xf32>
    %mul3A_133 = arith.mulf %add3A_132, %convert_element_type3A_93 : vector<512x128xf32>
    %reduce_sum3A = vector.shape_cast %mul3A_133 : vector<512x128xf32> to vector<1x512x128xf32>
    %reduce_sum3A_134 = arith.constant dense<0.000000e+00> : vector<1xf32>
    %reduce_sum3A_135 = vector.multi_reduction <add>, %reduce_sum3A, %reduce_sum3A_134 [1, 2] : vector<1x512x128xf32> to vector<1xf32>
    %reduce_sum3A_136 = vector.shape_cast %reduce_sum3A_135 : vector<1xf32> to vector<1x1x1xf32>
    %reduce_sum3A_137 = vector.extract %reduce_sum3A_136[0, 0, 0] : f32 from vector<1x1x1xf32>
    %mul3A_138 = arith.mulf %get3A_31, %get3A_31 : vector<512x128xf32>
    %mul3A_139 = arith.mulf %select_n3A_102, %select_n3A_102 : vector<512x128xf32>
    %add3A_140 = arith.addf %mul3A_138, %mul3A_139 : vector<512x128xf32>
    %mul3A_141 = arith.mulf %get3A_37, %get3A_37 : vector<512x128xf32>
    %add3A_142 = arith.addf %add3A_140, %mul3A_141 : vector<512x128xf32>
    %reduce_sum3A_143 = vector.shape_cast %add3A_142 : vector<512x128xf32> to vector<1x512x128xf32>
    %reduce_sum3A_144 = arith.constant dense<0.000000e+00> : vector<1xf32>
    %reduce_sum3A_145 = vector.multi_reduction <add>, %reduce_sum3A_143, %reduce_sum3A_144 [1, 2] : vector<1x512x128xf32> to vector<1xf32>
    %reduce_sum3A_146 = vector.shape_cast %reduce_sum3A_145 : vector<1xf32> to vector<1x1x1xf32>
    %reduce_sum3A_147 = vector.extract %reduce_sum3A_146[0, 0, 0] : f32 from vector<1x1x1xf32>
    %sub3A_148 = arith.subf %add3A_120, %get3A_37 : vector<512x128xf32>
    %mul3A_149 = arith.mulf %get3A_31, %sub3A_148 : vector<512x128xf32>
    %dot_general3A_150 = arith.constant dense<0.000000e+00> : vector<512x128xf32>
    %dot_general3A_151 = tpu.matmul %mul3A_149, %convert_element_type3A_89, %dot_general3A_150 {dimension_numbers = #tpu.dot_dimension_numbers<[1], [0], [0], [1], [0, 0, 1, 1], [], []>, transpose_lhs_hint = false} : vector<512x128xf32>, vector<128x128xf32>, vector<512x128xf32> -> vector<512x128xf32>
    %neg3A_152 = arith.constant 0.000000e+00 : f32
    %neg3A_153 = vector.broadcast %neg3A_152 : f32 to vector<512x128xf32>
    %neg3A_154 = arith.subf %neg3A_153, %dot_general3A_151 : vector<512x128xf32>
    %max3A_155 = arith.constant 0.000000e+00 : f32
    %max3A_156 = vector.broadcast %max3A_155 : f32 to vector<512x128xf32>
    %max3A_157 = arith.maximumf %neg3A_154, %max3A_156 : vector<512x128xf32>
    %abs3A_158 = math.absf %neg3A_154 : vector<512x128xf32>
    %neg3A_159 = arith.constant 0.000000e+00 : f32
    %neg3A_160 = vector.broadcast %neg3A_159 : f32 to vector<512x128xf32>
    %neg3A_161 = arith.subf %neg3A_160, %abs3A_158 : vector<512x128xf32>
    %exp3A_162 = math.exp %neg3A_161 : vector<512x128xf32>
    %log1p3A_163 = math.log1p %exp3A_162 : vector<512x128xf32>
    %add3A_164 = arith.addf %max3A_157, %log1p3A_163 : vector<512x128xf32>
    %mul3A_165 = arith.mulf %add3A_164, %get3A_55 : vector<512x128xf32>
    %reduce_sum3A_166 = vector.shape_cast %mul3A_165 : vector<512x128xf32> to vector<1x512x128xf32>
    %reduce_sum3A_167 = arith.constant dense<0.000000e+00> : vector<1xf32>
    %reduce_sum3A_168 = vector.multi_reduction <add>, %reduce_sum3A_166, %reduce_sum3A_167 [1, 2] : vector<1x512x128xf32> to vector<1xf32>
    %reduce_sum3A_169 = vector.shape_cast %reduce_sum3A_168 : vector<1xf32> to vector<1x1x1xf32>
    %reduce_sum3A_170 = vector.extract %reduce_sum3A_169[0, 0, 0] : f32 from vector<1x1x1xf32>
    %sub3A_171 = arith.subf %convert_element_type3A_93, %get3A_55 : vector<512x128xf32>
    %mul3A_172 = arith.mulf %add3A_164, %sub3A_171 : vector<512x128xf32>
    %reduce_sum3A_173 = vector.shape_cast %mul3A_172 : vector<512x128xf32> to vector<1x512x128xf32>
    %reduce_sum3A_174 = arith.constant dense<0.000000e+00> : vector<1xf32>
    %reduce_sum3A_175 = vector.multi_reduction <add>, %reduce_sum3A_173, %reduce_sum3A_174 [1, 2] : vector<1x512x128xf32> to vector<1xf32>
    %reduce_sum3A_176 = vector.shape_cast %reduce_sum3A_175 : vector<1xf32> to vector<1x1x1xf32>
    %reduce_sum3A_177 = vector.extract %reduce_sum3A_176[0, 0, 0] : f32 from vector<1x1x1xf32>
    %mul3A_178 = arith.mulf %add3A_120, %add3A_120 : vector<512x128xf32>
    %dot_general3A_179 = arith.constant dense<0.000000e+00> : vector<512x128xf32>
    %dot_general3A_180 = tpu.matmul %mul3A_178, %convert_element_type3A_89, %dot_general3A_179 {dimension_numbers = #tpu.dot_dimension_numbers<[1], [0], [0], [1], [0, 0, 1, 1], [], []>, transpose_lhs_hint = false} : vector<512x128xf32>, vector<128x128xf32>, vector<512x128xf32> -> vector<512x128xf32>
    %mul3A_181 = arith.mulf %dot_general3A_180, %get3A_55 : vector<512x128xf32>
    %reduce_sum3A_182 = vector.shape_cast %mul3A_181 : vector<512x128xf32> to vector<1x512x128xf32>
    %reduce_sum3A_183 = arith.constant dense<0.000000e+00> : vector<1xf32>
    %reduce_sum3A_184 = vector.multi_reduction <add>, %reduce_sum3A_182, %reduce_sum3A_183 [1, 2] : vector<1x512x128xf32> to vector<1xf32>
    %reduce_sum3A_185 = vector.shape_cast %reduce_sum3A_184 : vector<1xf32> to vector<1x1x1xf32>
    %reduce_sum3A_186 = vector.extract %reduce_sum3A_185[0, 0, 0] : f32 from vector<1x1x1xf32>
    %sub3A_187 = arith.subf %convert_element_type3A_93, %get3A_55 : vector<512x128xf32>
    %mul3A_188 = arith.mulf %dot_general3A_180, %sub3A_187 : vector<512x128xf32>
    %reduce_sum3A_189 = vector.shape_cast %mul3A_188 : vector<512x128xf32> to vector<1x512x128xf32>
    %reduce_sum3A_190 = arith.constant dense<0.000000e+00> : vector<1xf32>
    %reduce_sum3A_191 = vector.multi_reduction <add>, %reduce_sum3A_189, %reduce_sum3A_190 [1, 2] : vector<1x512x128xf32> to vector<1xf32>
    %reduce_sum3A_192 = vector.shape_cast %reduce_sum3A_191 : vector<1xf32> to vector<1x1x1xf32>
    %reduce_sum3A_193 = vector.extract %reduce_sum3A_192[0, 0, 0] : f32 from vector<1x1x1xf32>
    %broadcast_in_dim3A = vector.broadcast %reduce_sum3A_137 : f32 to vector<128xf32>
    %broadcast_in_dim3A_194 = vector.broadcast %reduce_sum3A_147 : f32 to vector<128xf32>
    %broadcast_in_dim3A_195 = vector.broadcast %reduce_sum3A_170 : f32 to vector<128xf32>
    %broadcast_in_dim3A_196 = vector.broadcast %reduce_sum3A_177 : f32 to vector<128xf32>
    %broadcast_in_dim3A_197 = vector.broadcast %reduce_sum3A_186 : f32 to vector<128xf32>
    %broadcast_in_dim3A_198 = vector.broadcast %reduce_sum3A_193 : f32 to vector<128xf32>
    %broadcast_in_dim3A_199 = arith.constant 0.000000e+00 : f32
    %broadcast_in_dim3A_200 = vector.broadcast %broadcast_in_dim3A_199 : f32 to vector<128xf32>
    %broadcast_in_dim3A_201 = arith.constant 0.000000e+00 : f32
    %broadcast_in_dim3A_202 = vector.broadcast %broadcast_in_dim3A_201 : f32 to vector<128xf32>
    %stack3A = vector.shape_cast %broadcast_in_dim3A : vector<128xf32> to vector<1x128xf32>
    %stack3A_203 = vector.shape_cast %broadcast_in_dim3A_194 : vector<128xf32> to vector<1x128xf32>
    %stack3A_204 = vector.shape_cast %broadcast_in_dim3A_195 : vector<128xf32> to vector<1x128xf32>
    %stack3A_205 = vector.shape_cast %broadcast_in_dim3A_196 : vector<128xf32> to vector<1x128xf32>
    %stack3A_206 = vector.shape_cast %broadcast_in_dim3A_197 : vector<128xf32> to vector<1x128xf32>
    %stack3A_207 = vector.shape_cast %broadcast_in_dim3A_198 : vector<128xf32> to vector<1x128xf32>
    %stack3A_208 = vector.shape_cast %broadcast_in_dim3A_200 : vector<128xf32> to vector<1x128xf32>
    %stack3A_209 = vector.shape_cast %broadcast_in_dim3A_202 : vector<128xf32> to vector<1x128xf32>
    %stack3A_210 = tpu.concatenate %stack3A, %stack3A_203, %stack3A_204, %stack3A_205, %stack3A_206, %stack3A_207, %stack3A_208, %stack3A_209 in 0 : vector<1x128xf32>, vector<1x128xf32>, vector<1x128xf32>, vector<1x128xf32>, vector<1x128xf32>, vector<1x128xf32>, vector<1x128xf32>, vector<1x128xf32> -> vector<8x128xf32>
    %eq3A_211 = arith.constant 0 : i32
    %eq3A_212 = arith.cmpi eq, %arg0, %eq3A_211 : i32
    %convert_element_type3A_213 = arith.extui %eq3A_212 : i1 to i32
    %cond3A = arith.constant 0 : i32
    %cond3A_214 = arith.cmpi ne, %convert_element_type3A_213, %cond3A : i32
    scf.if %cond3A_214 {
      %broadcast_in_dim3A_221 = arith.constant 0.000000e+00 : f32
      %broadcast_in_dim3A_222 = vector.broadcast %broadcast_in_dim3A_221 : f32 to vector<8x128xf32>
      %swap3A_223 = arith.constant 0 : index
      %swap3A_224 = arith.constant 0 : index
      %swap3A_225 = vector.load %arg10[%swap3A_223, %swap3A_224] : memref<8x128xf32, #tpu.memory_space<vmem>>, vector<8x128xf32>
      tpu.vector_store %arg10[%swap3A_223, %swap3A_224], %broadcast_in_dim3A_222 {strides = array<i32>} : memref<8x128xf32, #tpu.memory_space<vmem>>, vector<8x128xf32>,
    } else {
    }
    %get3A_215 = arith.constant 0 : index
    %get3A_216 = arith.constant 0 : index
    %get3A_217 = vector.load %arg10[%get3A_215, %get3A_216] : memref<8x128xf32, #tpu.memory_space<vmem>>, vector<8x128xf32>
    %add3A_218 = arith.addf %get3A_217, %stack3A_210 : vector<8x128xf32>
    %swap3A = arith.constant 0 : index
    %swap3A_219 = arith.constant 0 : index
    %swap3A_220 = vector.load %arg10[%swap3A, %swap3A_219] : memref<8x128xf32, #tpu.memory_space<vmem>>, vector<8x128xf32>
    tpu.vector_store %arg10[%swap3A, %swap3A_219], %add3A_218 {strides = array<i32>} : memref<8x128xf32, #tpu.memory_space<vmem>>, vector<8x128xf32>,
    return
  }
  func.func @transform_0(%arg0: i32) -> (i32, i32) {
    %add3A = arith.constant 0 : i32
    %add3A_0 = arith.addi %add3A, %arg0 : i32
    %c0_i32 = arith.constant 0 : i32
    %c0_i32_1 = arith.constant 0 : i32
    return %add3A_0, %c0_i32 : i32, i32
  }
  func.func @transform_1(%arg0: i32) -> (i32, i32) {
    %add3A = arith.constant 8 : i32
    %add3A_0 = arith.addi %add3A, %arg0 : i32
    %c0_i32 = arith.constant 0 : i32
    %c0_i32_1 = arith.constant 0 : i32
    return %add3A_0, %c0_i32 : i32, i32
  }
  func.func @transform_2(%arg0: i32) -> (i32, i32) {
    %add3A = arith.constant 16 : i32
    %add3A_0 = arith.addi %add3A, %arg0 : i32
    %c0_i32 = arith.constant 0 : i32
    %c0_i32_1 = arith.constant 0 : i32
    return %add3A_0, %c0_i32 : i32, i32
  }
  func.func @transform_3(%arg0: i32) -> (i32, i32) {
    %add3A = arith.constant 24 : i32
    %add3A_0 = arith.addi %add3A, %arg0 : i32
    %c0_i32 = arith.constant 0 : i32
    %c0_i32_1 = arith.constant 0 : i32
    return %add3A_0, %c0_i32 : i32, i32
  }
  func.func @transform_4(%arg0: i32) -> (i32, i32) {
    %add3A = arith.constant 0 : i32
    %add3A_0 = arith.addi %add3A, %arg0 : i32
    %c0_i32 = arith.constant 0 : i32
    %c0_i32_1 = arith.constant 0 : i32
    return %add3A_0, %c0_i32 : i32, i32
  }
  func.func @transform_5(%arg0: i32) -> (i32, i32) {
    %add3A = arith.constant 8 : i32
    %add3A_0 = arith.addi %add3A, %arg0 : i32
    %c0_i32 = arith.constant 0 : i32
    %c0_i32_1 = arith.constant 0 : i32
    return %add3A_0, %c0_i32 : i32, i32
  }
  func.func @transform_6(%arg0: i32) -> (i32, i32) {
    %add3A = arith.constant 16 : i32
    %add3A_0 = arith.addi %add3A, %arg0 : i32
    %c0_i32 = arith.constant 0 : i32
    %c0_i32_1 = arith.constant 0 : i32
    return %add3A_0, %c0_i32 : i32, i32
  }
  func.func @transform_7(%arg0: i32) -> (i32, i32) {
    %add3A = arith.constant 0 : i32
    %add3A_0 = arith.addi %add3A, %arg0 : i32
    %c0_i32 = arith.constant 0 : i32
    %c0_i32_1 = arith.constant 0 : i32
    return %add3A_0, %c0_i32 : i32, i32
  }
  func.func @transform_8(%arg0: i32) -> (i32, i32) {
    %add3A = arith.constant 0 : i32
    %add3A_0 = arith.addi %add3A, %arg0 : i32
    %c0_i32 = arith.constant 0 : i32
    %c0_i32_1 = arith.constant 0 : i32
    return %add3A_0, %c0_i32 : i32, i32
  }
  func.func @transform_9(%arg0: i32) -> (i32, i32) {
    %c0_i32 = arith.constant 0 : i32
    %c0_i32_0 = arith.constant 0 : i32
    %c0_i32_1 = arith.constant 0 : i32
    return %c0_i32, %c0_i32_0 : i32, i32
  }
}

</mosaic_0001>

<sc_bundles>
// kernel: gather_offload_async_start.1
scs
__scs_entry_jumppad:
0x0: {  	(pc) =	sbr.rel $0x88, $3  }
0x1: {  	(tag) =	ssettag $0x0;
	lr =	simm.s32 $0x1  }
0x2: {  	[smem:$0x3F9A] =	sst lr;
	_ =	strace $0xD0000000  }
0x3: {  	_ = 	snop  }
0x4: {  	_ = 	snop  }
0x5: {  	_ = 	snop  }
0x6: {  	_ = 	snop  }
0x7: {  	_ = 	snop  }
__scs_overlays_trampoline_lowered:
0x8: {  	[smem:$0x3FA9] =	sst s0  }
0x9: {  	[smem:$0x3FAA] =	sst s1  }
0xa: {  	[smem:$0x3FAB] =	sst s2  }
0xb: {  	[smem:$0x3FAC] =	sst s3  }
0xc: {  	[smem:$0x3FAD] =	sst s4  }
0xd: {  	[smem:$0x3FAE] =	sst s5  }
0xe: {  	[smem:$0x3FAF] =	sst s6  }
0xf: {  	[smem:$0x3FB0] =	sst s7  }
0x10: {  	[smem:$0x3FB1] =	sst s8  }
0x11: {  	[smem:$0x3FB2] =	sst s9;
	s0 =	simm.s32 @!p0 $0x0  }
0x12: {  	s1 =	sld [smem:$0x3F98];
	s0 =	simm.s32 @p0 $0x1  }
0x13: {  	[smem:$0x3FB3] =	sst s0;
	s0 =	simm.s32 @!p1 $0x0  }
0x14: {  	s2 =	sld [smem:$0x3F97];
	s0 =	simm.s32 @p1 $0x1  }
0x15: {  	[smem:$0x3FB4] =	sst s0;
	s0 =	simm.s32 @!p2 $0x0  }
0x16: {  	s3 =	sld [smem:$0x3FDB];
	s0 =	simm.s32 @p2 $0x1  }
0x17: {  	s4 =	simm.s32 $0x1BF5;
	[smem:$0x3FB6] =	sst s0  }
0x18: {  	s0 =	sld [smem:$0x3F99];
	_ =	swait.ge [sflag:s4], $0x0  }
0x19: {  	s7 =	sld [smem:$0x3F9A]  }
0x1a: {  	s8 =	sadd.s32 $0xFFFFE003, lr  }
0x1b: {  	s9 =	sadd.s32 $0xFFFFFEF7, lr;
	s5 =	simm.s32 $0xFFFFFFFF;
	p2 =	slt.u32 s8, $0xFFFFF086  }
0x1c: {  	p1 =	slt.u32 s9, $0xF7A;
	s5 =	simm.s32 @!p2 $0x0  }
0x1d: {  	s5 =	simm.s32 @p1 $0x1;
	p0 =	seq.s32 s7, s2  }
0x1e: {  	s7 =	smul.u32 @!p0 $0xF7A, s2;
	p2 =	seq.s32 @!p0 s5, $0x0  }
0x1f: {  	s9 =	smul.u32 $0xF7A, s1;
	s8 =	simm.s32 @!p0 $0x1BF5;
	p2 =	por !p2, p0  }
0x20: {  	[sflag:s8] =	ssyncset.s32 @!p0 $0xFFFFF086;
	s6 =	sadd.s32 @!p0 s3, s7;
	s7 =	simm.s32 @!p0 $0x108  }
0x21: {  	s3 =	sadd.s32 s3, s9;
	s6 =	sadd.s32 @!p0 $0x88, s6;
	s7 =	simm.s32 @p2 $0x1082  }
0x22: {  	[simem:s7], [sflag:s8] =	dma.local @!p0 [hbm:s6], $0xF7A  }
0x23: {  	s9 =	sor.u32 $0xD0000000, s2;
	s6 =	simm.s32 $0x108;
	_ =	swait.ge @!p0 [sflag:s8], $0x0  }
0x24: {  	s3 =	sadd.s32 $0x88, s3;
	s6 =	simm.s32 @!p1 $0x1082;
	[sflag:s4] =	ssyncset.s32 $0xFFFFF086  }
0x25: {  	[simem:s6], [sflag:s4] =	dma.local [hbm:s3], $0xF7A  }
0x26: {  	[smem:$0x3F9A] =	sst s1;
	(tag) =	ssettag s2;
	_ =	strace s9  }
0x27: {  	s1 =	sld [smem:$0x3FAA]  }
0x28: {  	s2 =	sld [smem:$0x3FAB]  }
0x29: {  	s4 =	sld [smem:$0x3FAD]  }
0x2a: {  	p0 =	seq.s32 s5, $0x0;
	s5 =	sld [smem:$0x3FAE]  }
0x2b: {  	s6 =	sld [smem:$0x3FAF]  }
0x2c: {  	s7 =	sld [smem:$0x3FB0]  }
0x2d: {  	s3 =	simm.s32 $0x108;
	s8 =	sld [smem:$0x3FB1]  }
0x2e: {  	s3 =	simm.s32 @!p0 $0x1082;
	s9 =	sld [smem:$0x3FB2]  }
0x2f: {  	lr =	sadd.s32 s0, s3;
	s0 =	sld [smem:$0x3FA9]  }
0x30: {  	s3 =	sld [smem:$0x3FAC]  }
0x31: {  	[smem:$0x3FB5] =	sst s10  }
0x32: {  	s10 =	sld [smem:$0x3FB3];
	_ =	sdelay $0x3  }
0x33: {  	p0 =	seq.s32 s10, $0x1;
	s10 =	sld [smem:$0x3FB5];
	_ =	sdelay $0x3  }
0x34: {  	[smem:$0x3FB5] =	sst s10  }
0x35: {  	s10 =	sld [smem:$0x3FB4];
	_ =	sdelay $0x3  }
0x36: {  	p1 =	seq.s32 s10, $0x1;
	s10 =	sld [smem:$0x3FB5];
	_ =	sdelay $0x3  }
0x37: {  	[smem:$0x3FB5] =	sst s10  }
0x38: {  	s10 =	sld [smem:$0x3FB6]  }
0x39: {  	_ = 	snop;
	(pc) =	sbr.ind lr, $3  }
0x3a: {  	_ = 	snop  }
0x3b: {  	_ = 	snop  }
0x3c: {  	p2 =	seq.s32 s10, $0x1;
	s10 =	sld [smem:$0x3FB5]  }
0x3d: {  	_ =	shalt  }
0x3e: {  	_ =	shalt  }
0x3f: {  	_ =	shalt  }
0x40: {  	_ =	shalt  }
0x41: {  	_ =	shalt  }
0x42: {  	_ =	shalt  }
0x43: {  	_ =	shalt  }
0x44: {  	_ =	shalt  }
0x45: {  	_ =	shalt  }
0x46: {  	_ =	shalt  }
0x47: {  	_ =	shalt  }
0x48: {  	_ =	shalt  }
0x49: {  	_ =	shalt  }
0x4a: {  	_ =	shalt  }
0x4b: {  	_ =	shalt  }
0x4c: {  	_ =	shalt  }
0x4d: {  	_ =	shalt  }
0x4e: {  	_ =	shalt  }
0x4f: {  	_ =	shalt  }
0x50: {  	_ =	shalt  }
0x51: {  	_ =	shalt  }
0x52: {  	_ =	shalt  }
0x53: {  	_ =	shalt  }
0x54: {  	_ =	shalt  }
0x55: {  	_ =	shalt  }
0x56: {  	_ =	shalt  }
0x57: {  	_ =	shalt  }
0x58: {  	_ =	shalt  }
0x59: {  	_ =	shalt  }
0x5a: {  	_ =	shalt  }
0x5b: {  	_ =	shalt  }
0x5c: {  	_ =	shalt  }
0x5d: {  	_ =	shalt  }
0x5e: {  	_ =	shalt  }
0x5f: {  	_ =	shalt  }
0x60: {  	_ =	shalt  }
0x61: {  	_ =	shalt  }
0x62: {  	_ =	shalt  }
0x63: {  	_ =	shalt  }
0x64: {  	_ =	shalt  }
0x65: {  	_ =	shalt  }
0x66: {  	_ =	shalt  }
0x67: {  	_ =	shalt  }
0x68: {  	_ =	shalt  }
0x69: {  	_ =	shalt  }
0x6a: {  	_ =	shalt  }
0x6b: {  	_ =	shalt  }
0x6c: {  	_ =	shalt  }
0x6d: {  	_ =	shalt  }
0x6e: {  	_ =	shalt  }
0x6f: {  	_ =	shalt  }
0x70: {  	_ =	shalt  }
0x71: {  	_ =	shalt  }
0x72: {  	_ =	shalt  }
0x73: {  	_ =	shalt  }
0x74: {  	_ =	shalt  }
0x75: {  	_ =	shalt  }
0x76: {  	_ =	shalt  }
0x77: {  	_ =	shalt  }
0x78: {  	_ =	shalt  }
0x79: {  	_ =	shalt  }
0x7a: {  	_ =	shalt  }
0x7b: {  	_ =	shalt  }
0x7c: {  	_ =	shalt  }
0x7d: {  	_ =	shalt  }
0x7e: {  	_ =	shalt  }
0x7f: {  	_ =	shalt  }
0x80: {  	_ =	shalt  }
0x81: {  	_ =	shalt  }
0x82: {  	_ =	shalt  }
0x83: {  	_ =	shalt  }
0x84: {  	_ =	shalt  }
0x85: {  	_ =	shalt  }
0x86: {  	_ =	shalt  }
0x87: {  	_ =	shalt  }
.Lfunc_end0:
.L_simem_size_0:
called_computation.1_lowered:
.L_overlay_start_0:
0x88: {  	s2 =	sld [smem:$0x3FD9]  }
0x89: {  	s3 =	sld [smem:$0x3FFE];
	_ =	sdelay $0x1  }
0x8a: {  	s1 =	srdreg.scid  }
0x8b: {  	s0 =	sand.u32 $0x1, s1  }
0x8c: {  	s17 =	sshll.u32 s0, $0xA;
	s2 =	sadd.s32 s3, s2  }
0x8d: {  	s2 =	sadd.s32 s2, s17  }
0x8e: {  	[smem:$0x3FC1] =	sst s2  }
0x8f: {  	_ = 	snop  }
0x90: {  	s2 =	sld [smem:$0x3FC8];
	(tm) =	ssettm $0x1  }
0x91: {  	s18 =	sld [smem:$0x3FFB];
	_ =	sdelay $0x3  }
0x92: {  	_ =	strace s18  }
0x93: {  	s3 =	sld [smem:$0x3FFC];
	_ =	sdelay $0x3  }
0x94: {  	_ =	strace s3  }
0x95: {  	s3 =	sld [smem:$0x3FFD];
	_ =	sdelay $0x3  }
0x96: {  	_ =	strace s3  }
0x97: {  	_ =	strace $0x8FFFFFFF  }
0x98: {  	s19 =	sld [smem:$0x3FDB];
	_ =	sdelay $0x1  }
0x99: {  	s4 =	simm.s32 $_scs_section_size  }
0x9a: {  	s5 =	simm.s32 $_size__tile_overlayer_lowered;
	s6 =	simm.s32 $_tile_overlayer_lowered  }
0x9b: {  	s22 =	simm.s32 $0x1BFF;
	s21 =	sshll.u32 s6, $0x1;
	s3 =	sadd.s32 s4, s19  }
0x9c: {  	s7 =	simm.s32 $0x0;
	s20 =	sshll.u32 s5, $0x1;
	s5 =	sadd.s32 s21, s3  }
0x9d: {  	[timem:s7], [sflag:s22] =	dma.local [hbm:s5], s20  }
0x9e: {  	_ =	swait.ge [sflag:s22], s20  }
0x9f: {  	s4 =	ssub.s32 $0x0, s20;
	[sflag:s22] =	ssyncset.done $0x0  }
0xa0: {  	[sflag:s22] =	ssyncadd.s32 s4;
	_ =	sdelay $0x1  }
0xa1: {  	s23 =	simm.s32 $0x1B8B  }
0xa2: {  	_ =	swait.ge [sflag:s23], $0x1  }
0xa3: {  	[sflag:s23] =	ssyncset.done $0x0  }
0xa4: {  	s25 =	simm.s32 $0x1B8E;
	s24 =	sld [smem:$0x3FFE];
	[sflag:s23] =	ssyncadd.s32 $0xFFFFFFFF  }
0xa5: {  	s26 =	simm.s32 $execute0_lowered;
	[smem:$0x3FD2] =	sst s25  }
0xa6: {  	s5 =	sshll.u32 s26, $0x1;
	_ =	strace $0x80000049;
	[dreg:$0x1] =	wrdreg $0xFFFFFFFF  }
0xa7: {  	s28 =	simm.s32 $_size_execute0_lowered;
	s3 =	sadd.s32 s3, s5;
	[dreg:$0x0] =	wrdreg $0x0  }
0xa8: {  	s5 =	sshll.u32 s28, $0x1;
	[dreg:$0x2] =	wrdreg s3  }
0xa9: {  	[dreg:$0x3] =	wrdreg s5  }
0xaa: {  	[dreg:$0x4] =	wrdreg $0xC0  }
0xab: {  	_ =	task [dreg:s7], $0x5FFFF  }
0xac: {  	[dreg:$0x1] =	wrdreg $0xFFFFFFFF  }
0xad: {  	[dreg:$0x0] =	wrdreg $0x60  }
0xae: {  	[dreg:$0x2] =	wrdreg s2  }
0xaf: {  	[dreg:$0x3] =	wrdreg s24  }
0xb0: {  	[dreg:$0x4] =	wrdreg $0x9  }
0xb1: {  	_ =	task.clear_ibuf [dreg:s7], $0x5FFFF;
	_ =	strace $0x90000049  }
0xb2: {  	s29 =	simm.s32 $0x9;
	_ =	strace $0x8000004B  }
0xb3: {  	_ =	swait.ge [sflag:s29], $0x1  }
0xb4: {  	[sflag:s29] =	ssyncadd.s32 $0xFFFFFFFF  }
0xb5: {  	_ =	strace $0x9000004B  }
0xb6: {  	_ =	sfence  }
0xb7: {  	s30 =	sld [smem:$0x0];
	_ =	sdelay $0x2  }
0xb8: {  	s31 =	sshll.u32 s1, $0xD;
	s1 =	sshrl.u32 s1, $0x2  }
0xb9: {  	s3 =	sand.u32 $0x4000, s31;
	s1 =	sadd.s32 s1, s30  }
0xba: {  	s0 =	sor.u32 s3, s0;
	s1 =	sshll.u32 s1, $0x11  }
0xbb: {  	s0 =	sor.u32 s1, s0  }
0xbc: {  	s0 =	sadd.s32 $0x8F2B, s0  }
0xbd: {  	[sflag:s0] =	ssyncadd.remote.s32 $0x1  }
0xbe: {  	_ =	sfence.sel $0xFFFF  }
0xbf: {  	[dreg:$0x0] =	wrdreg $0xFFFFFFFF;
	(pc) =	sbr.abs _section_cstart, $3  }
0xc0: {  	[dreg:$0x1] =	wrdreg $0xFFFFFFFF  }
0xc1: {  	_ =	task.clear_ibuf [dreg:s7], $0x2FFFF;
	_ =	strace $0x9FFFFFFF  }
0xc2: {  	(tm) =	ssettm $0x7FFFFFFF  }
0xc3: {  	_ =	shalt  }
tec
execute0_lowered:
.L_overlay_start_1:
0x0: {  	(tag) =	ssettag $0x1  }
0x1: {  	s1 =	srdreg.scid;
	s2 =	rddreg [dreg:$0x0]  }
0x2: {  	s0 =	stileid.u32;
	s5 =	rddreg [dreg:$0x1];
	s6 =	simm.s32 $0x1  }
0x3: {  	s9 =	simm.s32 $0x1;
	s10 =	simm.s32 $0x3;
	s1 =	sshll.u32 s1, $0x8  }
0x4: {  	s13 =	simm.s32 $0x0;
	s3 =	sshll.u32 s0, $0x9;
	s4 =	sand.u32 $0x100, s1  }
0x5: {  	s12 =	simm.s32 $0x0;
	s1 =	rddreg [dreg:$0x2];
	s3 =	sor.u32 s3, s4  }
0x6: {  	_ =	strace $0x8000004A;
	s4 =	sadd.s32 $0x1600, s5;
	s8 =	ssub.s32 $0x4000, s3  }
.Ltmp0:
0x7: {  	s5 =	sadd.s32 $0x2A00, s5;
	s7 =	sand.u32 $0x1F00, s8;
	(pc) =	sbr.rel .LBB2_1-.Ltmp0, $4  }
0x8: {  	[sflag:s6] =	ssyncpa.u1 $0x0;
	s11 =	smov.u32 s3;
	p0 =	sne.s32 s7, $0x0  }
0x9: {  	s8 =	sshrl.u32 s8, $0xD;
	s7 =	simm.s32 $0x2;
	s9 =	simm.s32 @!p0 $0x0  }
0xa: {  	[sflag:s7] =	ssyncpa.u1 $0x0;
	p0 =	por $0x0, $0x0;
	s8 =	sadd.s32 s9, s8  }
0xb: {  	vm0 =	vmmov $0xffff;
	[sflag:s10] =	ssyncpa.u1 $0x0;
	s10 =	simm.s32 $0x0;
	s9 =	sadd.s32 $0x1, s8  }
.LBB2_4:
0xc: {  	v2 =	vnsel vm1, $0x0, v2  }
0xd: {  	vm1 =	vgt.s32 v0, $0x0;
	v2 =	vmin.u32 v2, $0x3FFF  }
0xe: {  	v0 =	vnsel vm1, $0x0, v0  }
0xf: {  	v0 =	vmin.u32 v0, $0x3FFF  }
0x10: {  	[tilespmem:s15], [sflag:$0x1] =	stream.indirect_vreg.gather [hbm4b:s2+s10], $0x1, v1, vm0, $0x4038;
	[tilespmem:$0x400] =	vst v63  }
0x11: {  	(ifvalue) =	ssetifvalue $0x7FFFFFFF  }
0x12: {  	[tilespmem:s16], [sflag:$0x1] =	stream.indirect_vreg.gather [hbm4b:s2+s10], $0x1, v2, vm0, $0x4038;
	[tilespmem:$0x400] =	vst v63  }
0x13: {  	s29 =	sadd.s32 $0x10, s16;
	(ifvalue) =	ssetifvalue $0x7FFFFFFF  }
0x14: {  	[tilespmem:s29], [sflag:$0x1] =	stream.indirect_vreg.gather [hbm4b:s2+s10], $0x1, v0, vm0, $0x4038;
	[tilespmem:$0x400] =	vst v63  }
0x15: {  	_ =	swait.ge [sflag:s6], $0x100  }
0x16: {  	s30 =	sshrl.u32 s13, $0x3;
	[sflag:s6] =	ssyncset.done $0x0  }
0x17: {  	s31 =	sand.u32 $0x7, s13;
	s15 =	sadd.s32 s5, s30;
	[sflag:s6] =	ssyncadd.s32 $0xFFFFFF00  }
0x18: {  	[hbm4b:s15+s31] =	stream.linear.scatter [tilespmem:s14], [sflag:$0x3], $0x100, $0x38;
	[tilespmem:$0x400] =	vst v63  }
.LBB2_5:
0x19: {  	s15 =	sadd.s32 $0x2000, s11  }
0x1a: {  	p2 =	sgt.s32 s15, $0x3FFF  }
0x1b: {  	s15 =	smov.u32 @p2 s3;
	p2 =	sne.s32 s12, s9  }
.Ltmp1:
0x1c: {  	p1 =	slt.u32 s12, $0x2;
	(pc) =	sbr.rel @!p2 .LBB2_6-.Ltmp1, $4  }
0x1d: {  	s14 =	simm.s32 @!p1 $0x3  }
0x1e: {  	s16 =	sadd.s32 $0x1, s12;
	_ =	swait.ge @!p1 [sflag:s14], $0x100  }
0x1f: {  	s13 =	smov.u32 s11;
	p0 =	por !p0, !p0;
	[sflag:s14] =	ssyncset.done @!p1 $0x0  }
0x20: {  	s12 =	smov.u32 s16;
	s11 =	smov.u32 s15;
	[sflag:s14] =	ssyncadd.s32 @!p1 $0xFFFFFF00  }
.LBB2_1:
0x21: {  	p1 =	sge.u32 s12, s8  }
0x22: {  	s14 =	sxor.u32 @!p1 $0xFFFFFFFF, s12  }
0x23: {  	s31 =	sadd.s32 $0xFFFFFFFF, s12;
	s15 =	sshrl.u32 @!p1 s11, $0x3;
	s14 =	sshll.u32 @!p1 s14, $0x8  }
0x24: {  	s16 =	sand.u32 @!p1 $0x7, s11;
	s15 =	sadd.s32 @!p1 s4, s15;
	s14 =	sand.u32 @!p1 $0x100, s14  }
0x25: {  	[tilespmem:s14], [sflag:$0x2] =	stream.linear.gather @!p1 [hbm4b:s15+s16], $0x100, $0x38;
	[tilespmem:$0x400] =	vst v63  }
0x26: {  	p1 =	sge.u32 s31, s8  }
.Ltmp2:
0x27: {  	_ = 	snop;
	(pc) =	sbr.rel @p1 .LBB2_5-.Ltmp2, $1  }
0x28: {  	_ =	sdelay $0x3  }
0x29: {  	s14 =	simm.s32 $0x1  }
0x2a: {  	_ =	swait.ge [sflag:s7], $0x100;
	s14 =	simm.s32 @!p0 $0x0  }
0x2b: {  	[sflag:s7] =	ssyncset.done $0x0;
	s14 =	sshll.u32 s14, $0x8  }
0x2c: {  	[sflag:s7] =	ssyncadd.s32 $0xFFFFFF00;
	(ifvalue) =	ssetifvalue $0x7FFFFFFF;
	v0 =	vld.msk [tilespmem:s14+$0x0 ss:$0x1], $0xffff;
	_ =	sdelay $0x4  }
0x2d: {  	s15 =	sadd.s32 $0x10, s14;
	vm1 =	vgt.s32 v0, $0x0  }
0x2e: {  	v2 =	vld.msk [tilespmem:s15+$0x0 ss:$0x1], $0xffff;
	v1 =	vnsel vm1, $0x0, v0  }
0x2f: {  	v1 =	vmin.u32 v1, $0x3FFF;
	_ =	sdelay $0x1  }
0x30: {  	s16 =	sshll.u32 s12, $0x8;
	s18 =	simm.s32 $0x20  }
0x31: {  	s16 =	sand.u32 $0x100, s16;
	s17 =	sadd.s32 $0x10, s15;
	s15 =	sor.u32 $0x200, s14  }
0x32: {  	s14 =	sor.u32 $0x200, s16;
	s16 =	sadd.s32 $0x10, s15;
	v0 =	vld.msk [tilespmem:s17+$0x0 ss:$0x1], $0xffff;
	vm1 =	vgt.s32 v2, $0x0;
	(ifvalue) =	ssetifvalue $0x7FFFFFFF  }
.LBB2_3:
0x33: {  	[tilespmem:s15], [sflag:$0x1] =	stream.indirect_vreg.gather [hbm4b:s2+s10], $0x1, v1, vm0, $0x4038;
	[tilespmem:$0x400] =	vst v63  }
0x34: {  	s18 =	sadd.s32 $0x10, s18  }
0x35: {  	v2 =	vnsel vm1, $0x0, v2;
	p1 =	slt.u32 s18, $0xF0  }
.Ltmp3:
0x36: {  	s15 =	smov.u32 s16;
	v1 =	vmin.u32 v2, $0x3FFF;
	(pc) =	sbr.rel @p1 .LBB2_3-.Ltmp3, $3  }
0x37: {  	_ =	sdelay $0x1  }
0x38: {  	s17 =	sadd.s32 $0x10, s17  }
0x39: {  	vm1 =	vgt.s32 v0, $0x0;
	s16 =	sadd.s32 $0x10, s16;
	v2 =	vmov v0;
	(ifvalue) =	ssetifvalue $0x7FFFFFFF;
	v0 =	vld.msk [tilespmem:s17+$0x0 ss:$0x1], $0xffff  }
.Ltmp4:
0x3a: {  	_ = 	snop;
	(pc) =	sbr.rel .LBB2_4-.Ltmp4, $1  }
0x3b: {  	_ =	sdelay $0x3  }
.LBB2_6:
0x3c: {  	_ =	sfence.sel $0x180000  }
0x3d: {  	s2 =	simm.s32 $0x2;
	[bflag:$0x0] =	sbarrier.arrive $0xFFFF  }
0x3e: {  	s30 =	simm.s32 $0x3;
	[sflag:s2] =	ssyncpa.u1 $0x1  }
0x3f: {  	s31 =	simm.s32 $0x1;
	[sflag:s30] =	ssyncpa.u1 $0x1  }
0x40: {  	[sflag:s31] =	ssyncpa.u1 $0x1  }
0x41: {  	p0 =	sne.s32 s0, $0x0;
	_ =	strace $0x9000004A  }
0x42: {  	s0 =	sadd.s32 @!p0 $0x100000, s1;
	[bflag:$0x2] =	sbarrier.arrive $0xFFFF  }
0x43: {  	[sflag:s0] =	ssyncadd.tile.s32 @!p0 $0x1;
	_ =	shalt  }
.Lfunc_end2:
_tile_overlayer_lowered:
.L_overlay_start_2:
0x44: {  	(tag) =	ssettag $0x2  }
0x45: {  	s0 =	rddreg [dreg:$0x0];
	s2 =	stileid.u32  }
0x46: {  	s1 =	rddreg [dreg:$0x1];
	p0 =	sne.s32 s2, $0x0  }
0x47: {  	s3 =	rddreg [dreg:$0x2];
	[bflag:$0x3] =	sbarrier.arrive $0xFFFF;
	s2 =	simm.s32 @!p0 $0x1C01  }
0x48: {  	[timem:s3], [sflag:s2] =	dma.local @!p0 [hbm:s0], s1  }
0x49: {  	s0 =	simm.s32 @!p0 $0x1  }
0x4a: {  	_ =	swait.ge @!p0 [sflag:s0], s1  }
0x4b: {  	s1 =	ssub.s32 @!p0 $0x0, s1;
	[sflag:s0] =	ssyncset.done @!p0 $0x0  }
0x4c: {  	[sflag:s0] =	ssyncadd.s32 @!p0 s1  }
0x4d: {  	[bflag:$0x3] =	sbarrier.arrive $0xFFFF  }
0x4e: {  	_ =	shalt  }

// kernel: gather_offload_async_start
scs
__scs_entry_jumppad:
0x0: {  	(pc) =	sbr.rel $0x88, $3  }
0x1: {  	(tag) =	ssettag $0x0;
	lr =	simm.s32 $0x1  }
0x2: {  	[smem:$0x3F9A] =	sst lr;
	_ =	strace $0xD0000000  }
0x3: {  	_ = 	snop  }
0x4: {  	_ = 	snop  }
0x5: {  	_ = 	snop  }
0x6: {  	_ = 	snop  }
0x7: {  	_ = 	snop  }
__scs_overlays_trampoline_lowered:
0x8: {  	[smem:$0x3FA9] =	sst s0  }
0x9: {  	[smem:$0x3FAA] =	sst s1  }
0xa: {  	[smem:$0x3FAB] =	sst s2  }
0xb: {  	[smem:$0x3FAC] =	sst s3  }
0xc: {  	[smem:$0x3FAD] =	sst s4  }
0xd: {  	[smem:$0x3FAE] =	sst s5  }
0xe: {  	[smem:$0x3FAF] =	sst s6  }
0xf: {  	[smem:$0x3FB0] =	sst s7  }
0x10: {  	[smem:$0x3FB1] =	sst s8  }
0x11: {  	[smem:$0x3FB2] =	sst s9;
	s0 =	simm.s32 @!p0 $0x0  }
0x12: {  	s1 =	sld [smem:$0x3F98];
	s0 =	simm.s32 @p0 $0x1  }
0x13: {  	[smem:$0x3FB3] =	sst s0;
	s0 =	simm.s32 @!p1 $0x0  }
0x14: {  	s2 =	sld [smem:$0x3F97];
	s0 =	simm.s32 @p1 $0x1  }
0x15: {  	[smem:$0x3FB4] =	sst s0;
	s0 =	simm.s32 @!p2 $0x0  }
0x16: {  	s3 =	sld [smem:$0x3FDB];
	s0 =	simm.s32 @p2 $0x1  }
0x17: {  	s4 =	simm.s32 $0x1BF5;
	[smem:$0x3FB6] =	sst s0  }
0x18: {  	s0 =	sld [smem:$0x3F99];
	_ =	swait.ge [sflag:s4], $0x0  }
0x19: {  	s7 =	sld [smem:$0x3F9A]  }
0x1a: {  	s8 =	sadd.s32 $0xFFFFE003, lr  }
0x1b: {  	s9 =	sadd.s32 $0xFFFFFEF7, lr;
	s5 =	simm.s32 $0xFFFFFFFF;
	p2 =	slt.u32 s8, $0xFFFFF086  }
0x1c: {  	p1 =	slt.u32 s9, $0xF7A;
	s5 =	simm.s32 @!p2 $0x0  }
0x1d: {  	s5 =	simm.s32 @p1 $0x1;
	p0 =	seq.s32 s7, s2  }
0x1e: {  	s7 =	smul.u32 @!p0 $0xF7A, s2;
	p2 =	seq.s32 @!p0 s5, $0x0  }
0x1f: {  	s9 =	smul.u32 $0xF7A, s1;
	s8 =	simm.s32 @!p0 $0x1BF5;
	p2 =	por !p2, p0  }
0x20: {  	[sflag:s8] =	ssyncset.s32 @!p0 $0xFFFFF086;
	s6 =	sadd.s32 @!p0 s3, s7;
	s7 =	simm.s32 @!p0 $0x108  }
0x21: {  	s3 =	sadd.s32 s3, s9;
	s6 =	sadd.s32 @!p0 $0x88, s6;
	s7 =	simm.s32 @p2 $0x1082  }
0x22: {  	[simem:s7], [sflag:s8] =	dma.local @!p0 [hbm:s6], $0xF7A  }
0x23: {  	s9 =	sor.u32 $0xD0000000, s2;
	s6 =	simm.s32 $0x108;
	_ =	swait.ge @!p0 [sflag:s8], $0x0  }
0x24: {  	s3 =	sadd.s32 $0x88, s3;
	s6 =	simm.s32 @!p1 $0x1082;
	[sflag:s4] =	ssyncset.s32 $0xFFFFF086  }
0x25: {  	[simem:s6], [sflag:s4] =	dma.local [hbm:s3], $0xF7A  }
0x26: {  	[smem:$0x3F9A] =	sst s1;
	(tag) =	ssettag s2;
	_ =	strace s9  }
0x27: {  	s1 =	sld [smem:$0x3FAA]  }
0x28: {  	s2 =	sld [smem:$0x3FAB]  }
0x29: {  	s4 =	sld [smem:$0x3FAD]  }
0x2a: {  	p0 =	seq.s32 s5, $0x0;
	s5 =	sld [smem:$0x3FAE]  }
0x2b: {  	s6 =	sld [smem:$0x3FAF]  }
0x2c: {  	s7 =	sld [smem:$0x3FB0]  }
0x2d: {  	s3 =	simm.s32 $0x108;
	s8 =	sld [smem:$0x3FB1]  }
0x2e: {  	s3 =	simm.s32 @!p0 $0x1082;
	s9 =	sld [smem:$0x3FB2]  }
0x2f: {  	lr =	sadd.s32 s0, s3;
	s0 =	sld [smem:$0x3FA9]  }
0x30: {  	s3 =	sld [smem:$0x3FAC]  }
0x31: {  	[smem:$0x3FB5] =	sst s10  }
0x32: {  	s10 =	sld [smem:$0x3FB3];
	_ =	sdelay $0x3  }
0x33: {  	p0 =	seq.s32 s10, $0x1;
	s10 =	sld [smem:$0x3FB5];
	_ =	sdelay $0x3  }
0x34: {  	[smem:$0x3FB5] =	sst s10  }
0x35: {  	s10 =	sld [smem:$0x3FB4];
	_ =	sdelay $0x3  }
0x36: {  	p1 =	seq.s32 s10, $0x1;
	s10 =	sld [smem:$0x3FB5];
	_ =	sdelay $0x3  }
0x37: {  	[smem:$0x3FB5] =	sst s10  }
0x38: {  	s10 =	sld [smem:$0x3FB6]  }
0x39: {  	_ = 	snop;
	(pc) =	sbr.ind lr, $3  }
0x3a: {  	_ = 	snop  }
0x3b: {  	_ = 	snop  }
0x3c: {  	p2 =	seq.s32 s10, $0x1;
	s10 =	sld [smem:$0x3FB5]  }
0x3d: {  	_ =	shalt  }
0x3e: {  	_ =	shalt  }
0x3f: {  	_ =	shalt  }
0x40: {  	_ =	shalt  }
0x41: {  	_ =	shalt  }
0x42: {  	_ =	shalt  }
0x43: {  	_ =	shalt  }
0x44: {  	_ =	shalt  }
0x45: {  	_ =	shalt  }
0x46: {  	_ =	shalt  }
0x47: {  	_ =	shalt  }
0x48: {  	_ =	shalt  }
0x49: {  	_ =	shalt  }
0x4a: {  	_ =	shalt  }
0x4b: {  	_ =	shalt  }
0x4c: {  	_ =	shalt  }
0x4d: {  	_ =	shalt  }
0x4e: {  	_ =	shalt  }
0x4f: {  	_ =	shalt  }
0x50: {  	_ =	shalt  }
0x51: {  	_ =	shalt  }
0x52: {  	_ =	shalt  }
0x53: {  	_ =	shalt  }
0x54: {  	_ =	shalt  }
0x55: {  	_ =	shalt  }
0x56: {  	_ =	shalt  }
0x57: {  	_ =	shalt  }
0x58: {  	_ =	shalt  }
0x59: {  	_ =	shalt  }
0x5a: {  	_ =	shalt  }
0x5b: {  	_ =	shalt  }
0x5c: {  	_ =	shalt  }
0x5d: {  	_ =	shalt  }
0x5e: {  	_ =	shalt  }
0x5f: {  	_ =	shalt  }
0x60: {  	_ =	shalt  }
0x61: {  	_ =	shalt  }
0x62: {  	_ =	shalt  }
0x63: {  	_ =	shalt  }
0x64: {  	_ =	shalt  }
0x65: {  	_ =	shalt  }
0x66: {  	_ =	shalt  }
0x67: {  	_ =	shalt  }
0x68: {  	_ =	shalt  }
0x69: {  	_ =	shalt  }
0x6a: {  	_ =	shalt  }
0x6b: {  	_ =	shalt  }
0x6c: {  	_ =	shalt  }
0x6d: {  	_ =	shalt  }
0x6e: {  	_ =	shalt  }
0x6f: {  	_ =	shalt  }
0x70: {  	_ =	shalt  }
0x71: {  	_ =	shalt  }
0x72: {  	_ =	shalt  }
0x73: {  	_ =	shalt  }
0x74: {  	_ =	shalt  }
0x75: {  	_ =	shalt  }
0x76: {  	_ =	shalt  }
0x77: {  	_ =	shalt  }
0x78: {  	_ =	shalt  }
0x79: {  	_ =	shalt  }
0x7a: {  	_ =	shalt  }
0x7b: {  	_ =	shalt  }
0x7c: {  	_ =	shalt  }
0x7d: {  	_ =	shalt  }
0x7e: {  	_ =	shalt  }
0x7f: {  	_ =	shalt  }
0x80: {  	_ =	shalt  }
0x81: {  	_ =	shalt  }
0x82: {  	_ =	shalt  }
0x83: {  	_ =	shalt  }
0x84: {  	_ =	shalt  }
0x85: {  	_ =	shalt  }
0x86: {  	_ =	shalt  }
0x87: {  	_ =	shalt  }
.Lfunc_end0:
.L_simem_size_0:
called_computation_lowered:
.L_overlay_start_0:
0x88: {  	s2 =	sld [smem:$0x3FD9]  }
0x89: {  	s3 =	sld [smem:$0x3FFE];
	_ =	sdelay $0x1  }
0x8a: {  	s1 =	srdreg.scid  }
0x8b: {  	s0 =	sand.u32 $0x1, s1  }
0x8c: {  	s16 =	sshll.u32 s0, $0xA;
	s2 =	sadd.s32 s3, s2  }
0x8d: {  	s2 =	sadd.s32 s2, s16  }
0x8e: {  	[smem:$0x3FC1] =	sst s2  }
0x8f: {  	_ = 	snop  }
0x90: {  	(tm) =	ssettm $0x1  }
0x91: {  	s17 =	sld [smem:$0x3FFB];
	_ =	sdelay $0x3  }
0x92: {  	_ =	strace s17  }
0x93: {  	s2 =	sld [smem:$0x3FFC];
	_ =	sdelay $0x3  }
0x94: {  	_ =	strace s2  }
0x95: {  	s2 =	sld [smem:$0x3FFD];
	_ =	sdelay $0x3  }
0x96: {  	_ =	strace s2  }
0x97: {  	_ =	strace $0x8FFFFFFF  }
0x98: {  	s18 =	sld [smem:$0x3FDB];
	_ =	sdelay $0x1  }
0x99: {  	s19 =	simm.s32 $_scs_section_size  }
0x9a: {  	s4 =	simm.s32 $_size__tile_overlayer_lowered;
	s5 =	simm.s32 $_tile_overlayer_lowered  }
0x9b: {  	s22 =	simm.s32 $0x1BFF;
	s21 =	sshll.u32 s5, $0x1;
	s2 =	sadd.s32 s19, s18  }
0x9c: {  	s6 =	simm.s32 $0x0;
	s20 =	sshll.u32 s4, $0x1;
	s4 =	sadd.s32 s21, s2  }
0x9d: {  	[timem:s6], [sflag:s22] =	dma.local [hbm:s4], s20  }
0x9e: {  	_ =	swait.ge [sflag:s22], s20  }
0x9f: {  	s3 =	ssub.s32 $0x0, s20;
	[sflag:s22] =	ssyncset.done $0x0  }
0xa0: {  	[sflag:s22] =	ssyncadd.s32 s3;
	_ =	sdelay $0x1  }
0xa1: {  	s23 =	simm.s32 $0x1B8B  }
0xa2: {  	_ =	swait.ge [sflag:s23], $0x1  }
0xa3: {  	[sflag:s23] =	ssyncset.done $0x0  }
0xa4: {  	s25 =	simm.s32 $0x1B8E;
	s24 =	sld [smem:$0x3FFE];
	[sflag:s23] =	ssyncadd.s32 $0xFFFFFFFF  }
0xa5: {  	s26 =	simm.s32 $execute0_lowered;
	[smem:$0x3FD2] =	sst s25  }
0xa6: {  	s4 =	sshll.u32 s26, $0x1;
	_ =	strace $0x80000046;
	[dreg:$0x1] =	wrdreg $0xFFFFFFFF  }
0xa7: {  	s28 =	simm.s32 $_size_execute0_lowered;
	s2 =	sadd.s32 s2, s4;
	[dreg:$0x0] =	wrdreg $0x0  }
0xa8: {  	s4 =	sshll.u32 s28, $0x1;
	[dreg:$0x2] =	wrdreg s2  }
0xa9: {  	[dreg:$0x3] =	wrdreg s4  }
0xaa: {  	[dreg:$0x4] =	wrdreg $0xC0  }
0xab: {  	_ =	task [dreg:s6], $0x5FFFF  }
0xac: {  	[dreg:$0x1] =	wrdreg $0xFFFFFFFF  }
0xad: {  	[dreg:$0x0] =	wrdreg $0x60  }
0xae: {  	[dreg:$0x2] =	wrdreg s24  }
0xaf: {  	[dreg:$0x3] =	wrdreg $0x9  }
0xb0: {  	_ =	task.clear_ibuf [dreg:s6], $0x4FFFF;
	_ =	strace $0x90000046  }
0xb1: {  	s29 =	simm.s32 $0x9;
	_ =	strace $0x80000048  }
0xb2: {  	_ =	swait.ge [sflag:s29], $0x1  }
0xb3: {  	[sflag:s29] =	ssyncadd.s32 $0xFFFFFFFF  }
0xb4: {  	_ =	strace $0x90000048  }
0xb5: {  	_ =	sfence  }
0xb6: {  	s30 =	sld [smem:$0x0];
	_ =	sdelay $0x2  }
0xb7: {  	s31 =	sshll.u32 s1, $0xD;
	s1 =	sshrl.u32 s1, $0x2  }
0xb8: {  	s3 =	sand.u32 $0x4000, s31;
	s1 =	sadd.s32 s1, s30  }
0xb9: {  	s0 =	sor.u32 s3, s0;
	s1 =	sshll.u32 s1, $0x11  }
0xba: {  	s0 =	sor.u32 s1, s0  }
0xbb: {  	s0 =	sadd.s32 $0x8F2B, s0  }
0xbc: {  	[sflag:s0] =	ssyncadd.remote.s32 $0x1  }
0xbd: {  	_ =	sfence.sel $0xFFFF  }
0xbe: {  	[dreg:$0x0] =	wrdreg $0xFFFFFFFF;
	(pc) =	sbr.abs _section_cstart, $3  }
0xbf: {  	[dreg:$0x1] =	wrdreg $0xFFFFFFFF  }
0xc0: {  	_ =	task.clear_ibuf [dreg:s6], $0x2FFFF;
	_ =	strace $0x9FFFFFFF  }
0xc1: {  	(tm) =	ssettm $0x7FFFFFFF  }
tec
execute0_lowered:
.L_overlay_start_1:
0x0: {  	(tag) =	ssettag $0x1  }
0x1: {  	s0 =	srdreg.scid;
	s5 =	rddreg [dreg:$0x0]  }
0x2: {  	s1 =	stileid.u32;
	s6 =	simm.s32 $0x1;
	s9 =	simm.s32 $0x1  }
0x3: {  	s10 =	simm.s32 $0x3;
	s13 =	simm.s32 $0x0;
	s2 =	sshll.u32 s0, $0x8  }
0x4: {  	s12 =	simm.s32 $0x0;
	s3 =	sshll.u32 s1, $0x9;
	s2 =	sand.u32 $0x100, s2  }
0x5: {  	s0 =	rddreg [dreg:$0x1];
	_ =	strace $0x80000047;
	s2 =	sor.u32 s3, s2  }
0x6: {  	s4 =	sadd.s32 $0x1600, s5;
	[sflag:s6] =	ssyncpa.u1 $0x0;
	s8 =	ssub.s32 $0x4000, s2  }
.Ltmp0:
0x7: {  	s3 =	sadd.s32 $0x2A00, s5;
	s7 =	sand.u32 $0x1F00, s8;
	(pc) =	sbr.rel .LBB2_1-.Ltmp0, $4  }
0x8: {  	s5 =	sadd.s32 $0x3200, s5;
	s11 =	smov.u32 s2;
	p0 =	sne.s32 s7, $0x0  }
0x9: {  	s8 =	sshrl.u32 s8, $0xD;
	s7 =	simm.s32 $0x2;
	s9 =	simm.s32 @!p0 $0x0  }
0xa: {  	[sflag:s7] =	ssyncpa.u1 $0x0;
	p0 =	por $0x0, $0x0;
	s8 =	sadd.s32 s9, s8  }
0xb: {  	vm0 =	vmmov $0xffff;
	[sflag:s10] =	ssyncpa.u1 $0x0;
	s10 =	simm.s32 $0x0;
	s9 =	sadd.s32 $0x1, s8  }
.LBB2_4:
0xc: {  	v2 =	vnsel vm1, $0x0, v2  }
0xd: {  	vm1 =	vgt.s32 v0, $0x0;
	v2 =	vmin.u32 v2, $0x3FFF  }
0xe: {  	v0 =	vnsel vm1, $0x0, v0  }
0xf: {  	v0 =	vmin.u32 v0, $0x3FFF  }
0x10: {  	[tilespmem:s15], [sflag:$0x1] =	stream.indirect_vreg.gather [hbm4b:s3+s10], $0x1, v1, vm0, $0x4038;
	[tilespmem:$0x400] =	vst v63  }
0x11: {  	(ifvalue) =	ssetifvalue $0x7FFFFFFF  }
0x12: {  	[tilespmem:s16], [sflag:$0x1] =	stream.indirect_vreg.gather [hbm4b:s3+s10], $0x1, v2, vm0, $0x4038;
	[tilespmem:$0x400] =	vst v63  }
0x13: {  	s29 =	sadd.s32 $0x10, s16;
	(ifvalue) =	ssetifvalue $0x7FFFFFFF  }
0x14: {  	[tilespmem:s29], [sflag:$0x1] =	stream.indirect_vreg.gather [hbm4b:s3+s10], $0x1, v0, vm0, $0x4038;
	[tilespmem:$0x400] =	vst v63  }
0x15: {  	_ =	swait.ge [sflag:s6], $0x100  }
0x16: {  	s30 =	sshrl.u32 s13, $0x3;
	[sflag:s6] =	ssyncset.done $0x0  }
0x17: {  	s31 =	sand.u32 $0x7, s13;
	s15 =	sadd.s32 s5, s30;
	[sflag:s6] =	ssyncadd.s32 $0xFFFFFF00  }
0x18: {  	[hbm4b:s15+s31] =	stream.linear.scatter [tilespmem:s14], [sflag:$0x3], $0x100, $0x38;
	[tilespmem:$0x400] =	vst v63  }
.LBB2_5:
0x19: {  	s15 =	sadd.s32 $0x2000, s11  }
0x1a: {  	p2 =	sgt.s32 s15, $0x3FFF  }
0x1b: {  	s15 =	smov.u32 @p2 s2;
	p2 =	sne.s32 s12, s9  }
.Ltmp1:
0x1c: {  	p1 =	slt.u32 s12, $0x2;
	(pc) =	sbr.rel @!p2 .LBB2_6-.Ltmp1, $4  }
0x1d: {  	s14 =	simm.s32 @!p1 $0x3  }
0x1e: {  	s16 =	sadd.s32 $0x1, s12;
	_ =	swait.ge @!p1 [sflag:s14], $0x100  }
0x1f: {  	s13 =	smov.u32 s11;
	p0 =	por !p0, !p0;
	[sflag:s14] =	ssyncset.done @!p1 $0x0  }
0x20: {  	s12 =	smov.u32 s16;
	s11 =	smov.u32 s15;
	[sflag:s14] =	ssyncadd.s32 @!p1 $0xFFFFFF00  }
.LBB2_1:
0x21: {  	p1 =	sge.u32 s12, s8  }
0x22: {  	s14 =	sxor.u32 @!p1 $0xFFFFFFFF, s12  }
0x23: {  	s31 =	sadd.s32 $0xFFFFFFFF, s12;
	s15 =	sshrl.u32 @!p1 s11, $0x3;
	s14 =	sshll.u32 @!p1 s14, $0x8  }
0x24: {  	s16 =	sand.u32 @!p1 $0x7, s11;
	s15 =	sadd.s32 @!p1 s4, s15;
	s14 =	sand.u32 @!p1 $0x100, s14  }
0x25: {  	[tilespmem:s14], [sflag:$0x2] =	stream.linear.gather @!p1 [hbm4b:s15+s16], $0x100, $0x38;
	[tilespmem:$0x400] =	vst v63  }
0x26: {  	p1 =	sge.u32 s31, s8  }
.Ltmp2:
0x27: {  	_ = 	snop;
	(pc) =	sbr.rel @p1 .LBB2_5-.Ltmp2, $1  }
0x28: {  	_ =	sdelay $0x3  }
0x29: {  	s14 =	simm.s32 $0x1  }
0x2a: {  	_ =	swait.ge [sflag:s7], $0x100;
	s14 =	simm.s32 @!p0 $0x0  }
0x2b: {  	[sflag:s7] =	ssyncset.done $0x0;
	s14 =	sshll.u32 s14, $0x8  }
0x2c: {  	[sflag:s7] =	ssyncadd.s32 $0xFFFFFF00;
	(ifvalue) =	ssetifvalue $0x7FFFFFFF;
	v0 =	vld.msk [tilespmem:s14+$0x0 ss:$0x1], $0xffff;
	_ =	sdelay $0x4  }
0x2d: {  	s15 =	sadd.s32 $0x10, s14;
	vm1 =	vgt.s32 v0, $0x0  }
0x2e: {  	v2 =	vld.msk [tilespmem:s15+$0x0 ss:$0x1], $0xffff;
	v1 =	vnsel vm1, $0x0, v0  }
0x2f: {  	v1 =	vmin.u32 v1, $0x3FFF;
	_ =	sdelay $0x1  }
0x30: {  	s16 =	sshll.u32 s12, $0x8;
	s18 =	simm.s32 $0x20  }
0x31: {  	s16 =	sand.u32 $0x100, s16;
	s17 =	sadd.s32 $0x10, s15;
	s15 =	sor.u32 $0x200, s14  }
0x32: {  	s14 =	sor.u32 $0x200, s16;
	s16 =	sadd.s32 $0x10, s15;
	v0 =	vld.msk [tilespmem:s17+$0x0 ss:$0x1], $0xffff;
	vm1 =	vgt.s32 v2, $0x0;
	(ifvalue) =	ssetifvalue $0x7FFFFFFF  }
.LBB2_3:
0x33: {  	[tilespmem:s15], [sflag:$0x1] =	stream.indirect_vreg.gather [hbm4b:s3+s10], $0x1, v1, vm0, $0x4038;
	[tilespmem:$0x400] =	vst v63  }
0x34: {  	s18 =	sadd.s32 $0x10, s18  }
0x35: {  	v2 =	vnsel vm1, $0x0, v2;
	p1 =	slt.u32 s18, $0xF0  }
.Ltmp3:
0x36: {  	s15 =	smov.u32 s16;
	v1 =	vmin.u32 v2, $0x3FFF;
	(pc) =	sbr.rel @p1 .LBB2_3-.Ltmp3, $3  }
0x37: {  	_ =	sdelay $0x1  }
0x38: {  	s17 =	sadd.s32 $0x10, s17  }
0x39: {  	vm1 =	vgt.s32 v0, $0x0;
	s16 =	sadd.s32 $0x10, s16;
	v2 =	vmov v0;
	(ifvalue) =	ssetifvalue $0x7FFFFFFF;
	v0 =	vld.msk [tilespmem:s17+$0x0 ss:$0x1], $0xffff  }
.Ltmp4:
0x3a: {  	_ = 	snop;
	(pc) =	sbr.rel .LBB2_4-.Ltmp4, $1  }
0x3b: {  	_ =	sdelay $0x3  }
.LBB2_6:
0x3c: {  	_ =	sfence.sel $0x180000  }
0x3d: {  	s2 =	simm.s32 $0x2;
	[bflag:$0x0] =	sbarrier.arrive $0xFFFF  }
0x3e: {  	s30 =	simm.s32 $0x3;
	[sflag:s2] =	ssyncpa.u1 $0x1  }
0x3f: {  	s31 =	simm.s32 $0x1;
	[sflag:s30] =	ssyncpa.u1 $0x1  }
0x40: {  	[sflag:s31] =	ssyncpa.u1 $0x1  }
0x41: {  	p0 =	sne.s32 s1, $0x0;
	_ =	strace $0x90000047  }
0x42: {  	s0 =	sadd.s32 @!p0 $0x100000, s0;
	[bflag:$0x2] =	sbarrier.arrive $0xFFFF  }
0x43: {  	[sflag:s0] =	ssyncadd.tile.s32 @!p0 $0x1;
	_ =	shalt  }
.Lfunc_end2:
_tile_overlayer_lowered:
.L_overlay_start_2:
0x44: {  	(tag) =	ssettag $0x2  }
0x45: {  	s0 =	rddreg [dreg:$0x0];
	s2 =	stileid.u32  }
0x46: {  	s1 =	rddreg [dreg:$0x1];
	p0 =	sne.s32 s2, $0x0  }
0x47: {  	s3 =	rddreg [dreg:$0x2];
	[bflag:$0x3] =	sbarrier.arrive $0xFFFF;
	s2 =	simm.s32 @!p0 $0x1C01  }
0x48: {  	[timem:s3], [sflag:s2] =	dma.local @!p0 [hbm:s0], s1  }
0x49: {  	s0 =	simm.s32 @!p0 $0x1  }
0x4a: {  	_ =	swait.ge @!p0 [sflag:s0], s1  }
0x4b: {  	s1 =	ssub.s32 @!p0 $0x0, s1;
	[sflag:s0] =	ssyncset.done @!p0 $0x0  }
0x4c: {  	[sflag:s0] =	ssyncadd.s32 @!p0 s1  }
0x4d: {  	[bflag:$0x3] =	sbarrier.arrive $0xFFFF  }
0x4e: {  	_ =	shalt  }

// kernel: kernel.4.cloned.1.call-start
scs
__scs_entry_jumppad:
0x0: {  	(pc) =	sbr.rel $0x88, $3  }
0x1: {  	(tag) =	ssettag $0x0;
	lr =	simm.s32 $0x1  }
0x2: {  	[smem:$0x3F9A] =	sst lr;
	_ =	strace $0xD0000000  }
0x3: {  	_ = 	snop  }
0x4: {  	_ = 	snop  }
0x5: {  	_ = 	snop  }
0x6: {  	_ = 	snop  }
0x7: {  	_ = 	snop  }
__scs_overlays_trampoline_lowered:
0x8: {  	[smem:$0x3FA9] =	sst s0  }
0x9: {  	[smem:$0x3FAA] =	sst s1  }
0xa: {  	[smem:$0x3FAB] =	sst s2  }
0xb: {  	[smem:$0x3FAC] =	sst s3  }
0xc: {  	[smem:$0x3FAD] =	sst s4  }
0xd: {  	[smem:$0x3FAE] =	sst s5  }
0xe: {  	[smem:$0x3FAF] =	sst s6  }
0xf: {  	[smem:$0x3FB0] =	sst s7  }
0x10: {  	[smem:$0x3FB1] =	sst s8  }
0x11: {  	[smem:$0x3FB2] =	sst s9;
	s0 =	simm.s32 @!p0 $0x0  }
0x12: {  	s1 =	sld [smem:$0x3F98];
	s0 =	simm.s32 @p0 $0x1  }
0x13: {  	[smem:$0x3FB3] =	sst s0;
	s0 =	simm.s32 @!p1 $0x0  }
0x14: {  	s2 =	sld [smem:$0x3F97];
	s0 =	simm.s32 @p1 $0x1  }
0x15: {  	[smem:$0x3FB4] =	sst s0;
	s0 =	simm.s32 @!p2 $0x0  }
0x16: {  	s3 =	sld [smem:$0x3FDB];
	s0 =	simm.s32 @p2 $0x1  }
0x17: {  	s4 =	simm.s32 $0x1BF5;
	[smem:$0x3FB6] =	sst s0  }
0x18: {  	s0 =	sld [smem:$0x3F99];
	_ =	swait.ge [sflag:s4], $0x0  }
0x19: {  	s7 =	sld [smem:$0x3F9A]  }
0x1a: {  	s8 =	sadd.s32 $0xFFFFE003, lr  }
0x1b: {  	s9 =	sadd.s32 $0xFFFFFEF7, lr;
	s5 =	simm.s32 $0xFFFFFFFF;
	p2 =	slt.u32 s8, $0xFFFFF086  }
0x1c: {  	p1 =	slt.u32 s9, $0xF7A;
	s5 =	simm.s32 @!p2 $0x0  }
0x1d: {  	s5 =	simm.s32 @p1 $0x1;
	p0 =	seq.s32 s7, s2  }
0x1e: {  	s7 =	smul.u32 @!p0 $0xF7A, s2;
	p2 =	seq.s32 @!p0 s5, $0x0  }
0x1f: {  	s9 =	smul.u32 $0xF7A, s1;
	s8 =	simm.s32 @!p0 $0x1BF5;
	p2 =	por !p2, p0  }
0x20: {  	[sflag:s8] =	ssyncset.s32 @!p0 $0xFFFFF086;
	s6 =	sadd.s32 @!p0 s3, s7;
	s7 =	simm.s32 @!p0 $0x108  }
0x21: {  	s3 =	sadd.s32 s3, s9;
	s6 =	sadd.s32 @!p0 $0x88, s6;
	s7 =	simm.s32 @p2 $0x1082  }
0x22: {  	[simem:s7], [sflag:s8] =	dma.local @!p0 [hbm:s6], $0xF7A  }
0x23: {  	s9 =	sor.u32 $0xD0000000, s2;
	s6 =	simm.s32 $0x108;
	_ =	swait.ge @!p0 [sflag:s8], $0x0  }
0x24: {  	s3 =	sadd.s32 $0x88, s3;
	s6 =	simm.s32 @!p1 $0x1082;
	[sflag:s4] =	ssyncset.s32 $0xFFFFF086  }
0x25: {  	[simem:s6], [sflag:s4] =	dma.local [hbm:s3], $0xF7A  }
0x26: {  	[smem:$0x3F9A] =	sst s1;
	(tag) =	ssettag s2;
	_ =	strace s9  }
0x27: {  	s1 =	sld [smem:$0x3FAA]  }
0x28: {  	s2 =	sld [smem:$0x3FAB]  }
0x29: {  	s4 =	sld [smem:$0x3FAD]  }
0x2a: {  	p0 =	seq.s32 s5, $0x0;
	s5 =	sld [smem:$0x3FAE]  }
0x2b: {  	s6 =	sld [smem:$0x3FAF]  }
0x2c: {  	s7 =	sld [smem:$0x3FB0]  }
0x2d: {  	s3 =	simm.s32 $0x108;
	s8 =	sld [smem:$0x3FB1]  }
0x2e: {  	s3 =	simm.s32 @!p0 $0x1082;
	s9 =	sld [smem:$0x3FB2]  }
0x2f: {  	lr =	sadd.s32 s0, s3;
	s0 =	sld [smem:$0x3FA9]  }
0x30: {  	s3 =	sld [smem:$0x3FAC]  }
0x31: {  	[smem:$0x3FB5] =	sst s10  }
0x32: {  	s10 =	sld [smem:$0x3FB3];
	_ =	sdelay $0x3  }
0x33: {  	p0 =	seq.s32 s10, $0x1;
	s10 =	sld [smem:$0x3FB5];
	_ =	sdelay $0x3  }
0x34: {  	[smem:$0x3FB5] =	sst s10  }
0x35: {  	s10 =	sld [smem:$0x3FB4];
	_ =	sdelay $0x3  }
0x36: {  	p1 =	seq.s32 s10, $0x1;
	s10 =	sld [smem:$0x3FB5];
	_ =	sdelay $0x3  }
0x37: {  	[smem:$0x3FB5] =	sst s10  }
0x38: {  	s10 =	sld [smem:$0x3FB6]  }
0x39: {  	_ = 	snop;
	(pc) =	sbr.ind lr, $3  }
0x3a: {  	_ = 	snop  }
0x3b: {  	_ = 	snop  }
0x3c: {  	p2 =	seq.s32 s10, $0x1;
	s10 =	sld [smem:$0x3FB5]  }
0x3d: {  	_ =	shalt  }
0x3e: {  	_ =	shalt  }
0x3f: {  	_ =	shalt  }
0x40: {  	_ =	shalt  }
0x41: {  	_ =	shalt  }
0x42: {  	_ =	shalt  }
0x43: {  	_ =	shalt  }
0x44: {  	_ =	shalt  }
0x45: {  	_ =	shalt  }
0x46: {  	_ =	shalt  }
0x47: {  	_ =	shalt  }
0x48: {  	_ =	shalt  }
0x49: {  	_ =	shalt  }
0x4a: {  	_ =	shalt  }
0x4b: {  	_ =	shalt  }
0x4c: {  	_ =	shalt  }
0x4d: {  	_ =	shalt  }
0x4e: {  	_ =	shalt  }
0x4f: {  	_ =	shalt  }
0x50: {  	_ =	shalt  }
0x51: {  	_ =	shalt  }
0x52: {  	_ =	shalt  }
0x53: {  	_ =	shalt  }
0x54: {  	_ =	shalt  }
0x55: {  	_ =	shalt  }
0x56: {  	_ =	shalt  }
0x57: {  	_ =	shalt  }
0x58: {  	_ =	shalt  }
0x59: {  	_ =	shalt  }
0x5a: {  	_ =	shalt  }
0x5b: {  	_ =	shalt  }
0x5c: {  	_ =	shalt  }
0x5d: {  	_ =	shalt  }
0x5e: {  	_ =	shalt  }
0x5f: {  	_ =	shalt  }
0x60: {  	_ =	shalt  }
0x61: {  	_ =	shalt  }
0x62: {  	_ =	shalt  }
0x63: {  	_ =	shalt  }
0x64: {  	_ =	shalt  }
0x65: {  	_ =	shalt  }
0x66: {  	_ =	shalt  }
0x67: {  	_ =	shalt  }
0x68: {  	_ =	shalt  }
0x69: {  	_ =	shalt  }
0x6a: {  	_ =	shalt  }
0x6b: {  	_ =	shalt  }
0x6c: {  	_ =	shalt  }
0x6d: {  	_ =	shalt  }
0x6e: {  	_ =	shalt  }
0x6f: {  	_ =	shalt  }
0x70: {  	_ =	shalt  }
0x71: {  	_ =	shalt  }
0x72: {  	_ =	shalt  }
0x73: {  	_ =	shalt  }
0x74: {  	_ =	shalt  }
0x75: {  	_ =	shalt  }
0x76: {  	_ =	shalt  }
0x77: {  	_ =	shalt  }
0x78: {  	_ =	shalt  }
0x79: {  	_ =	shalt  }
0x7a: {  	_ =	shalt  }
0x7b: {  	_ =	shalt  }
0x7c: {  	_ =	shalt  }
0x7d: {  	_ =	shalt  }
0x7e: {  	_ =	shalt  }
0x7f: {  	_ =	shalt  }
0x80: {  	_ =	shalt  }
0x81: {  	_ =	shalt  }
0x82: {  	_ =	shalt  }
0x83: {  	_ =	shalt  }
0x84: {  	_ =	shalt  }
0x85: {  	_ =	shalt  }
0x86: {  	_ =	shalt  }
0x87: {  	_ =	shalt  }
.Lfunc_end0:
.L_simem_size_0:
called_computation.2_lowered:
.L_overlay_start_0:
0x88: {  	s2 =	sld [smem:$0x3FD9]  }
0x89: {  	s3 =	sld [smem:$0x3FFE];
	_ =	sdelay $0x1  }
0x8a: {  	s1 =	srdreg.scid  }
0x8b: {  	s0 =	sand.u32 $0x1, s1  }
0x8c: {  	s17 =	sshll.u32 s0, $0xA;
	s2 =	sadd.s32 s3, s2  }
0x8d: {  	s2 =	sadd.s32 s2, s17  }
0x8e: {  	[smem:$0x3FC1] =	sst s2  }
0x8f: {  	_ = 	snop  }
0x90: {  	s2 =	sld [smem:$0x3FC9];
	(tm) =	ssettm $0x1  }
0x91: {  	s18 =	sld [smem:$0x3FFB];
	_ =	sdelay $0x3  }
0x92: {  	_ =	strace s18  }
0x93: {  	s3 =	sld [smem:$0x3FFC];
	_ =	sdelay $0x3  }
0x94: {  	_ =	strace s3  }
0x95: {  	s3 =	sld [smem:$0x3FFD];
	_ =	sdelay $0x3  }
0x96: {  	_ =	strace s3  }
0x97: {  	_ =	strace $0x8FFFFFFF  }
0x98: {  	s19 =	sld [smem:$0x3FDB];
	_ =	sdelay $0x1  }
0x99: {  	s4 =	simm.s32 $_scs_section_size  }
0x9a: {  	s5 =	simm.s32 $_size__tile_overlayer_lowered;
	s6 =	simm.s32 $_tile_overlayer_lowered  }
0x9b: {  	s22 =	simm.s32 $0x1BFF;
	s21 =	sshll.u32 s6, $0x1;
	s3 =	sadd.s32 s4, s19  }
0x9c: {  	s7 =	simm.s32 $0x0;
	s20 =	sshll.u32 s5, $0x1;
	s5 =	sadd.s32 s21, s3  }
0x9d: {  	[timem:s7], [sflag:s22] =	dma.local [hbm:s5], s20  }
0x9e: {  	_ =	swait.ge [sflag:s22], s20  }
0x9f: {  	s4 =	ssub.s32 $0x0, s20;
	[sflag:s22] =	ssyncset.done $0x0  }
0xa0: {  	[sflag:s22] =	ssyncadd.s32 s4;
	_ =	sdelay $0x1  }
0xa1: {  	s23 =	simm.s32 $0x1B8B  }
0xa2: {  	_ =	swait.ge [sflag:s23], $0x1  }
0xa3: {  	[sflag:s23] =	ssyncset.done $0x0  }
0xa4: {  	s25 =	simm.s32 $0x1B8E;
	s24 =	sld [smem:$0x3FFE];
	[sflag:s23] =	ssyncadd.s32 $0xFFFFFFFF  }
0xa5: {  	s26 =	simm.s32 $execute0_lowered;
	[smem:$0x3FD2] =	sst s25  }
0xa6: {  	s5 =	sshll.u32 s26, $0x1;
	_ =	strace $0x8000004C;
	[dreg:$0x1] =	wrdreg $0xFFFFFFFF  }
0xa7: {  	s28 =	simm.s32 $_size_execute0_lowered;
	s3 =	sadd.s32 s3, s5;
	[dreg:$0x0] =	wrdreg $0x0  }
0xa8: {  	s5 =	sshll.u32 s28, $0x1;
	[dreg:$0x2] =	wrdreg s3  }
0xa9: {  	[dreg:$0x3] =	wrdreg s5  }
0xaa: {  	[dreg:$0x4] =	wrdreg $0xC0  }
0xab: {  	_ =	task [dreg:s7], $0x5FFFF  }
0xac: {  	[dreg:$0x1] =	wrdreg $0xFFFFFFFF  }
0xad: {  	[dreg:$0x0] =	wrdreg $0x60  }
0xae: {  	[dreg:$0x2] =	wrdreg s24  }
0xaf: {  	[dreg:$0x3] =	wrdreg s2  }
0xb0: {  	[dreg:$0x4] =	wrdreg $0x9  }
0xb1: {  	_ =	task.clear_ibuf [dreg:s7], $0x5FFFF;
	_ =	strace $0x9000004C  }
0xb2: {  	s29 =	simm.s32 $0x9;
	_ =	strace $0x8000004E  }
0xb3: {  	_ =	swait.ge [sflag:s29], $0x1  }
0xb4: {  	[sflag:s29] =	ssyncadd.s32 $0xFFFFFFFF  }
0xb5: {  	_ =	strace $0x9000004E  }
0xb6: {  	_ =	sfence  }
0xb7: {  	s30 =	sld [smem:$0x0];
	_ =	sdelay $0x2  }
0xb8: {  	s31 =	sshll.u32 s1, $0xD;
	s1 =	sshrl.u32 s1, $0x2  }
0xb9: {  	s3 =	sand.u32 $0x4000, s31;
	s1 =	sadd.s32 s1, s30  }
0xba: {  	s0 =	sor.u32 s3, s0;
	s1 =	sshll.u32 s1, $0x11  }
0xbb: {  	s0 =	sor.u32 s1, s0  }
0xbc: {  	s0 =	sadd.s32 $0x8F2B, s0  }
0xbd: {  	[sflag:s0] =	ssyncadd.remote.s32 $0x1  }
0xbe: {  	_ =	sfence.sel $0xFFFF  }
0xbf: {  	[dreg:$0x0] =	wrdreg $0xFFFFFFFF;
	(pc) =	sbr.abs _section_cstart, $3  }
0xc0: {  	[dreg:$0x1] =	wrdreg $0xFFFFFFFF  }
0xc1: {  	_ =	task.clear_ibuf [dreg:s7], $0x2FFFF;
	_ =	strace $0x9FFFFFFF  }
0xc2: {  	(tm) =	ssettm $0x7FFFFFFF  }
0xc3: {  	_ =	shalt  }
tec
execute0_lowered:
.L_overlay_start_1:
0x0: {  	(tag) =	ssettag $0x1  }
0x1: {  	s0 =	srdreg.scid;
	s2 =	stileid.u32  }
0x2: {  	s1 =	sand.u32 $0x1, s0;
	s12 =	sshll.u32 s2, $0x1  }
0x3: {  	s3 =	rddreg [dreg:$0x0];
	s5 =	sor.u32 s1, s12  }
0x4: {  	s4 =	rddreg [dreg:$0x1];
	s0 =	sshll.u32 s5, $0x8  }
0x5: {  	s2 =	simm.s32 $0x0;
	s6 =	sshll.u32 s5, $0xD;
	s0 =	sadd.s32 s0, s3  }
0x6: {  	[smem:$0x7FF] =	sst s2;
	s6 =	sadd.s32 s6, s3;
	s0 =	sadd.s32 $0x4A00, s0  }
0x7: {  	_ =	strace $0x8000004D;
	s13 =	sadd.s32 $0x8200, s6;
	[dreg:$0x3] =	wrdreg s0  }
0x8: {  	s14 =	sadd.s32 $0x8400, s6;
	[dreg:$0x4] =	wrdreg s13  }
0x9: {  	s15 =	sadd.s32 $0x8600, s6;
	[dreg:$0x5] =	wrdreg s14  }
0xa: {  	s16 =	sadd.s32 $0x8800, s6;
	[dreg:$0x6] =	wrdreg s15  }
0xb: {  	s17 =	sadd.s32 $0x8A00, s6;
	[dreg:$0x7] =	wrdreg s16  }
0xc: {  	s18 =	sadd.s32 $0x8C00, s6;
	[dreg:$0x8] =	wrdreg s17  }
0xd: {  	s19 =	sadd.s32 $0x8E00, s6;
	[dreg:$0x9] =	wrdreg s18  }
0xe: {  	s20 =	sadd.s32 $0x9000, s6;
	[dreg:$0xa] =	wrdreg s19  }
0xf: {  	s21 =	sadd.s32 $0x9200, s6;
	[dreg:$0xb] =	wrdreg s20  }
0x10: {  	s22 =	sadd.s32 $0x9400, s6;
	[dreg:$0xc] =	wrdreg s21  }
0x11: {  	s23 =	sadd.s32 $0x9600, s6;
	[dreg:$0xd] =	wrdreg s22  }
0x12: {  	s24 =	sadd.s32 $0x9800, s6;
	[dreg:$0xe] =	wrdreg s23  }
0x13: {  	s7 =	smul.u32 $0xC0, s5;
	s25 =	sadd.s32 $0x9A00, s6;
	[dreg:$0xf] =	wrdreg s24  }
0x14: {  	s10 =	smul.u32 $0x1800, s5;
	s26 =	sadd.s32 $0x9C00, s6;
	[dreg:$0x10] =	wrdreg s25  }
0x15: {  	s12 =	smul.u32 $0xC000, s5;
	s8 =	sadd.s32 $0x9E00, s6;
	[dreg:$0x11] =	wrdreg s26  }
0x16: {  	s9 =	sadd.s32 $0xA000, s6;
	s7 =	sadd.s32 s7, s3;
	[dreg:$0x12] =	wrdreg s8  }
0x17: {  	s6 =	sshrl.u32 s12, $0x3;
	s12 =	simm.s32 $0x100;
	[dreg:$0x13] =	wrdreg s9  }
0x18: {  	s8 =	sadd.s32 $0x48200, s3;
	s11 =	sadd.s32 $0x6A00, s7;
	[smem:$0x7F2] =	sst s12  }
0x19: {  	s23 =	sshll.u32 s5, $0xB;
	s5 =	sshll.u32 s5, $0x6;
	[dreg:$0x14] =	wrdreg s11  }
0x1a: {  	s15 =	sadd.s32 s8, s10;
	s7 =	sadd.s32 s4, s5;
	s0 =	rddreg [dreg:$0x3]  }
0x1b: {  	s26 =	sadd.s32 s23, s3;
	s23 =	simm.s32 $0x580;
	[smem:$0x7ED] =	sst s7  }
0x1c: {  	s31 =	simm.s32 $0x700;
	s13 =	sadd.s32 $0x200, s15;
	[smem:$0x7FB] =	sst s23  }
0x1d: {  	s30 =	simm.s32 $0x780;
	s14 =	sadd.s32 $0x400, s15;
	[dreg:$0x15] =	wrdreg s13  }
0x1e: {  	s6 =	sadd.s32 s8, s6;
	s16 =	sadd.s32 $0x600, s15;
	[dreg:$0x16] =	wrdreg s14  }
0x1f: {  	s28 =	simm.s32 $0x800;
	s17 =	sadd.s32 $0x800, s6;
	[dreg:$0x17] =	wrdreg s16  }
0x20: {  	s29 =	simm.s32 $0x880;
	s18 =	sadd.s32 $0xA00, s6;
	[dreg:$0x18] =	wrdreg s17  }
0x21: {  	p0 =	por $0x0, $0x0;
	s19 =	sadd.s32 $0xC00, s6;
	[dreg:$0x19] =	wrdreg s18  }
0x22: {  	s1 =	ssub.s32 $0x2, s1;
	s20 =	sadd.s32 $0xE00, s6;
	[dreg:$0x1a] =	wrdreg s19  }
0x23: {  	s12 =	simm.s32 $0xF00;
	s21 =	sadd.s32 $0x1000, s6;
	[dreg:$0x1b] =	wrdreg s20  }
0x24: {  	s4 =	sadd.s32 $0x3A00, s3;
	s22 =	sadd.s32 $0x1200, s6;
	[dreg:$0x1c] =	wrdreg s21  }
0x25: {  	s5 =	simm.s32 $0x2000;
	s24 =	sadd.s32 $0x1400, s6;
	[dreg:$0x1d] =	wrdreg s22  }
0x26: {  	s25 =	sadd.s32 $0x1600, s6;
	s8 =	sadd.s32 $0x78200, s26;
	[dreg:$0x1e] =	wrdreg s24  }
0x27: {  	s9 =	sadd.s32 $0x78400, s26;
	s10 =	sadd.s32 $0x78600, s26;
	[dreg:$0x1f] =	wrdreg s25  }
0x28: {  	s11 =	sadd.s32 $0x78800, s26;
	s7 =	simm.s32 $0x80;
	[smem:$0x7EE] =	sst s8  }
0x29: {  	s6 =	simm.s32 $0x1000;
	s26 =	simm.s32 $0x680;
	[smem:$0x7EF] =	sst s9  }
0x2a: {  	s23 =	simm.s32 $0xA00;
	[smem:$0x7F0] =	sst s10;
	s24 =	sadd.s32 $0xF44E00, s3  }
0x2b: {  	[smem:$0x7F1] =	sst s11;
	s10 =	sadd.s32 $0x1315800, s3;
	s13 =	simm.s32 $0x180  }
0x2c: {  	s14 =	simm.s32 $0x200;
	s16 =	simm.s32 $0x280;
	[smem:$0x7FD] =	sst s26  }
0x2d: {  	s17 =	sshrl.u32 s1, $0x1;
	s18 =	simm.s32 $0x300;
	[smem:$0x7F3] =	sst s13  }
0x2e: {  	s19 =	simm.s32 $0x380;
	s20 =	simm.s32 $0x400;
	[smem:$0x7F4] =	sst s14  }
0x2f: {  	s3 =	simm.s32 $0x3;
	s21 =	simm.s32 $0x480;
	[smem:$0x7F5] =	sst s16  }
0x30: {  	s22 =	simm.s32 $0x500;
	s25 =	simm.s32 $0x600;
	[smem:$0x7F6] =	sst s18  }
0x31: {  	s9 =	simm.s32 $0x1;
	s1 =	ssub.s32 s1, s17;
	[smem:$0x7F7] =	sst s19  }
0x32: {  	s8 =	simm.s32 $0x2;
	[smem:$0x7F8] =	sst s20;
	s1 =	smax.u32 s1, $0x1  }
0x33: {  	s26 =	simm.s32 $0x900;
	[smem:$0x7F9] =	sst s21;
	p1 =	sne.s32 s1, $0x1  }
.Ltmp0:
0x34: {  	s11 =	simm.s32 $0xF80;
	[smem:$0x7FA] =	sst s22;
	(pc) =	sbr.rel @!p1 .LBB2_3-.Ltmp0, $4  }
0x35: {  	[smem:$0x7FC] =	sst s25;
	s25 =	simm.s32 $0x980;
	s22 =	simm.s32 $0xA80  }
0x36: {  	s21 =	simm.s32 $0xB00;
	s20 =	simm.s32 $0xB80;
	s19 =	simm.s32 $0xC00  }
0x37: {  	s18 =	simm.s32 $0xC80;
	s17 =	simm.s32 $0xD00;
	s16 =	simm.s32 $0xD80  }
0x38: {  	s13 =	simm.s32 $0xE00;
	s14 =	simm.s32 $0xE80;
	s1 =	sadd.s32 $0xFFFFFFFF, s1  }
0x39: {  	[tilespmem:s2], [sflag:$0x3] =	stream.linear.gather [hbm4b:s0+s2], $0x800, $0x38;
	[tilespmem:$0x3000] =	vst v63  }
0x3a: {  	_ =	swait.ge [sflag:s3], $0x800  }
0x3b: {  	[sflag:s3] =	ssyncset.done $0x0  }
0x3c: {  	[sflag:s3] =	ssyncadd.s32 $0xFFFFF800  }
0x3d: {  	[tilespmem:s6], [sflag:$0x1] =	stream.indirect.gather [hbm4b:s24+s7], $0x20, s2, s7, $0xb8;
	[tilespmem:$0x3000] =	vst v63  }
0x3e: {  	_ = 	snop  }
0x3f: {  	[tilespmem:s5], [sflag:$0x2] =	stream.indirect.gather [hbm4b:s24+s7], $0x20, s7, s7, $0xb8;
	[tilespmem:$0x3000] =	vst v63  }
0x40: {  	_ =	swait.ge [sflag:s9], $0x1000  }
0x41: {  	[sflag:s9] =	ssyncset.done $0x0  }
0x42: {  	s0 =	rddreg [dreg:$0x4];
	[sflag:s9] =	ssyncadd.s32 $0xFFFFF000  }
0x43: {  	[hbm4b:s0+s2] =	stream.linear.scatter [tilespmem:s6], [sflag:$0x3], $0x1000, $0x38;
	[tilespmem:$0x3000] =	vst v63  }
0x44: {  	_ =	swait.ge [sflag:s3], $0x1000  }
0x45: {  	s0 =	sld [smem:$0x7F2]  }
0x46: {  	[sflag:s3] =	ssyncset.done $0x0  }
0x47: {  	[sflag:s3] =	ssyncadd.s32 $0xFFFFF000  }
0x48: {  	[tilespmem:s6], [sflag:$0x1] =	stream.indirect.gather [hbm4b:s24+s7], $0x20, s0, s7, $0xb8;
	[tilespmem:$0x3000] =	vst v63  }
0x49: {  	_ =	swait.ge [sflag:s8], $0x1000  }
0x4a: {  	[sflag:s8] =	ssyncset.done $0x0  }
0x4b: {  	s0 =	rddreg [dreg:$0x5];
	[sflag:s8] =	ssyncadd.s32 $0xFFFFF000  }
0x4c: {  	[hbm4b:s0+s2] =	stream.linear.scatter [tilespmem:s5], [sflag:$0x3], $0x1000, $0x38;
	[tilespmem:$0x3000] =	vst v63  }
0x4d: {  	_ =	swait.ge [sflag:s3], $0x1000  }
0x4e: {  	s0 =	sld [smem:$0x7F3]  }
0x4f: {  	[sflag:s3] =	ssyncset.done $0x0  }
0x50: {  	[sflag:s3] =	ssyncadd.s32 $0xFFFFF000  }
0x51: {  	[tilespmem:s5], [sflag:$0x2] =	stream.indirect.gather [hbm4b:s24+s7], $0x20, s0, s7, $0xb8;
	[tilespmem:$0x3000] =	vst v63  }
0x52: {  	_ =	swait.ge [sflag:s9], $0x1000  }
0x53: {  	[sflag:s9] =	ssyncset.done $0x0  }
0x54: {  	s0 =	rddreg [dreg:$0x6];
	[sflag:s9] =	ssyncadd.s32 $0xFFFFF000  }
0x55: {  	[hbm4b:s0+s2] =	stream.linear.scatter [tilespmem:s6], [sflag:$0x3], $0x1000, $0x38;
	[tilespmem:$0x3000] =	vst v63  }
0x56: {  	_ =	swait.ge [sflag:s3], $0x1000  }
0x57: {  	s0 =	sld [smem:$0x7F4]  }
0x58: {  	[sflag:s3] =	ssyncset.done $0x0  }
0x59: {  	[sflag:s3] =	ssyncadd.s32 $0xFFFFF000  }
0x5a: {  	[tilespmem:s6], [sflag:$0x1] =	stream.indirect.gather [hbm4b:s24+s7], $0x20, s0, s7, $0xb8;
	[tilespmem:$0x3000] =	vst v63  }
0x5b: {  	_ =	swait.ge [sflag:s8], $0x1000  }
0x5c: {  	[sflag:s8] =	ssyncset.done $0x0  }
0x5d: {  	s0 =	rddreg [dreg:$0x7];
	[sflag:s8] =	ssyncadd.s32 $0xFFFFF000  }
0x5e: {  	[hbm4b:s0+s2] =	stream.linear.scatter [tilespmem:s5], [sflag:$0x3], $0x1000, $0x38;
	[tilespmem:$0x3000] =	vst v63  }
0x5f: {  	_ =	swait.ge [sflag:s3], $0x1000  }
0x60: {  	s0 =	sld [smem:$0x7F5]  }
0x61: {  	[sflag:s3] =	ssyncset.done $0x0  }
0x62: {  	[sflag:s3] =	ssyncadd.s32 $0xFFFFF000  }
0x63: {  	[tilespmem:s5], [sflag:$0x2] =	stream.indirect.gather [hbm4b:s24+s7], $0x20, s0, s7, $0xb8;
	[tilespmem:$0x3000] =	vst v63  }
0x64: {  	_ =	swait.ge [sflag:s9], $0x1000  }
0x65: {  	[sflag:s9] =	ssyncset.done $0x0  }
0x66: {  	s0 =	rddreg [dreg:$0x8];
	[sflag:s9] =	ssyncadd.s32 $0xFFFFF000  }
0x67: {  	[hbm4b:s0+s2] =	stream.linear.scatter [tilespmem:s6], [sflag:$0x3], $0x1000, $0x38;
	[tilespmem:$0x3000] =	vst v63  }
0x68: {  	_ =	swait.ge [sflag:s3], $0x1000  }
0x69: {  	s0 =	sld [smem:$0x7F6]  }
0x6a: {  	[sflag:s3] =	ssyncset.done $0x0  }
0x6b: {  	[sflag:s3] =	ssyncadd.s32 $0xFFFFF000  }
0x6c: {  	[tilespmem:s6], [sflag:$0x1] =	stream.indirect.gather [hbm4b:s24+s7], $0x20, s0, s7, $0xb8;
	[tilespmem:$0x3000] =	vst v63  }
0x6d: {  	_ =	swait.ge [sflag:s8], $0x1000  }
0x6e: {  	[sflag:s8] =	ssyncset.done $0x0  }
0x6f: {  	s0 =	rddreg [dreg:$0x9];
	[sflag:s8] =	ssyncadd.s32 $0xFFFFF000  }
0x70: {  	[hbm4b:s0+s2] =	stream.linear.scatter [tilespmem:s5], [sflag:$0x3], $0x1000, $0x38;
	[tilespmem:$0x3000] =	vst v63  }
0x71: {  	_ =	swait.ge [sflag:s3], $0x1000  }
0x72: {  	s0 =	sld [smem:$0x7F7]  }
0x73: {  	[sflag:s3] =	ssyncset.done $0x0  }
0x74: {  	[sflag:s3] =	ssyncadd.s32 $0xFFFFF000  }
0x75: {  	[tilespmem:s5], [sflag:$0x2] =	stream.indirect.gather [hbm4b:s24+s7], $0x20, s0, s7, $0xb8;
	[tilespmem:$0x3000] =	vst v63  }
0x76: {  	_ =	swait.ge [sflag:s9], $0x1000  }
0x77: {  	[sflag:s9] =	ssyncset.done $0x0  }
0x78: {  	s0 =	rddreg [dreg:$0xa];
	[sflag:s9] =	ssyncadd.s32 $0xFFFFF000  }
0x79: {  	[hbm4b:s0+s2] =	stream.linear.scatter [tilespmem:s6], [sflag:$0x3], $0x1000, $0x38;
	[tilespmem:$0x3000] =	vst v63  }
0x7a: {  	_ =	swait.ge [sflag:s3], $0x1000  }
0x7b: {  	s0 =	sld [smem:$0x7F8]  }
0x7c: {  	[sflag:s3] =	ssyncset.done $0x0  }
0x7d: {  	[sflag:s3] =	ssyncadd.s32 $0xFFFFF000  }
0x7e: {  	[tilespmem:s6], [sflag:$0x1] =	stream.indirect.gather [hbm4b:s24+s7], $0x20, s0, s7, $0xb8;
	[tilespmem:$0x3000] =	vst v63  }
0x7f: {  	_ =	swait.ge [sflag:s8], $0x1000  }
0x80: {  	[sflag:s8] =	ssyncset.done $0x0  }
0x81: {  	s0 =	rddreg [dreg:$0xb];
	[sflag:s8] =	ssyncadd.s32 $0xFFFFF000  }
0x82: {  	[hbm4b:s0+s2] =	stream.linear.scatter [tilespmem:s5], [sflag:$0x3], $0x1000, $0x38;
	[tilespmem:$0x3000] =	vst v63  }
0x83: {  	_ =	swait.ge [sflag:s3], $0x1000  }
0x84: {  	s0 =	sld [smem:$0x7F9]  }
0x85: {  	[sflag:s3] =	ssyncset.done $0x0  }
0x86: {  	[sflag:s3] =	ssyncadd.s32 $0xFFFFF000  }
0x87: {  	[tilespmem:s5], [sflag:$0x2] =	stream.indirect.gather [hbm4b:s24+s7], $0x20, s0, s7, $0xb8;
	[tilespmem:$0x3000] =	vst v63  }
0x88: {  	_ =	swait.ge [sflag:s9], $0x1000  }
0x89: {  	[sflag:s9] =	ssyncset.done $0x0  }
0x8a: {  	s0 =	rddreg [dreg:$0xc];
	[sflag:s9] =	ssyncadd.s32 $0xFFFFF000  }
0x8b: {  	[hbm4b:s0+s2] =	stream.linear.scatter [tilespmem:s6], [sflag:$0x3], $0x1000, $0x38;
	[tilespmem:$0x3000] =	vst v63  }
0x8c: {  	_ =	swait.ge [sflag:s3], $0x1000  }
0x8d: {  	s0 =	sld [smem:$0x7FA]  }
0x8e: {  	[sflag:s3] =	ssyncset.done $0x0  }
0x8f: {  	[sflag:s3] =	ssyncadd.s32 $0xFFFFF000  }
0x90: {  	[tilespmem:s6], [sflag:$0x1] =	stream.indirect.gather [hbm4b:s24+s7], $0x20, s0, s7, $0xb8;
	[tilespmem:$0x3000] =	vst v63  }
0x91: {  	_ =	swait.ge [sflag:s8], $0x1000  }
0x92: {  	[sflag:s8] =	ssyncset.done $0x0  }
0x93: {  	s0 =	rddreg [dreg:$0xd];
	[sflag:s8] =	ssyncadd.s32 $0xFFFFF000  }
0x94: {  	[hbm4b:s0+s2] =	stream.linear.scatter [tilespmem:s5], [sflag:$0x3], $0x1000, $0x38;
	[tilespmem:$0x3000] =	vst v63  }
0x95: {  	_ =	swait.ge [sflag:s3], $0x1000  }
0x96: {  	s0 =	sld [smem:$0x7FB]  }
0x97: {  	[sflag:s3] =	ssyncset.done $0x0  }
0x98: {  	[sflag:s3] =	ssyncadd.s32 $0xFFFFF000  }
0x99: {  	[tilespmem:s5], [sflag:$0x2] =	stream.indirect.gather [hbm4b:s24+s7], $0x20, s0, s7, $0xb8;
	[tilespmem:$0x3000] =	vst v63  }
0x9a: {  	_ =	swait.ge [sflag:s9], $0x1000  }
0x9b: {  	[sflag:s9] =	ssyncset.done $0x0  }
0x9c: {  	s0 =	rddreg [dreg:$0xe];
	[sflag:s9] =	ssyncadd.s32 $0xFFFFF000  }
0x9d: {  	[hbm4b:s0+s2] =	stream.linear.scatter [tilespmem:s6], [sflag:$0x3], $0x1000, $0x38;
	[tilespmem:$0x3000] =	vst v63  }
0x9e: {  	_ =	swait.ge [sflag:s3], $0x1000  }
0x9f: {  	s0 =	sld [smem:$0x7FC]  }
0xa0: {  	[sflag:s3] =	ssyncset.done $0x0  }
0xa1: {  	[sflag:s3] =	ssyncadd.s32 $0xFFFFF000  }
0xa2: {  	[tilespmem:s6], [sflag:$0x1] =	stream.indirect.gather [hbm4b:s24+s7], $0x20, s0, s7, $0xb8;
	[tilespmem:$0x3000] =	vst v63  }
0xa3: {  	_ =	swait.ge [sflag:s8], $0x1000  }
0xa4: {  	[sflag:s8] =	ssyncset.done $0x0  }
0xa5: {  	s0 =	rddreg [dreg:$0xf];
	[sflag:s8] =	ssyncadd.s32 $0xFFFFF000  }
0xa6: {  	[hbm4b:s0+s2] =	stream.linear.scatter [tilespmem:s5], [sflag:$0x3], $0x1000, $0x38;
	[tilespmem:$0x3000] =	vst v63  }
0xa7: {  	_ =	swait.ge [sflag:s3], $0x1000  }
0xa8: {  	s0 =	sld [smem:$0x7FD]  }
0xa9: {  	[sflag:s3] =	ssyncset.done $0x0  }
0xaa: {  	[sflag:s3] =	ssyncadd.s32 $0xFFFFF000  }
0xab: {  	[tilespmem:s5], [sflag:$0x2] =	stream.indirect.gather [hbm4b:s24+s7], $0x20, s0, s7, $0xb8;
	[tilespmem:$0x3000] =	vst v63  }
0xac: {  	_ =	swait.ge [sflag:s9], $0x1000  }
0xad: {  	[sflag:s9] =	ssyncset.done $0x0  }
0xae: {  	s0 =	rddreg [dreg:$0x10];
	[sflag:s9] =	ssyncadd.s32 $0xFFFFF000  }
0xaf: {  	[hbm4b:s0+s2] =	stream.linear.scatter [tilespmem:s6], [sflag:$0x3], $0x1000, $0x38;
	[tilespmem:$0x3000] =	vst v63  }
0xb0: {  	_ =	swait.ge [sflag:s3], $0x1000  }
0xb1: {  	[sflag:s3] =	ssyncset.done $0x0  }
0xb2: {  	[sflag:s3] =	ssyncadd.s32 $0xFFFFF000  }
0xb3: {  	[tilespmem:s6], [sflag:$0x1] =	stream.indirect.gather [hbm4b:s24+s7], $0x20, s31, s7, $0xb8;
	[tilespmem:$0x3000] =	vst v63  }
0xb4: {  	_ =	swait.ge [sflag:s8], $0x1000  }
0xb5: {  	[sflag:s8] =	ssyncset.done $0x0  }
0xb6: {  	s0 =	rddreg [dreg:$0x11];
	[sflag:s8] =	ssyncadd.s32 $0xFFFFF000  }
0xb7: {  	[hbm4b:s0+s2] =	stream.linear.scatter [tilespmem:s5], [sflag:$0x3], $0x1000, $0x38;
	[tilespmem:$0x3000] =	vst v63  }
0xb8: {  	_ =	swait.ge [sflag:s3], $0x1000  }
0xb9: {  	[sflag:s3] =	ssyncset.done $0x0  }
0xba: {  	[sflag:s3] =	ssyncadd.s32 $0xFFFFF000  }
0xbb: {  	[tilespmem:s5], [sflag:$0x2] =	stream.indirect.gather [hbm4b:s24+s7], $0x20, s30, s7, $0xb8;
	[tilespmem:$0x3000] =	vst v63  }
0xbc: {  	_ =	swait.ge [sflag:s9], $0x1000  }
0xbd: {  	[sflag:s9] =	ssyncset.done $0x0  }
0xbe: {  	s0 =	rddreg [dreg:$0x12];
	[sflag:s9] =	ssyncadd.s32 $0xFFFFF000  }
0xbf: {  	[hbm4b:s0+s2] =	stream.linear.scatter [tilespmem:s6], [sflag:$0x3], $0x1000, $0x38;
	[tilespmem:$0x3000] =	vst v63  }
0xc0: {  	_ =	swait.ge [sflag:s3], $0x1000  }
0xc1: {  	[sflag:s3] =	ssyncset.done $0x0  }
0xc2: {  	[sflag:s3] =	ssyncadd.s32 $0xFFFFF000  }
0xc3: {  	_ =	swait.ge [sflag:s8], $0x1000  }
0xc4: {  	[sflag:s8] =	ssyncset.done $0x0  }
0xc5: {  	s0 =	rddreg [dreg:$0x13];
	[sflag:s8] =	ssyncadd.s32 $0xFFFFF000  }
0xc6: {  	[hbm4b:s0+s2] =	stream.linear.scatter [tilespmem:s5], [sflag:$0x3], $0x1000, $0x38;
	[tilespmem:$0x3000] =	vst v63  }
0xc7: {  	_ =	swait.ge [sflag:s3], $0x1000  }
0xc8: {  	[sflag:s3] =	ssyncset.done $0x0  }
0xc9: {  	s0 =	rddreg [dreg:$0x14];
	[sflag:s3] =	ssyncadd.s32 $0xFFFFF000  }
0xca: {  	[tilespmem:s28], [sflag:$0x3] =	stream.linear.gather [hbm4b:s0+s2], $0x600, $0x38;
	[tilespmem:$0x3000] =	vst v63  }
0xcb: {  	_ =	swait.ge [sflag:s3], $0x600  }
0xcc: {  	[sflag:s3] =	ssyncset.done $0x0  }
0xcd: {  	[sflag:s3] =	ssyncadd.s32 $0xFFFFFA00  }
0xce: {  	[tilespmem:s6], [sflag:$0x1] =	stream.indirect.gather [hbm4b:s10+s7], $0x20, s28, s7, $0xb8;
	[tilespmem:$0x3000] =	vst v63  }
0xcf: {  	_ = 	snop  }
0xd0: {  	[tilespmem:s5], [sflag:$0x2] =	stream.indirect.gather [hbm4b:s10+s7], $0x20, s29, s7, $0xb8;
	[tilespmem:$0x3000] =	vst v63  }
0xd1: {  	_ =	swait.ge [sflag:s9], $0x1000  }
0xd2: {  	[sflag:s9] =	ssyncset.done $0x0  }
0xd3: {  	[sflag:s9] =	ssyncadd.s32 $0xFFFFF000  }
0xd4: {  	[hbm4b:s15+s2] =	stream.linear.scatter [tilespmem:s6], [sflag:$0x3], $0x1000, $0x38;
	[tilespmem:$0x3000] =	vst v63  }
0xd5: {  	_ =	swait.ge [sflag:s3], $0x1000  }
0xd6: {  	[sflag:s3] =	ssyncset.done $0x0  }
0xd7: {  	[sflag:s3] =	ssyncadd.s32 $0xFFFFF000  }
0xd8: {  	[tilespmem:s6], [sflag:$0x1] =	stream.indirect.gather [hbm4b:s10+s7], $0x20, s26, s7, $0xb8;
	[tilespmem:$0x3000] =	vst v63  }
0xd9: {  	_ =	swait.ge [sflag:s8], $0x1000  }
0xda: {  	[sflag:s8] =	ssyncset.done $0x0  }
0xdb: {  	s0 =	rddreg [dreg:$0x15];
	[sflag:s8] =	ssyncadd.s32 $0xFFFFF000  }
0xdc: {  	[hbm4b:s0+s2] =	stream.linear.scatter [tilespmem:s5], [sflag:$0x3], $0x1000, $0x38;
	[tilespmem:$0x3000] =	vst v63  }
0xdd: {  	_ =	swait.ge [sflag:s3], $0x1000  }
0xde: {  	[sflag:s3] =	ssyncset.done $0x0  }
0xdf: {  	[sflag:s3] =	ssyncadd.s32 $0xFFFFF000  }
0xe0: {  	[tilespmem:s5], [sflag:$0x2] =	stream.indirect.gather [hbm4b:s10+s7], $0x20, s25, s7, $0xb8;
	[tilespmem:$0x3000] =	vst v63  }
0xe1: {  	_ =	swait.ge [sflag:s9], $0x1000  }
0xe2: {  	[sflag:s9] =	ssyncset.done $0x0  }
0xe3: {  	s0 =	rddreg [dreg:$0x16];
	[sflag:s9] =	ssyncadd.s32 $0xFFFFF000  }
0xe4: {  	[hbm4b:s0+s2] =	stream.linear.scatter [tilespmem:s6], [sflag:$0x3], $0x1000, $0x38;
	[tilespmem:$0x3000] =	vst v63  }
0xe5: {  	_ =	swait.ge [sflag:s3], $0x1000  }
0xe6: {  	[sflag:s3] =	ssyncset.done $0x0  }
0xe7: {  	[sflag:s3] =	ssyncadd.s32 $0xFFFFF000  }
0xe8: {  	[tilespmem:s6], [sflag:$0x1] =	stream.indirect.gather [hbm4b:s10+s7], $0x20, s23, s7, $0xb8;
	[tilespmem:$0x3000] =	vst v63  }
0xe9: {  	_ =	swait.ge [sflag:s8], $0x1000  }
0xea: {  	[sflag:s8] =	ssyncset.done $0x0  }
0xeb: {  	s0 =	rddreg [dreg:$0x17];
	[sflag:s8] =	ssyncadd.s32 $0xFFFFF000  }
0xec: {  	[hbm4b:s0+s2] =	stream.linear.scatter [tilespmem:s5], [sflag:$0x3], $0x1000, $0x38;
	[tilespmem:$0x3000] =	vst v63  }
0xed: {  	_ =	swait.ge [sflag:s3], $0x1000  }
0xee: {  	[sflag:s3] =	ssyncset.done $0x0  }
0xef: {  	[sflag:s3] =	ssyncadd.s32 $0xFFFFF000  }
0xf0: {  	[tilespmem:s5], [sflag:$0x2] =	stream.indirect.gather [hbm4b:s10+s7], $0x20, s22, s7, $0xb8;
	[tilespmem:$0x3000] =	vst v63  }
0xf1: {  	_ =	swait.ge [sflag:s9], $0x1000  }
0xf2: {  	[sflag:s9] =	ssyncset.done $0x0  }
0xf3: {  	s0 =	rddreg [dreg:$0x18];
	[sflag:s9] =	ssyncadd.s32 $0xFFFFF000  }
0xf4: {  	[hbm4b:s0+s2] =	stream.linear.scatter [tilespmem:s6], [sflag:$0x3], $0x1000, $0x38;
	[tilespmem:$0x3000] =	vst v63  }
0xf5: {  	_ =	swait.ge [sflag:s3], $0x1000  }
0xf6: {  	[sflag:s3] =	ssyncset.done $0x0  }
0xf7: {  	[sflag:s3] =	ssyncadd.s32 $0xFFFFF000  }
0xf8: {  	[tilespmem:s6], [sflag:$0x1] =	stream.indirect.gather [hbm4b:s10+s7], $0x20, s21, s7, $0xb8;
	[tilespmem:$0x3000] =	vst v63  }
0xf9: {  	_ =	swait.ge [sflag:s8], $0x1000  }
0xfa: {  	[sflag:s8] =	ssyncset.done $0x0  }
0xfb: {  	s0 =	rddreg [dreg:$0x19];
	[sflag:s8] =	ssyncadd.s32 $0xFFFFF000  }
0xfc: {  	[hbm4b:s0+s2] =	stream.linear.scatter [tilespmem:s5], [sflag:$0x3], $0x1000, $0x38;
	[tilespmem:$0x3000] =	vst v63  }
0xfd: {  	_ =	swait.ge [sflag:s3], $0x1000  }
0xfe: {  	[sflag:s3] =	ssyncset.done $0x0  }
0xff: {  	[sflag:s3] =	ssyncadd.s32 $0xFFFFF000  }
0x100: {  	[tilespmem:s5], [sflag:$0x2] =	stream.indirect.gather [hbm4b:s10+s7], $0x20, s20, s7, $0xb8;
	[tilespmem:$0x3000] =	vst v63  }
0x101: {  	_ =	swait.ge [sflag:s9], $0x1000  }
0x102: {  	[sflag:s9] =	ssyncset.done $0x0  }
0x103: {  	s0 =	rddreg [dreg:$0x1a];
	[sflag:s9] =	ssyncadd.s32 $0xFFFFF000  }
0x104: {  	[hbm4b:s0+s2] =	stream.linear.scatter [tilespmem:s6], [sflag:$0x3], $0x1000, $0x38;
	[tilespmem:$0x3000] =	vst v63  }
0x105: {  	_ =	swait.ge [sflag:s3], $0x1000  }
0x106: {  	[sflag:s3] =	ssyncset.done $0x0  }
0x107: {  	[sflag:s3] =	ssyncadd.s32 $0xFFFFF000  }
0x108: {  	[tilespmem:s6], [sflag:$0x1] =	stream.indirect.gather [hbm4b:s10+s7], $0x20, s19, s7, $0xb8;
	[tilespmem:$0x3000] =	vst v63  }
0x109: {  	_ =	swait.ge [sflag:s8], $0x1000  }
0x10a: {  	[sflag:s8] =	ssyncset.done $0x0  }
0x10b: {  	s0 =	rddreg [dreg:$0x1b];
	[sflag:s8] =	ssyncadd.s32 $0xFFFFF000  }
0x10c: {  	[hbm4b:s0+s2] =	stream.linear.scatter [tilespmem:s5], [sflag:$0x3], $0x1000, $0x38;
	[tilespmem:$0x3000] =	vst v63  }
0x10d: {  	_ =	swait.ge [sflag:s3], $0x1000  }
0x10e: {  	[sflag:s3] =	ssyncset.done $0x0  }
0x10f: {  	[sflag:s3] =	ssyncadd.s32 $0xFFFFF000  }
0x110: {  	[tilespmem:s5], [sflag:$0x2] =	stream.indirect.gather [hbm4b:s10+s7], $0x20, s18, s7, $0xb8;
	[tilespmem:$0x3000] =	vst v63  }
0x111: {  	_ =	swait.ge [sflag:s9], $0x1000  }
0x112: {  	[sflag:s9] =	ssyncset.done $0x0  }
0x113: {  	s0 =	rddreg [dreg:$0x1c];
	[sflag:s9] =	ssyncadd.s32 $0xFFFFF000  }
0x114: {  	[hbm4b:s0+s2] =	stream.linear.scatter [tilespmem:s6], [sflag:$0x3], $0x1000, $0x38;
	[tilespmem:$0x3000] =	vst v63  }
0x115: {  	_ =	swait.ge [sflag:s3], $0x1000  }
0x116: {  	[sflag:s3] =	ssyncset.done $0x0  }
0x117: {  	[sflag:s3] =	ssyncadd.s32 $0xFFFFF000  }
0x118: {  	[tilespmem:s6], [sflag:$0x1] =	stream.indirect.gather [hbm4b:s10+s7], $0x20, s17, s7, $0xb8;
	[tilespmem:$0x3000] =	vst v63  }
0x119: {  	_ =	swait.ge [sflag:s8], $0x1000  }
0x11a: {  	[sflag:s8] =	ssyncset.done $0x0  }
0x11b: {  	s0 =	rddreg [dreg:$0x1d];
	[sflag:s8] =	ssyncadd.s32 $0xFFFFF000  }
0x11c: {  	[hbm4b:s0+s2] =	stream.linear.scatter [tilespmem:s5], [sflag:$0x3], $0x1000, $0x38;
	[tilespmem:$0x3000] =	vst v63  }
0x11d: {  	_ =	swait.ge [sflag:s3], $0x1000  }
0x11e: {  	[sflag:s3] =	ssyncset.done $0x0  }
0x11f: {  	[sflag:s3] =	ssyncadd.s32 $0xFFFFF000  }
0x120: {  	[tilespmem:s5], [sflag:$0x2] =	stream.indirect.gather [hbm4b:s10+s7], $0x20, s16, s7, $0xb8;
	[tilespmem:$0x3000] =	vst v63  }
0x121: {  	_ =	swait.ge [sflag:s9], $0x1000  }
0x122: {  	[sflag:s9] =	ssyncset.done $0x0  }
0x123: {  	s0 =	rddreg [dreg:$0x1e];
	[sflag:s9] =	ssyncadd.s32 $0xFFFFF000  }
0x124: {  	[hbm4b:s0+s2] =	stream.linear.scatter [tilespmem:s6], [sflag:$0x3], $0x1000, $0x38;
	[tilespmem:$0x3000] =	vst v63  }
0x125: {  	_ =	swait.ge [sflag:s3], $0x1000  }
0x126: {  	[sflag:s3] =	ssyncset.done $0x0  }
0x127: {  	[sflag:s3] =	ssyncadd.s32 $0xFFFFF000  }
0x128: {  	_ =	swait.ge [sflag:s8], $0x1000  }
0x129: {  	[sflag:s8] =	ssyncset.done $0x0  }
0x12a: {  	s0 =	rddreg [dreg:$0x1f];
	[sflag:s8] =	ssyncadd.s32 $0xFFFFF000  }
0x12b: {  	[hbm4b:s0+s2] =	stream.linear.scatter [tilespmem:s5], [sflag:$0x3], $0x1000, $0x38;
	[tilespmem:$0x3000] =	vst v63  }
0x12c: {  	_ =	swait.ge [sflag:s3], $0x1000  }
0x12d: {  	s0 =	sld [smem:$0x7ED]  }
0x12e: {  	[sflag:s3] =	ssyncset.done $0x0  }
0x12f: {  	[sflag:s3] =	ssyncadd.s32 $0xFFFFF000  }
0x130: {  	[tilespmem:s13], [sflag:$0x3] =	stream.linear.gather [hbm4b:s0+s2], $0x200, $0x38;
	[tilespmem:$0x3000] =	vst v63  }
0x131: {  	_ =	swait.ge [sflag:s3], $0x200  }
0x132: {  	[sflag:s3] =	ssyncset.done $0x0  }
0x133: {  	[sflag:s3] =	ssyncadd.s32 $0xFFFFFE00  }
0x134: {  	[tilespmem:s6], [sflag:$0x1] =	stream.indirect.gather [hbm4b:s4+s7], $0x20, s13, s7, $0xb8;
	[tilespmem:$0x3000] =	vst v63  }
0x135: {  	_ = 	snop  }
0x136: {  	[tilespmem:s5], [sflag:$0x2] =	stream.indirect.gather [hbm4b:s4+s7], $0x20, s14, s7, $0xb8;
	[tilespmem:$0x3000] =	vst v63  }
0x137: {  	_ =	swait.ge [sflag:s9], $0x1000  }
0x138: {  	s0 =	sld [smem:$0x7EE]  }
0x139: {  	[sflag:s9] =	ssyncset.done $0x0  }
0x13a: {  	[sflag:s9] =	ssyncadd.s32 $0xFFFFF000  }
0x13b: {  	[hbm4b:s0+s2] =	stream.linear.scatter [tilespmem:s6], [sflag:$0x3], $0x1000, $0x38;
	[tilespmem:$0x3000] =	vst v63  }
0x13c: {  	_ =	swait.ge [sflag:s3], $0x1000  }
0x13d: {  	[sflag:s3] =	ssyncset.done $0x0  }
0x13e: {  	[sflag:s3] =	ssyncadd.s32 $0xFFFFF000  }
0x13f: {  	[tilespmem:s6], [sflag:$0x1] =	stream.indirect.gather [hbm4b:s4+s7], $0x20, s12, s7, $0xb8;
	[tilespmem:$0x3000] =	vst v63  }
0x140: {  	_ =	swait.ge [sflag:s8], $0x1000  }
0x141: {  	s0 =	sld [smem:$0x7EF]  }
0x142: {  	[sflag:s8] =	ssyncset.done $0x0  }
0x143: {  	[sflag:s8] =	ssyncadd.s32 $0xFFFFF000  }
0x144: {  	[hbm4b:s0+s2] =	stream.linear.scatter [tilespmem:s5], [sflag:$0x3], $0x1000, $0x38;
	[tilespmem:$0x3000] =	vst v63  }
0x145: {  	_ =	swait.ge [sflag:s3], $0x1000  }
0x146: {  	[sflag:s3] =	ssyncset.done $0x0  }
0x147: {  	[sflag:s3] =	ssyncadd.s32 $0xFFFFF000  }
0x148: {  	[tilespmem:s5], [sflag:$0x2] =	stream.indirect.gather [hbm4b:s4+s7], $0x20, s11, s7, $0xb8;
	[tilespmem:$0x3000] =	vst v63  }
0x149: {  	_ =	swait.ge [sflag:s9], $0x1000  }
0x14a: {  	s0 =	sld [smem:$0x7F0]  }
0x14b: {  	[sflag:s9] =	ssyncset.done $0x0  }
0x14c: {  	[sflag:s9] =	ssyncadd.s32 $0xFFFFF000  }
0x14d: {  	[hbm4b:s0+s2] =	stream.linear.scatter [tilespmem:s6], [sflag:$0x3], $0x1000, $0x38;
	[tilespmem:$0x3000] =	vst v63  }
0x14e: {  	_ =	swait.ge [sflag:s3], $0x1000  }
0x14f: {  	[sflag:s3] =	ssyncset.done $0x0  }
0x150: {  	[sflag:s3] =	ssyncadd.s32 $0xFFFFF000  }
0x151: {  	_ =	swait.ge [sflag:s8], $0x1000  }
0x152: {  	p1 =	sne.s32 s1, $0x1;
	s0 =	sld [smem:$0x7F1]  }
.Ltmp1:
0x153: {  	[sflag:s8] =	ssyncset.done $0x0;
	(pc) =	sbr.rel @!p1 .LBB2_3-.Ltmp1, $4  }
0x154: {  	[sflag:s8] =	ssyncadd.s32 $0xFFFFF000  }
0x155: {  	[hbm4b:s0+s2] =	stream.linear.scatter [tilespmem:s5], [sflag:$0x3], $0x1000, $0x38;
	[tilespmem:$0x3000] =	vst v63  }
0x156: {  	s1 =	sadd.s32 $0xFFFFFFFF, s1;
	_ =	swait.ge [sflag:s3], $0x1000  }
0x157: {  	p0 =	por $0x1, $0x1;
	s0 =	rddreg [dreg:$0x3];
	[sflag:s3] =	ssyncset.done $0x0  }
.LBB2_2:
0x158: {  	[sflag:s3] =	ssyncadd.s32 $0xFFFFF000  }
0x159: {  	[tilespmem:s2], [sflag:$0x3] =	stream.linear.gather [hbm4b:s0+s2], $0x800, $0x38;
	[tilespmem:$0x3000] =	vst v63  }
0x15a: {  	_ =	swait.ge [sflag:s3], $0x800  }
0x15b: {  	[sflag:s3] =	ssyncset.done $0x0  }
0x15c: {  	[sflag:s3] =	ssyncadd.s32 $0xFFFFF800  }
0x15d: {  	[tilespmem:s6], [sflag:$0x1] =	stream.indirect.gather [hbm4b:s24+s7], $0x20, s2, s7, $0xb8;
	[tilespmem:$0x3000] =	vst v63  }
0x15e: {  	_ = 	snop  }
0x15f: {  	[tilespmem:s5], [sflag:$0x2] =	stream.indirect.gather [hbm4b:s24+s7], $0x20, s7, s7, $0xb8;
	[tilespmem:$0x3000] =	vst v63  }
0x160: {  	_ =	swait.ge [sflag:s9], $0x1000  }
0x161: {  	[sflag:s9] =	ssyncset.done $0x0  }
0x162: {  	s0 =	rddreg [dreg:$0x4];
	[sflag:s9] =	ssyncadd.s32 $0xFFFFF000  }
0x163: {  	[hbm4b:s0+s2] =	stream.linear.scatter [tilespmem:s6], [sflag:$0x3], $0x1000, $0x38;
	[tilespmem:$0x3000] =	vst v63  }
0x164: {  	_ =	swait.ge [sflag:s3], $0x1000  }
0x165: {  	s0 =	sld [smem:$0x7F2]  }
0x166: {  	[sflag:s3] =	ssyncset.done $0x0  }
0x167: {  	[sflag:s3] =	ssyncadd.s32 $0xFFFFF000  }
0x168: {  	[tilespmem:s6], [sflag:$0x1] =	stream.indirect.gather [hbm4b:s24+s7], $0x20, s0, s7, $0xb8;
	[tilespmem:$0x3000] =	vst v63  }
0x169: {  	_ =	swait.ge [sflag:s8], $0x1000  }
0x16a: {  	[sflag:s8] =	ssyncset.done $0x0  }
0x16b: {  	s0 =	rddreg [dreg:$0x5];
	[sflag:s8] =	ssyncadd.s32 $0xFFFFF000  }
0x16c: {  	[hbm4b:s0+s2] =	stream.linear.scatter [tilespmem:s5], [sflag:$0x3], $0x1000, $0x38;
	[tilespmem:$0x3000] =	vst v63  }
0x16d: {  	_ =	swait.ge [sflag:s3], $0x1000  }
0x16e: {  	s0 =	sld [smem:$0x7F3]  }
0x16f: {  	[sflag:s3] =	ssyncset.done $0x0  }
0x170: {  	[sflag:s3] =	ssyncadd.s32 $0xFFFFF000  }
0x171: {  	[tilespmem:s5], [sflag:$0x2] =	stream.indirect.gather [hbm4b:s24+s7], $0x20, s0, s7, $0xb8;
	[tilespmem:$0x3000] =	vst v63  }
0x172: {  	_ =	swait.ge [sflag:s9], $0x1000  }
0x173: {  	[sflag:s9] =	ssyncset.done $0x0  }
0x174: {  	s0 =	rddreg [dreg:$0x6];
	[sflag:s9] =	ssyncadd.s32 $0xFFFFF000  }
0x175: {  	[hbm4b:s0+s2] =	stream.linear.scatter [tilespmem:s6], [sflag:$0x3], $0x1000, $0x38;
	[tilespmem:$0x3000] =	vst v63  }
0x176: {  	_ =	swait.ge [sflag:s3], $0x1000  }
0x177: {  	s0 =	sld [smem:$0x7F4]  }
0x178: {  	[sflag:s3] =	ssyncset.done $0x0  }
0x179: {  	[sflag:s3] =	ssyncadd.s32 $0xFFFFF000  }
0x17a: {  	[tilespmem:s6], [sflag:$0x1] =	stream.indirect.gather [hbm4b:s24+s7], $0x20, s0, s7, $0xb8;
	[tilespmem:$0x3000] =	vst v63  }
0x17b: {  	_ =	swait.ge [sflag:s8], $0x1000  }
0x17c: {  	[sflag:s8] =	ssyncset.done $0x0  }
0x17d: {  	s0 =	rddreg [dreg:$0x7];
	[sflag:s8] =	ssyncadd.s32 $0xFFFFF000  }
0x17e: {  	[hbm4b:s0+s2] =	stream.linear.scatter [tilespmem:s5], [sflag:$0x3], $0x1000, $0x38;
	[tilespmem:$0x3000] =	vst v63  }
0x17f: {  	_ =	swait.ge [sflag:s3], $0x1000  }
0x180: {  	s0 =	sld [smem:$0x7F5]  }
0x181: {  	[sflag:s3] =	ssyncset.done $0x0  }
0x182: {  	[sflag:s3] =	ssyncadd.s32 $0xFFFFF000  }
0x183: {  	[tilespmem:s5], [sflag:$0x2] =	stream.indirect.gather [hbm4b:s24+s7], $0x20, s0, s7, $0xb8;
	[tilespmem:$0x3000] =	vst v63  }
0x184: {  	_ =	swait.ge [sflag:s9], $0x1000  }
0x185: {  	[sflag:s9] =	ssyncset.done $0x0  }
0x186: {  	s0 =	rddreg [dreg:$0x8];
	[sflag:s9] =	ssyncadd.s32 $0xFFFFF000  }
0x187: {  	[hbm4b:s0+s2] =	stream.linear.scatter [tilespmem:s6], [sflag:$0x3], $0x1000, $0x38;
	[tilespmem:$0x3000] =	vst v63  }
0x188: {  	_ =	swait.ge [sflag:s3], $0x1000  }
0x189: {  	s0 =	sld [smem:$0x7F6]  }
0x18a: {  	[sflag:s3] =	ssyncset.done $0x0  }
0x18b: {  	[sflag:s3] =	ssyncadd.s32 $0xFFFFF000  }
0x18c: {  	[tilespmem:s6], [sflag:$0x1] =	stream.indirect.gather [hbm4b:s24+s7], $0x20, s0, s7, $0xb8;
	[tilespmem:$0x3000] =	vst v63  }
0x18d: {  	_ =	swait.ge [sflag:s8], $0x1000  }
0x18e: {  	[sflag:s8] =	ssyncset.done $0x0  }
0x18f: {  	s0 =	rddreg [dreg:$0x9];
	[sflag:s8] =	ssyncadd.s32 $0xFFFFF000  }
0x190: {  	[hbm4b:s0+s2] =	stream.linear.scatter [tilespmem:s5], [sflag:$0x3], $0x1000, $0x38;
	[tilespmem:$0x3000] =	vst v63  }
0x191: {  	_ =	swait.ge [sflag:s3], $0x1000  }
0x192: {  	s0 =	sld [smem:$0x7F7]  }
0x193: {  	[sflag:s3] =	ssyncset.done $0x0  }
0x194: {  	[sflag:s3] =	ssyncadd.s32 $0xFFFFF000  }
0x195: {  	[tilespmem:s5], [sflag:$0x2] =	stream.indirect.gather [hbm4b:s24+s7], $0x20, s0, s7, $0xb8;
	[tilespmem:$0x3000] =	vst v63  }
0x196: {  	_ =	swait.ge [sflag:s9], $0x1000  }
0x197: {  	[sflag:s9] =	ssyncset.done $0x0  }
0x198: {  	s0 =	rddreg [dreg:$0xa];
	[sflag:s9] =	ssyncadd.s32 $0xFFFFF000  }
0x199: {  	[hbm4b:s0+s2] =	stream.linear.scatter [tilespmem:s6], [sflag:$0x3], $0x1000, $0x38;
	[tilespmem:$0x3000] =	vst v63  }
0x19a: {  	_ =	swait.ge [sflag:s3], $0x1000  }
0x19b: {  	s0 =	sld [smem:$0x7F8]  }
0x19c: {  	[sflag:s3] =	ssyncset.done $0x0  }
0x19d: {  	[sflag:s3] =	ssyncadd.s32 $0xFFFFF000  }
0x19e: {  	[tilespmem:s6], [sflag:$0x1] =	stream.indirect.gather [hbm4b:s24+s7], $0x20, s0, s7, $0xb8;
	[tilespmem:$0x3000] =	vst v63  }
0x19f: {  	_ =	swait.ge [sflag:s8], $0x1000  }
0x1a0: {  	[sflag:s8] =	ssyncset.done $0x0  }
0x1a1: {  	s0 =	rddreg [dreg:$0xb];
	[sflag:s8] =	ssyncadd.s32 $0xFFFFF000  }
0x1a2: {  	[hbm4b:s0+s2] =	stream.linear.scatter [tilespmem:s5], [sflag:$0x3], $0x1000, $0x38;
	[tilespmem:$0x3000] =	vst v63  }
0x1a3: {  	_ =	swait.ge [sflag:s3], $0x1000  }
0x1a4: {  	s0 =	sld [smem:$0x7F9]  }
0x1a5: {  	[sflag:s3] =	ssyncset.done $0x0  }
0x1a6: {  	[sflag:s3] =	ssyncadd.s32 $0xFFFFF000  }
0x1a7: {  	[tilespmem:s5], [sflag:$0x2] =	stream.indirect.gather [hbm4b:s24+s7], $0x20, s0, s7, $0xb8;
	[tilespmem:$0x3000] =	vst v63  }
0x1a8: {  	_ =	swait.ge [sflag:s9], $0x1000  }
0x1a9: {  	[sflag:s9] =	ssyncset.done $0x0  }
0x1aa: {  	s0 =	rddreg [dreg:$0xc];
	[sflag:s9] =	ssyncadd.s32 $0xFFFFF000  }
0x1ab: {  	[hbm4b:s0+s2] =	stream.linear.scatter [tilespmem:s6], [sflag:$0x3], $0x1000, $0x38;
	[tilespmem:$0x3000] =	vst v63  }
0x1ac: {  	_ =	swait.ge [sflag:s3], $0x1000  }
0x1ad: {  	s0 =	sld [smem:$0x7FA]  }
0x1ae: {  	[sflag:s3] =	ssyncset.done $0x0  }
0x1af: {  	[sflag:s3] =	ssyncadd.s32 $0xFFFFF000  }
0x1b0: {  	[tilespmem:s6], [sflag:$0x1] =	stream.indirect.gather [hbm4b:s24+s7], $0x20, s0, s7, $0xb8;
	[tilespmem:$0x3000] =	vst v63  }
0x1b1: {  	_ =	swait.ge [sflag:s8], $0x1000  }
0x1b2: {  	[sflag:s8] =	ssyncset.done $0x0  }
0x1b3: {  	s0 =	rddreg [dreg:$0xd];
	[sflag:s8] =	ssyncadd.s32 $0xFFFFF000  }
0x1b4: {  	[hbm4b:s0+s2] =	stream.linear.scatter [tilespmem:s5], [sflag:$0x3], $0x1000, $0x38;
	[tilespmem:$0x3000] =	vst v63  }
0x1b5: {  	_ =	swait.ge [sflag:s3], $0x1000  }
0x1b6: {  	s0 =	sld [smem:$0x7FB]  }
0x1b7: {  	[sflag:s3] =	ssyncset.done $0x0  }
0x1b8: {  	[sflag:s3] =	ssyncadd.s32 $0xFFFFF000  }
0x1b9: {  	[tilespmem:s5], [sflag:$0x2] =	stream.indirect.gather [hbm4b:s24+s7], $0x20, s0, s7, $0xb8;
	[tilespmem:$0x3000] =	vst v63  }
0x1ba: {  	_ =	swait.ge [sflag:s9], $0x1000  }
0x1bb: {  	[sflag:s9] =	ssyncset.done $0x0  }
0x1bc: {  	s0 =	rddreg [dreg:$0xe];
	[sflag:s9] =	ssyncadd.s32 $0xFFFFF000  }
0x1bd: {  	[hbm4b:s0+s2] =	stream.linear.scatter [tilespmem:s6], [sflag:$0x3], $0x1000, $0x38;
	[tilespmem:$0x3000] =	vst v63  }
0x1be: {  	_ =	swait.ge [sflag:s3], $0x1000  }
0x1bf: {  	s0 =	sld [smem:$0x7FC]  }
0x1c0: {  	[sflag:s3] =	ssyncset.done $0x0  }
0x1c1: {  	[sflag:s3] =	ssyncadd.s32 $0xFFFFF000  }
0x1c2: {  	[tilespmem:s6], [sflag:$0x1] =	stream.indirect.gather [hbm4b:s24+s7], $0x20, s0, s7, $0xb8;
	[tilespmem:$0x3000] =	vst v63  }
0x1c3: {  	_ =	swait.ge [sflag:s8], $0x1000  }
0x1c4: {  	[sflag:s8] =	ssyncset.done $0x0  }
0x1c5: {  	s0 =	rddreg [dreg:$0xf];
	[sflag:s8] =	ssyncadd.s32 $0xFFFFF000  }
0x1c6: {  	[hbm4b:s0+s2] =	stream.linear.scatter [tilespmem:s5], [sflag:$0x3], $0x1000, $0x38;
	[tilespmem:$0x3000] =	vst v63  }
0x1c7: {  	_ =	swait.ge [sflag:s3], $0x1000  }
0x1c8: {  	s0 =	sld [smem:$0x7FD]  }
0x1c9: {  	[sflag:s3] =	ssyncset.done $0x0  }
0x1ca: {  	[sflag:s3] =	ssyncadd.s32 $0xFFFFF000  }
0x1cb: {  	[tilespmem:s5], [sflag:$0x2] =	stream.indirect.gather [hbm4b:s24+s7], $0x20, s0, s7, $0xb8;
	[tilespmem:$0x3000] =	vst v63  }
0x1cc: {  	_ =	swait.ge [sflag:s9], $0x1000  }
0x1cd: {  	[sflag:s9] =	ssyncset.done $0x0  }
0x1ce: {  	s0 =	rddreg [dreg:$0x10];
	[sflag:s9] =	ssyncadd.s32 $0xFFFFF000  }
0x1cf: {  	[hbm4b:s0+s2] =	stream.linear.scatter [tilespmem:s6], [sflag:$0x3], $0x1000, $0x38;
	[tilespmem:$0x3000] =	vst v63  }
0x1d0: {  	_ =	swait.ge [sflag:s3], $0x1000  }
0x1d1: {  	[sflag:s3] =	ssyncset.done $0x0  }
0x1d2: {  	[sflag:s3] =	ssyncadd.s32 $0xFFFFF000  }
0x1d3: {  	[tilespmem:s6], [sflag:$0x1] =	stream.indirect.gather [hbm4b:s24+s7], $0x20, s31, s7, $0xb8;
	[tilespmem:$0x3000] =	vst v63  }
0x1d4: {  	_ =	swait.ge [sflag:s8], $0x1000  }
0x1d5: {  	[sflag:s8] =	ssyncset.done $0x0  }
0x1d6: {  	s0 =	rddreg [dreg:$0x11];
	[sflag:s8] =	ssyncadd.s32 $0xFFFFF000  }
0x1d7: {  	[hbm4b:s0+s2] =	stream.linear.scatter [tilespmem:s5], [sflag:$0x3], $0x1000, $0x38;
	[tilespmem:$0x3000] =	vst v63  }
0x1d8: {  	_ =	swait.ge [sflag:s3], $0x1000  }
0x1d9: {  	[sflag:s3] =	ssyncset.done $0x0  }
0x1da: {  	[sflag:s3] =	ssyncadd.s32 $0xFFFFF000  }
0x1db: {  	[tilespmem:s5], [sflag:$0x2] =	stream.indirect.gather [hbm4b:s24+s7], $0x20, s30, s7, $0xb8;
	[tilespmem:$0x3000] =	vst v63  }
0x1dc: {  	_ =	swait.ge [sflag:s9], $0x1000  }
0x1dd: {  	[sflag:s9] =	ssyncset.done $0x0  }
0x1de: {  	s0 =	rddreg [dreg:$0x12];
	[sflag:s9] =	ssyncadd.s32 $0xFFFFF000  }
0x1df: {  	[hbm4b:s0+s2] =	stream.linear.scatter [tilespmem:s6], [sflag:$0x3], $0x1000, $0x38;
	[tilespmem:$0x3000] =	vst v63  }
0x1e0: {  	_ =	swait.ge [sflag:s3], $0x1000  }
0x1e1: {  	[sflag:s3] =	ssyncset.done $0x0  }
0x1e2: {  	[sflag:s3] =	ssyncadd.s32 $0xFFFFF000  }
0x1e3: {  	_ =	swait.ge [sflag:s8], $0x1000  }
0x1e4: {  	[sflag:s8] =	ssyncset.done $0x0  }
0x1e5: {  	s0 =	rddreg [dreg:$0x13];
	[sflag:s8] =	ssyncadd.s32 $0xFFFFF000  }
0x1e6: {  	[hbm4b:s0+s2] =	stream.linear.scatter [tilespmem:s5], [sflag:$0x3], $0x1000, $0x38;
	[tilespmem:$0x3000] =	vst v63  }
0x1e7: {  	_ =	swait.ge [sflag:s3], $0x1000  }
0x1e8: {  	[sflag:s3] =	ssyncset.done $0x0  }
0x1e9: {  	s0 =	rddreg [dreg:$0x14];
	[sflag:s3] =	ssyncadd.s32 $0xFFFFF000  }
0x1ea: {  	[tilespmem:s28], [sflag:$0x3] =	stream.linear.gather [hbm4b:s0+s2], $0x600, $0x38;
	[tilespmem:$0x3000] =	vst v63  }
0x1eb: {  	_ =	swait.ge [sflag:s3], $0x600  }
0x1ec: {  	[sflag:s3] =	ssyncset.done $0x0  }
0x1ed: {  	[sflag:s3] =	ssyncadd.s32 $0xFFFFFA00  }
0x1ee: {  	[tilespmem:s6], [sflag:$0x1] =	stream.indirect.gather [hbm4b:s10+s7], $0x20, s28, s7, $0xb8;
	[tilespmem:$0x3000] =	vst v63  }
0x1ef: {  	_ = 	snop  }
0x1f0: {  	[tilespmem:s5], [sflag:$0x2] =	stream.indirect.gather [hbm4b:s10+s7], $0x20, s29, s7, $0xb8;
	[tilespmem:$0x3000] =	vst v63  }
0x1f1: {  	_ =	swait.ge [sflag:s9], $0x1000  }
0x1f2: {  	[sflag:s9] =	ssyncset.done $0x0  }
0x1f3: {  	[sflag:s9] =	ssyncadd.s32 $0xFFFFF000  }
0x1f4: {  	[hbm4b:s15+s2] =	stream.linear.scatter [tilespmem:s6], [sflag:$0x3], $0x1000, $0x38;
	[tilespmem:$0x3000] =	vst v63  }
0x1f5: {  	_ =	swait.ge [sflag:s3], $0x1000  }
0x1f6: {  	[sflag:s3] =	ssyncset.done $0x0  }
0x1f7: {  	[sflag:s3] =	ssyncadd.s32 $0xFFFFF000  }
0x1f8: {  	[tilespmem:s6], [sflag:$0x1] =	stream.indirect.gather [hbm4b:s10+s7], $0x20, s26, s7, $0xb8;
	[tilespmem:$0x3000] =	vst v63  }
0x1f9: {  	_ =	swait.ge [sflag:s8], $0x1000  }
0x1fa: {  	[sflag:s8] =	ssyncset.done $0x0  }
0x1fb: {  	s0 =	rddreg [dreg:$0x15];
	[sflag:s8] =	ssyncadd.s32 $0xFFFFF000  }
0x1fc: {  	[hbm4b:s0+s2] =	stream.linear.scatter [tilespmem:s5], [sflag:$0x3], $0x1000, $0x38;
	[tilespmem:$0x3000] =	vst v63  }
0x1fd: {  	_ =	swait.ge [sflag:s3], $0x1000  }
0x1fe: {  	[sflag:s3] =	ssyncset.done $0x0  }
0x1ff: {  	[sflag:s3] =	ssyncadd.s32 $0xFFFFF000  }
0x200: {  	[tilespmem:s5], [sflag:$0x2] =	stream.indirect.gather [hbm4b:s10+s7], $0x20, s25, s7, $0xb8;
	[tilespmem:$0x3000] =	vst v63  }
0x201: {  	_ =	swait.ge [sflag:s9], $0x1000  }
0x202: {  	[sflag:s9] =	ssyncset.done $0x0  }
0x203: {  	s0 =	rddreg [dreg:$0x16];
	[sflag:s9] =	ssyncadd.s32 $0xFFFFF000  }
0x204: {  	[hbm4b:s0+s2] =	stream.linear.scatter [tilespmem:s6], [sflag:$0x3], $0x1000, $0x38;
	[tilespmem:$0x3000] =	vst v63  }
0x205: {  	_ =	swait.ge [sflag:s3], $0x1000  }
0x206: {  	[sflag:s3] =	ssyncset.done $0x0  }
0x207: {  	[sflag:s3] =	ssyncadd.s32 $0xFFFFF000  }
0x208: {  	[tilespmem:s6], [sflag:$0x1] =	stream.indirect.gather [hbm4b:s10+s7], $0x20, s23, s7, $0xb8;
	[tilespmem:$0x3000] =	vst v63  }
0x209: {  	_ =	swait.ge [sflag:s8], $0x1000  }
0x20a: {  	[sflag:s8] =	ssyncset.done $0x0  }
0x20b: {  	s0 =	rddreg [dreg:$0x17];
	[sflag:s8] =	ssyncadd.s32 $0xFFFFF000  }
0x20c: {  	[hbm4b:s0+s2] =	stream.linear.scatter [tilespmem:s5], [sflag:$0x3], $0x1000, $0x38;
	[tilespmem:$0x3000] =	vst v63  }
0x20d: {  	_ =	swait.ge [sflag:s3], $0x1000  }
0x20e: {  	[sflag:s3] =	ssyncset.done $0x0  }
0x20f: {  	[sflag:s3] =	ssyncadd.s32 $0xFFFFF000  }
0x210: {  	[tilespmem:s5], [sflag:$0x2] =	stream.indirect.gather [hbm4b:s10+s7], $0x20, s22, s7, $0xb8;
	[tilespmem:$0x3000] =	vst v63  }
0x211: {  	_ =	swait.ge [sflag:s9], $0x1000  }
0x212: {  	[sflag:s9] =	ssyncset.done $0x0  }
0x213: {  	s0 =	rddreg [dreg:$0x18];
	[sflag:s9] =	ssyncadd.s32 $0xFFFFF000  }
0x214: {  	[hbm4b:s0+s2] =	stream.linear.scatter [tilespmem:s6], [sflag:$0x3], $0x1000, $0x38;
	[tilespmem:$0x3000] =	vst v63  }
0x215: {  	_ =	swait.ge [sflag:s3], $0x1000  }
0x216: {  	[sflag:s3] =	ssyncset.done $0x0  }
0x217: {  	[sflag:s3] =	ssyncadd.s32 $0xFFFFF000  }
0x218: {  	[tilespmem:s6], [sflag:$0x1] =	stream.indirect.gather [hbm4b:s10+s7], $0x20, s21, s7, $0xb8;
	[tilespmem:$0x3000] =	vst v63  }
0x219: {  	_ =	swait.ge [sflag:s8], $0x1000  }
0x21a: {  	[sflag:s8] =	ssyncset.done $0x0  }
0x21b: {  	s0 =	rddreg [dreg:$0x19];
	[sflag:s8] =	ssyncadd.s32 $0xFFFFF000  }
0x21c: {  	[hbm4b:s0+s2] =	stream.linear.scatter [tilespmem:s5], [sflag:$0x3], $0x1000, $0x38;
	[tilespmem:$0x3000] =	vst v63  }
0x21d: {  	_ =	swait.ge [sflag:s3], $0x1000  }
0x21e: {  	[sflag:s3] =	ssyncset.done $0x0  }
0x21f: {  	[sflag:s3] =	ssyncadd.s32 $0xFFFFF000  }
0x220: {  	[tilespmem:s5], [sflag:$0x2] =	stream.indirect.gather [hbm4b:s10+s7], $0x20, s20, s7, $0xb8;
	[tilespmem:$0x3000] =	vst v63  }
0x221: {  	_ =	swait.ge [sflag:s9], $0x1000  }
0x222: {  	[sflag:s9] =	ssyncset.done $0x0  }
0x223: {  	s0 =	rddreg [dreg:$0x1a];
	[sflag:s9] =	ssyncadd.s32 $0xFFFFF000  }
0x224: {  	[hbm4b:s0+s2] =	stream.linear.scatter [tilespmem:s6], [sflag:$0x3], $0x1000, $0x38;
	[tilespmem:$0x3000] =	vst v63  }
0x225: {  	_ =	swait.ge [sflag:s3], $0x1000  }
0x226: {  	[sflag:s3] =	ssyncset.done $0x0  }
0x227: {  	[sflag:s3] =	ssyncadd.s32 $0xFFFFF000  }
0x228: {  	[tilespmem:s6], [sflag:$0x1] =	stream.indirect.gather [hbm4b:s10+s7], $0x20, s19, s7, $0xb8;
	[tilespmem:$0x3000] =	vst v63  }
0x229: {  	_ =	swait.ge [sflag:s8], $0x1000  }
0x22a: {  	[sflag:s8] =	ssyncset.done $0x0  }
0x22b: {  	s0 =	rddreg [dreg:$0x1b];
	[sflag:s8] =	ssyncadd.s32 $0xFFFFF000  }
0x22c: {  	[hbm4b:s0+s2] =	stream.linear.scatter [tilespmem:s5], [sflag:$0x3], $0x1000, $0x38;
	[tilespmem:$0x3000] =	vst v63  }
0x22d: {  	_ =	swait.ge [sflag:s3], $0x1000  }
0x22e: {  	[sflag:s3] =	ssyncset.done $0x0  }
0x22f: {  	[sflag:s3] =	ssyncadd.s32 $0xFFFFF000  }
0x230: {  	[tilespmem:s5], [sflag:$0x2] =	stream.indirect.gather [hbm4b:s10+s7], $0x20, s18, s7, $0xb8;
	[tilespmem:$0x3000] =	vst v63  }
0x231: {  	_ =	swait.ge [sflag:s9], $0x1000  }
0x232: {  	[sflag:s9] =	ssyncset.done $0x0  }
0x233: {  	s0 =	rddreg [dreg:$0x1c];
	[sflag:s9] =	ssyncadd.s32 $0xFFFFF000  }
0x234: {  	[hbm4b:s0+s2] =	stream.linear.scatter [tilespmem:s6], [sflag:$0x3], $0x1000, $0x38;
	[tilespmem:$0x3000] =	vst v63  }
0x235: {  	_ =	swait.ge [sflag:s3], $0x1000  }
0x236: {  	[sflag:s3] =	ssyncset.done $0x0  }
0x237: {  	[sflag:s3] =	ssyncadd.s32 $0xFFFFF000  }
0x238: {  	[tilespmem:s6], [sflag:$0x1] =	stream.indirect.gather [hbm4b:s10+s7], $0x20, s17, s7, $0xb8;
	[tilespmem:$0x3000] =	vst v63  }
0x239: {  	_ =	swait.ge [sflag:s8], $0x1000  }
0x23a: {  	[sflag:s8] =	ssyncset.done $0x0  }
0x23b: {  	s0 =	rddreg [dreg:$0x1d];
	[sflag:s8] =	ssyncadd.s32 $0xFFFFF000  }
0x23c: {  	[hbm4b:s0+s2] =	stream.linear.scatter [tilespmem:s5], [sflag:$0x3], $0x1000, $0x38;
	[tilespmem:$0x3000] =	vst v63  }
0x23d: {  	_ =	swait.ge [sflag:s3], $0x1000  }
0x23e: {  	[sflag:s3] =	ssyncset.done $0x0  }
0x23f: {  	[sflag:s3] =	ssyncadd.s32 $0xFFFFF000  }
0x240: {  	[tilespmem:s5], [sflag:$0x2] =	stream.indirect.gather [hbm4b:s10+s7], $0x20, s16, s7, $0xb8;
	[tilespmem:$0x3000] =	vst v63  }
0x241: {  	_ =	swait.ge [sflag:s9], $0x1000  }
0x242: {  	[sflag:s9] =	ssyncset.done $0x0  }
0x243: {  	s0 =	rddreg [dreg:$0x1e];
	[sflag:s9] =	ssyncadd.s32 $0xFFFFF000  }
0x244: {  	[hbm4b:s0+s2] =	stream.linear.scatter [tilespmem:s6], [sflag:$0x3], $0x1000, $0x38;
	[tilespmem:$0x3000] =	vst v63  }
0x245: {  	_ =	swait.ge [sflag:s3], $0x1000  }
0x246: {  	[sflag:s3] =	ssyncset.done $0x0  }
0x247: {  	[sflag:s3] =	ssyncadd.s32 $0xFFFFF000  }
0x248: {  	_ =	swait.ge [sflag:s8], $0x1000  }
0x249: {  	[sflag:s8] =	ssyncset.done $0x0  }
0x24a: {  	s0 =	rddreg [dreg:$0x1f];
	[sflag:s8] =	ssyncadd.s32 $0xFFFFF000  }
0x24b: {  	[hbm4b:s0+s2] =	stream.linear.scatter [tilespmem:s5], [sflag:$0x3], $0x1000, $0x38;
	[tilespmem:$0x3000] =	vst v63  }
0x24c: {  	_ =	swait.ge [sflag:s3], $0x1000  }
0x24d: {  	s0 =	sld [smem:$0x7ED]  }
0x24e: {  	[sflag:s3] =	ssyncset.done $0x0  }
0x24f: {  	[sflag:s3] =	ssyncadd.s32 $0xFFFFF000  }
0x250: {  	[tilespmem:s13], [sflag:$0x3] =	stream.linear.gather [hbm4b:s0+s2], $0x200, $0x38;
	[tilespmem:$0x3000] =	vst v63  }
0x251: {  	_ =	swait.ge [sflag:s3], $0x200  }
0x252: {  	[sflag:s3] =	ssyncset.done $0x0  }
0x253: {  	[sflag:s3] =	ssyncadd.s32 $0xFFFFFE00  }
0x254: {  	[tilespmem:s6], [sflag:$0x1] =	stream.indirect.gather [hbm4b:s4+s7], $0x20, s13, s7, $0xb8;
	[tilespmem:$0x3000] =	vst v63  }
0x255: {  	_ = 	snop  }
0x256: {  	[tilespmem:s5], [sflag:$0x2] =	stream.indirect.gather [hbm4b:s4+s7], $0x20, s14, s7, $0xb8;
	[tilespmem:$0x3000] =	vst v63  }
0x257: {  	_ =	swait.ge [sflag:s9], $0x1000  }
0x258: {  	s0 =	sld [smem:$0x7EE]  }
0x259: {  	[sflag:s9] =	ssyncset.done $0x0  }
0x25a: {  	[sflag:s9] =	ssyncadd.s32 $0xFFFFF000  }
0x25b: {  	[hbm4b:s0+s2] =	stream.linear.scatter [tilespmem:s6], [sflag:$0x3], $0x1000, $0x38;
	[tilespmem:$0x3000] =	vst v63  }
0x25c: {  	_ =	swait.ge [sflag:s3], $0x1000  }
0x25d: {  	[sflag:s3] =	ssyncset.done $0x0  }
0x25e: {  	[sflag:s3] =	ssyncadd.s32 $0xFFFFF000  }
0x25f: {  	[tilespmem:s6], [sflag:$0x1] =	stream.indirect.gather [hbm4b:s4+s7], $0x20, s12, s7, $0xb8;
	[tilespmem:$0x3000] =	vst v63  }
0x260: {  	_ =	swait.ge [sflag:s8], $0x1000  }
0x261: {  	s0 =	sld [smem:$0x7EF]  }
0x262: {  	[sflag:s8] =	ssyncset.done $0x0  }
0x263: {  	[sflag:s8] =	ssyncadd.s32 $0xFFFFF000  }
0x264: {  	[hbm4b:s0+s2] =	stream.linear.scatter [tilespmem:s5], [sflag:$0x3], $0x1000, $0x38;
	[tilespmem:$0x3000] =	vst v63  }
0x265: {  	_ =	swait.ge [sflag:s3], $0x1000  }
0x266: {  	[sflag:s3] =	ssyncset.done $0x0  }
0x267: {  	[sflag:s3] =	ssyncadd.s32 $0xFFFFF000  }
0x268: {  	[tilespmem:s5], [sflag:$0x2] =	stream.indirect.gather [hbm4b:s4+s7], $0x20, s11, s7, $0xb8;
	[tilespmem:$0x3000] =	vst v63  }
0x269: {  	_ =	swait.ge [sflag:s9], $0x1000  }
0x26a: {  	s0 =	sld [smem:$0x7F0]  }
0x26b: {  	[sflag:s9] =	ssyncset.done $0x0  }
0x26c: {  	[sflag:s9] =	ssyncadd.s32 $0xFFFFF000  }
0x26d: {  	[hbm4b:s0+s2] =	stream.linear.scatter [tilespmem:s6], [sflag:$0x3], $0x1000, $0x38;
	[tilespmem:$0x3000] =	vst v63  }
0x26e: {  	_ =	swait.ge [sflag:s3], $0x1000  }
0x26f: {  	[sflag:s3] =	ssyncset.done $0x0  }
0x270: {  	[sflag:s3] =	ssyncadd.s32 $0xFFFFF000  }
0x271: {  	_ =	swait.ge [sflag:s8], $0x1000  }
0x272: {  	p1 =	sne.s32 s1, $0x1;
	s0 =	sld [smem:$0x7F1]  }
.Ltmp2:
0x273: {  	[sflag:s8] =	ssyncset.done $0x0;
	(pc) =	sbr.rel @p1 .LBB2_2-.Ltmp2, $4  }
0x274: {  	[sflag:s8] =	ssyncadd.s32 $0xFFFFF000  }
0x275: {  	[hbm4b:s0+s2] =	stream.linear.scatter [tilespmem:s5], [sflag:$0x3], $0x1000, $0x38;
	[tilespmem:$0x3000] =	vst v63  }
0x276: {  	_ =	swait.ge [sflag:s3], $0x1000  }
0x277: {  	s1 =	sadd.s32 $0xFFFFFFFF, s1;
	s0 =	rddreg [dreg:$0x3];
	[sflag:s3] =	ssyncset.done $0x0  }
.LBB2_3:
0x278: {  	[sflag:s3] =	ssyncadd.s32 @p0 $0xFFFFF000  }
0x279: {  	[tilespmem:s2], [sflag:$0x3] =	stream.linear.gather [hbm4b:s0+s2], $0x800, $0x38;
	[tilespmem:$0x3000] =	vst v63  }
0x27a: {  	_ =	swait.ge [sflag:s3], $0x800  }
0x27b: {  	[sflag:s3] =	ssyncset.done $0x0  }
0x27c: {  	[sflag:s3] =	ssyncadd.s32 $0xFFFFF800  }
0x27d: {  	[tilespmem:s6], [sflag:$0x1] =	stream.indirect.gather [hbm4b:s24+s7], $0x20, s2, s7, $0xb8;
	[tilespmem:$0x3000] =	vst v63  }
0x27e: {  	_ = 	snop  }
0x27f: {  	[tilespmem:s5], [sflag:$0x2] =	stream.indirect.gather [hbm4b:s24+s7], $0x20, s7, s7, $0xb8;
	[tilespmem:$0x3000] =	vst v63  }
0x280: {  	_ =	swait.ge [sflag:s9], $0x1000  }
0x281: {  	[sflag:s9] =	ssyncset.done $0x0  }
0x282: {  	s1 =	rddreg [dreg:$0x4];
	[sflag:s9] =	ssyncadd.s32 $0xFFFFF000  }
0x283: {  	[hbm4b:s1+s2] =	stream.linear.scatter [tilespmem:s6], [sflag:$0x3], $0x1000, $0x38;
	[tilespmem:$0x3000] =	vst v63  }
0x284: {  	_ =	swait.ge [sflag:s3], $0x1000  }
0x285: {  	s1 =	sld [smem:$0x7F2]  }
0x286: {  	[sflag:s3] =	ssyncset.done $0x0  }
0x287: {  	[sflag:s3] =	ssyncadd.s32 $0xFFFFF000  }
0x288: {  	[tilespmem:s6], [sflag:$0x1] =	stream.indirect.gather [hbm4b:s24+s7], $0x20, s1, s7, $0xb8;
	[tilespmem:$0x3000] =	vst v63  }
0x289: {  	_ =	swait.ge [sflag:s8], $0x1000  }
0x28a: {  	[sflag:s8] =	ssyncset.done $0x0  }
0x28b: {  	s1 =	rddreg [dreg:$0x5];
	[sflag:s8] =	ssyncadd.s32 $0xFFFFF000  }
0x28c: {  	[hbm4b:s1+s2] =	stream.linear.scatter [tilespmem:s5], [sflag:$0x3], $0x1000, $0x38;
	[tilespmem:$0x3000] =	vst v63  }
0x28d: {  	_ =	swait.ge [sflag:s3], $0x1000  }
0x28e: {  	s1 =	sld [smem:$0x7F3]  }
0x28f: {  	[sflag:s3] =	ssyncset.done $0x0  }
0x290: {  	[sflag:s3] =	ssyncadd.s32 $0xFFFFF000  }
0x291: {  	[tilespmem:s5], [sflag:$0x2] =	stream.indirect.gather [hbm4b:s24+s7], $0x20, s1, s7, $0xb8;
	[tilespmem:$0x3000] =	vst v63  }
0x292: {  	_ =	swait.ge [sflag:s9], $0x1000  }
0x293: {  	[sflag:s9] =	ssyncset.done $0x0  }
0x294: {  	s1 =	rddreg [dreg:$0x6];
	[sflag:s9] =	ssyncadd.s32 $0xFFFFF000  }
0x295: {  	[hbm4b:s1+s2] =	stream.linear.scatter [tilespmem:s6], [sflag:$0x3], $0x1000, $0x38;
	[tilespmem:$0x3000] =	vst v63  }
0x296: {  	_ =	swait.ge [sflag:s3], $0x1000  }
0x297: {  	s1 =	sld [smem:$0x7F4]  }
0x298: {  	[sflag:s3] =	ssyncset.done $0x0  }
0x299: {  	[sflag:s3] =	ssyncadd.s32 $0xFFFFF000  }
0x29a: {  	[tilespmem:s6], [sflag:$0x1] =	stream.indirect.gather [hbm4b:s24+s7], $0x20, s1, s7, $0xb8;
	[tilespmem:$0x3000] =	vst v63  }
0x29b: {  	_ =	swait.ge [sflag:s8], $0x1000  }
0x29c: {  	[sflag:s8] =	ssyncset.done $0x0  }
0x29d: {  	s1 =	rddreg [dreg:$0x7];
	[sflag:s8] =	ssyncadd.s32 $0xFFFFF000  }
0x29e: {  	[hbm4b:s1+s2] =	stream.linear.scatter [tilespmem:s5], [sflag:$0x3], $0x1000, $0x38;
	[tilespmem:$0x3000] =	vst v63  }
0x29f: {  	_ =	swait.ge [sflag:s3], $0x1000  }
0x2a0: {  	s1 =	sld [smem:$0x7F5]  }
0x2a1: {  	[sflag:s3] =	ssyncset.done $0x0  }
0x2a2: {  	[sflag:s3] =	ssyncadd.s32 $0xFFFFF000  }
0x2a3: {  	[tilespmem:s5], [sflag:$0x2] =	stream.indirect.gather [hbm4b:s24+s7], $0x20, s1, s7, $0xb8;
	[tilespmem:$0x3000] =	vst v63  }
0x2a4: {  	_ =	swait.ge [sflag:s9], $0x1000  }
0x2a5: {  	[sflag:s9] =	ssyncset.done $0x0  }
0x2a6: {  	s1 =	rddreg [dreg:$0x8];
	[sflag:s9] =	ssyncadd.s32 $0xFFFFF000  }
0x2a7: {  	[hbm4b:s1+s2] =	stream.linear.scatter [tilespmem:s6], [sflag:$0x3], $0x1000, $0x38;
	[tilespmem:$0x3000] =	vst v63  }
0x2a8: {  	_ =	swait.ge [sflag:s3], $0x1000  }
0x2a9: {  	s1 =	sld [smem:$0x7F6]  }
0x2aa: {  	[sflag:s3] =	ssyncset.done $0x0  }
0x2ab: {  	[sflag:s3] =	ssyncadd.s32 $0xFFFFF000  }
0x2ac: {  	[tilespmem:s6], [sflag:$0x1] =	stream.indirect.gather [hbm4b:s24+s7], $0x20, s1, s7, $0xb8;
	[tilespmem:$0x3000] =	vst v63  }
0x2ad: {  	_ =	swait.ge [sflag:s8], $0x1000  }
0x2ae: {  	[sflag:s8] =	ssyncset.done $0x0  }
0x2af: {  	s1 =	rddreg [dreg:$0x9];
	[sflag:s8] =	ssyncadd.s32 $0xFFFFF000  }
0x2b0: {  	[hbm4b:s1+s2] =	stream.linear.scatter [tilespmem:s5], [sflag:$0x3], $0x1000, $0x38;
	[tilespmem:$0x3000] =	vst v63  }
0x2b1: {  	_ =	swait.ge [sflag:s3], $0x1000  }
0x2b2: {  	s1 =	sld [smem:$0x7F7]  }
0x2b3: {  	[sflag:s3] =	ssyncset.done $0x0  }
0x2b4: {  	[sflag:s3] =	ssyncadd.s32 $0xFFFFF000  }
0x2b5: {  	[tilespmem:s5], [sflag:$0x2] =	stream.indirect.gather [hbm4b:s24+s7], $0x20, s1, s7, $0xb8;
	[tilespmem:$0x3000] =	vst v63  }
0x2b6: {  	_ =	swait.ge [sflag:s9], $0x1000  }
0x2b7: {  	[sflag:s9] =	ssyncset.done $0x0  }
0x2b8: {  	s1 =	rddreg [dreg:$0xa];
	[sflag:s9] =	ssyncadd.s32 $0xFFFFF000  }
0x2b9: {  	[hbm4b:s1+s2] =	stream.linear.scatter [tilespmem:s6], [sflag:$0x3], $0x1000, $0x38;
	[tilespmem:$0x3000] =	vst v63  }
0x2ba: {  	_ =	swait.ge [sflag:s3], $0x1000  }
0x2bb: {  	s1 =	sld [smem:$0x7F8]  }
0x2bc: {  	[sflag:s3] =	ssyncset.done $0x0  }
0x2bd: {  	[sflag:s3] =	ssyncadd.s32 $0xFFFFF000  }
0x2be: {  	[tilespmem:s6], [sflag:$0x1] =	stream.indirect.gather [hbm4b:s24+s7], $0x20, s1, s7, $0xb8;
	[tilespmem:$0x3000] =	vst v63  }
0x2bf: {  	_ =	swait.ge [sflag:s8], $0x1000  }
0x2c0: {  	[sflag:s8] =	ssyncset.done $0x0  }
0x2c1: {  	s1 =	rddreg [dreg:$0xb];
	[sflag:s8] =	ssyncadd.s32 $0xFFFFF000  }
0x2c2: {  	[hbm4b:s1+s2] =	stream.linear.scatter [tilespmem:s5], [sflag:$0x3], $0x1000, $0x38;
	[tilespmem:$0x3000] =	vst v63  }
0x2c3: {  	_ =	swait.ge [sflag:s3], $0x1000  }
0x2c4: {  	s1 =	sld [smem:$0x7F9]  }
0x2c5: {  	[sflag:s3] =	ssyncset.done $0x0  }
0x2c6: {  	[sflag:s3] =	ssyncadd.s32 $0xFFFFF000  }
0x2c7: {  	[tilespmem:s5], [sflag:$0x2] =	stream.indirect.gather [hbm4b:s24+s7], $0x20, s1, s7, $0xb8;
	[tilespmem:$0x3000] =	vst v63  }
0x2c8: {  	_ =	swait.ge [sflag:s9], $0x1000  }
0x2c9: {  	[sflag:s9] =	ssyncset.done $0x0  }
0x2ca: {  	s1 =	rddreg [dreg:$0xc];
	[sflag:s9] =	ssyncadd.s32 $0xFFFFF000  }
0x2cb: {  	[hbm4b:s1+s2] =	stream.linear.scatter [tilespmem:s6], [sflag:$0x3], $0x1000, $0x38;
	[tilespmem:$0x3000] =	vst v63  }
0x2cc: {  	_ =	swait.ge [sflag:s3], $0x1000  }
0x2cd: {  	s1 =	sld [smem:$0x7FA]  }
0x2ce: {  	[sflag:s3] =	ssyncset.done $0x0  }
0x2cf: {  	[sflag:s3] =	ssyncadd.s32 $0xFFFFF000  }
0x2d0: {  	[tilespmem:s6], [sflag:$0x1] =	stream.indirect.gather [hbm4b:s24+s7], $0x20, s1, s7, $0xb8;
	[tilespmem:$0x3000] =	vst v63  }
0x2d1: {  	_ =	swait.ge [sflag:s8], $0x1000  }
0x2d2: {  	[sflag:s8] =	ssyncset.done $0x0  }
0x2d3: {  	s1 =	rddreg [dreg:$0xd];
	[sflag:s8] =	ssyncadd.s32 $0xFFFFF000  }
0x2d4: {  	[hbm4b:s1+s2] =	stream.linear.scatter [tilespmem:s5], [sflag:$0x3], $0x1000, $0x38;
	[tilespmem:$0x3000] =	vst v63  }
0x2d5: {  	_ =	swait.ge [sflag:s3], $0x1000  }
0x2d6: {  	s1 =	sld [smem:$0x7FB]  }
0x2d7: {  	[sflag:s3] =	ssyncset.done $0x0  }
0x2d8: {  	[sflag:s3] =	ssyncadd.s32 $0xFFFFF000  }
0x2d9: {  	[tilespmem:s5], [sflag:$0x2] =	stream.indirect.gather [hbm4b:s24+s7], $0x20, s1, s7, $0xb8;
	[tilespmem:$0x3000] =	vst v63  }
0x2da: {  	_ =	swait.ge [sflag:s9], $0x1000  }
0x2db: {  	[sflag:s9] =	ssyncset.done $0x0  }
0x2dc: {  	s1 =	rddreg [dreg:$0xe];
	[sflag:s9] =	ssyncadd.s32 $0xFFFFF000  }
0x2dd: {  	[hbm4b:s1+s2] =	stream.linear.scatter [tilespmem:s6], [sflag:$0x3], $0x1000, $0x38;
	[tilespmem:$0x3000] =	vst v63  }
0x2de: {  	_ =	swait.ge [sflag:s3], $0x1000  }
0x2df: {  	s1 =	sld [smem:$0x7FC]  }
0x2e0: {  	[sflag:s3] =	ssyncset.done $0x0  }
0x2e1: {  	[sflag:s3] =	ssyncadd.s32 $0xFFFFF000  }
0x2e2: {  	[tilespmem:s6], [sflag:$0x1] =	stream.indirect.gather [hbm4b:s24+s7], $0x20, s1, s7, $0xb8;
	[tilespmem:$0x3000] =	vst v63  }
0x2e3: {  	_ =	swait.ge [sflag:s8], $0x1000  }
0x2e4: {  	[sflag:s8] =	ssyncset.done $0x0  }
0x2e5: {  	s1 =	rddreg [dreg:$0xf];
	[sflag:s8] =	ssyncadd.s32 $0xFFFFF000  }
0x2e6: {  	[hbm4b:s1+s2] =	stream.linear.scatter [tilespmem:s5], [sflag:$0x3], $0x1000, $0x38;
	[tilespmem:$0x3000] =	vst v63  }
0x2e7: {  	_ =	swait.ge [sflag:s3], $0x1000  }
0x2e8: {  	s1 =	sld [smem:$0x7FD]  }
0x2e9: {  	[sflag:s3] =	ssyncset.done $0x0  }
0x2ea: {  	[sflag:s3] =	ssyncadd.s32 $0xFFFFF000  }
0x2eb: {  	[tilespmem:s5], [sflag:$0x2] =	stream.indirect.gather [hbm4b:s24+s7], $0x20, s1, s7, $0xb8;
	[tilespmem:$0x3000] =	vst v63  }
0x2ec: {  	_ =	swait.ge [sflag:s9], $0x1000  }
0x2ed: {  	[sflag:s9] =	ssyncset.done $0x0  }
0x2ee: {  	s1 =	rddreg [dreg:$0x10];
	[sflag:s9] =	ssyncadd.s32 $0xFFFFF000  }
0x2ef: {  	[hbm4b:s1+s2] =	stream.linear.scatter [tilespmem:s6], [sflag:$0x3], $0x1000, $0x38;
	[tilespmem:$0x3000] =	vst v63  }
0x2f0: {  	_ =	swait.ge [sflag:s3], $0x1000  }
0x2f1: {  	[sflag:s3] =	ssyncset.done $0x0  }
0x2f2: {  	[sflag:s3] =	ssyncadd.s32 $0xFFFFF000  }
0x2f3: {  	[tilespmem:s6], [sflag:$0x1] =	stream.indirect.gather [hbm4b:s24+s7], $0x20, s31, s7, $0xb8;
	[tilespmem:$0x3000] =	vst v63  }
0x2f4: {  	_ =	swait.ge [sflag:s8], $0x1000  }
0x2f5: {  	[sflag:s8] =	ssyncset.done $0x0  }
0x2f6: {  	s1 =	rddreg [dreg:$0x11];
	[sflag:s8] =	ssyncadd.s32 $0xFFFFF000  }
0x2f7: {  	[hbm4b:s1+s2] =	stream.linear.scatter [tilespmem:s5], [sflag:$0x3], $0x1000, $0x38;
	[tilespmem:$0x3000] =	vst v63  }
0x2f8: {  	_ =	swait.ge [sflag:s3], $0x1000  }
0x2f9: {  	[sflag:s3] =	ssyncset.done $0x0  }
0x2fa: {  	[sflag:s3] =	ssyncadd.s32 $0xFFFFF000  }
0x2fb: {  	[tilespmem:s5], [sflag:$0x2] =	stream.indirect.gather [hbm4b:s24+s7], $0x20, s30, s7, $0xb8;
	[tilespmem:$0x3000] =	vst v63  }
0x2fc: {  	_ =	swait.ge [sflag:s9], $0x1000  }
0x2fd: {  	[sflag:s9] =	ssyncset.done $0x0  }
0x2fe: {  	s31 =	rddreg [dreg:$0x12];
	[sflag:s9] =	ssyncadd.s32 $0xFFFFF000  }
0x2ff: {  	[hbm4b:s31+s2] =	stream.linear.scatter [tilespmem:s6], [sflag:$0x3], $0x1000, $0x38;
	[tilespmem:$0x3000] =	vst v63  }
0x300: {  	_ =	swait.ge [sflag:s3], $0x1000  }
0x301: {  	[sflag:s3] =	ssyncset.done $0x0  }
0x302: {  	[sflag:s3] =	ssyncadd.s32 $0xFFFFF000  }
0x303: {  	_ =	swait.ge [sflag:s8], $0x1000  }
0x304: {  	[sflag:s8] =	ssyncset.done $0x0  }
0x305: {  	s1 =	rddreg [dreg:$0x13];
	[sflag:s8] =	ssyncadd.s32 $0xFFFFF000  }
0x306: {  	[hbm4b:s1+s2] =	stream.linear.scatter [tilespmem:s5], [sflag:$0x3], $0x1000, $0x38;
	[tilespmem:$0x3000] =	vst v63  }
0x307: {  	_ =	swait.ge [sflag:s3], $0x1000  }
0x308: {  	[sflag:s3] =	ssyncset.done $0x0  }
0x309: {  	s24 =	rddreg [dreg:$0x14];
	[sflag:s3] =	ssyncadd.s32 $0xFFFFF000  }
0x30a: {  	[tilespmem:s28], [sflag:$0x3] =	stream.linear.gather [hbm4b:s24+s2], $0x600, $0x38;
	[tilespmem:$0x3000] =	vst v63  }
0x30b: {  	_ =	swait.ge [sflag:s3], $0x600  }
0x30c: {  	[sflag:s3] =	ssyncset.done $0x0  }
0x30d: {  	[sflag:s3] =	ssyncadd.s32 $0xFFFFFA00  }
0x30e: {  	[tilespmem:s6], [sflag:$0x1] =	stream.indirect.gather [hbm4b:s10+s7], $0x20, s28, s7, $0xb8;
	[tilespmem:$0x3000] =	vst v63  }
0x30f: {  	_ = 	snop  }
0x310: {  	[tilespmem:s5], [sflag:$0x2] =	stream.indirect.gather [hbm4b:s10+s7], $0x20, s29, s7, $0xb8;
	[tilespmem:$0x3000] =	vst v63  }
0x311: {  	_ =	swait.ge [sflag:s9], $0x1000  }
0x312: {  	[sflag:s9] =	ssyncset.done $0x0  }
0x313: {  	[sflag:s9] =	ssyncadd.s32 $0xFFFFF000  }
0x314: {  	[hbm4b:s15+s2] =	stream.linear.scatter [tilespmem:s6], [sflag:$0x3], $0x1000, $0x38;
	[tilespmem:$0x3000] =	vst v63  }
0x315: {  	_ =	swait.ge [sflag:s3], $0x1000  }
0x316: {  	[sflag:s3] =	ssyncset.done $0x0  }
0x317: {  	[sflag:s3] =	ssyncadd.s32 $0xFFFFF000  }
0x318: {  	[tilespmem:s6], [sflag:$0x1] =	stream.indirect.gather [hbm4b:s10+s7], $0x20, s26, s7, $0xb8;
	[tilespmem:$0x3000] =	vst v63  }
0x319: {  	_ =	swait.ge [sflag:s8], $0x1000  }
0x31a: {  	[sflag:s8] =	ssyncset.done $0x0  }
0x31b: {  	s28 =	rddreg [dreg:$0x15];
	[sflag:s8] =	ssyncadd.s32 $0xFFFFF000  }
0x31c: {  	[hbm4b:s28+s2] =	stream.linear.scatter [tilespmem:s5], [sflag:$0x3], $0x1000, $0x38;
	[tilespmem:$0x3000] =	vst v63  }
0x31d: {  	_ =	swait.ge [sflag:s3], $0x1000  }
0x31e: {  	[sflag:s3] =	ssyncset.done $0x0  }
0x31f: {  	[sflag:s3] =	ssyncadd.s32 $0xFFFFF000  }
0x320: {  	[tilespmem:s5], [sflag:$0x2] =	stream.indirect.gather [hbm4b:s10+s7], $0x20, s25, s7, $0xb8;
	[tilespmem:$0x3000] =	vst v63  }
0x321: {  	_ =	swait.ge [sflag:s9], $0x1000  }
0x322: {  	[sflag:s9] =	ssyncset.done $0x0  }
0x323: {  	s29 =	rddreg [dreg:$0x16];
	[sflag:s9] =	ssyncadd.s32 $0xFFFFF000  }
0x324: {  	[hbm4b:s29+s2] =	stream.linear.scatter [tilespmem:s6], [sflag:$0x3], $0x1000, $0x38;
	[tilespmem:$0x3000] =	vst v63  }
0x325: {  	_ =	swait.ge [sflag:s3], $0x1000  }
0x326: {  	[sflag:s3] =	ssyncset.done $0x0  }
0x327: {  	[sflag:s3] =	ssyncadd.s32 $0xFFFFF000  }
0x328: {  	[tilespmem:s6], [sflag:$0x1] =	stream.indirect.gather [hbm4b:s10+s7], $0x20, s23, s7, $0xb8;
	[tilespmem:$0x3000] =	vst v63  }
0x329: {  	_ =	swait.ge [sflag:s8], $0x1000  }
0x32a: {  	[sflag:s8] =	ssyncset.done $0x0  }
0x32b: {  	s30 =	rddreg [dreg:$0x17];
	[sflag:s8] =	ssyncadd.s32 $0xFFFFF000  }
0x32c: {  	[hbm4b:s30+s2] =	stream.linear.scatter [tilespmem:s5], [sflag:$0x3], $0x1000, $0x38;
	[tilespmem:$0x3000] =	vst v63  }
0x32d: {  	_ =	swait.ge [sflag:s3], $0x1000  }
0x32e: {  	[sflag:s3] =	ssyncset.done $0x0  }
0x32f: {  	[sflag:s3] =	ssyncadd.s32 $0xFFFFF000  }
0x330: {  	[tilespmem:s5], [sflag:$0x2] =	stream.indirect.gather [hbm4b:s10+s7], $0x20, s22, s7, $0xb8;
	[tilespmem:$0x3000] =	vst v63  }
0x331: {  	_ =	swait.ge [sflag:s9], $0x1000  }
0x332: {  	[sflag:s9] =	ssyncset.done $0x0  }
0x333: {  	s31 =	rddreg [dreg:$0x18];
	[sflag:s9] =	ssyncadd.s32 $0xFFFFF000  }
0x334: {  	[hbm4b:s31+s2] =	stream.linear.scatter [tilespmem:s6], [sflag:$0x3], $0x1000, $0x38;
	[tilespmem:$0x3000] =	vst v63  }
0x335: {  	_ =	swait.ge [sflag:s3], $0x1000  }
0x336: {  	[sflag:s3] =	ssyncset.done $0x0  }
0x337: {  	[sflag:s3] =	ssyncadd.s32 $0xFFFFF000  }
0x338: {  	[tilespmem:s6], [sflag:$0x1] =	stream.indirect.gather [hbm4b:s10+s7], $0x20, s21, s7, $0xb8;
	[tilespmem:$0x3000] =	vst v63  }
0x339: {  	_ =	swait.ge [sflag:s8], $0x1000  }
0x33a: {  	[sflag:s8] =	ssyncset.done $0x0  }
0x33b: {  	s1 =	rddreg [dreg:$0x19];
	[sflag:s8] =	ssyncadd.s32 $0xFFFFF000  }
0x33c: {  	[hbm4b:s1+s2] =	stream.linear.scatter [tilespmem:s5], [sflag:$0x3], $0x1000, $0x38;
	[tilespmem:$0x3000] =	vst v63  }
0x33d: {  	_ =	swait.ge [sflag:s3], $0x1000  }
0x33e: {  	[sflag:s3] =	ssyncset.done $0x0  }
0x33f: {  	[sflag:s3] =	ssyncadd.s32 $0xFFFFF000  }
0x340: {  	[tilespmem:s5], [sflag:$0x2] =	stream.indirect.gather [hbm4b:s10+s7], $0x20, s20, s7, $0xb8;
	[tilespmem:$0x3000] =	vst v63  }
0x341: {  	_ =	swait.ge [sflag:s9], $0x1000  }
0x342: {  	[sflag:s9] =	ssyncset.done $0x0  }
0x343: {  	s15 =	rddreg [dreg:$0x1a];
	[sflag:s9] =	ssyncadd.s32 $0xFFFFF000  }
0x344: {  	[hbm4b:s15+s2] =	stream.linear.scatter [tilespmem:s6], [sflag:$0x3], $0x1000, $0x38;
	[tilespmem:$0x3000] =	vst v63  }
0x345: {  	_ =	swait.ge [sflag:s3], $0x1000  }
0x346: {  	[sflag:s3] =	ssyncset.done $0x0  }
0x347: {  	[sflag:s3] =	ssyncadd.s32 $0xFFFFF000  }
0x348: {  	[tilespmem:s6], [sflag:$0x1] =	stream.indirect.gather [hbm4b:s10+s7], $0x20, s19, s7, $0xb8;
	[tilespmem:$0x3000] =	vst v63  }
0x349: {  	_ =	swait.ge [sflag:s8], $0x1000  }
0x34a: {  	[sflag:s8] =	ssyncset.done $0x0  }
0x34b: {  	s20 =	rddreg [dreg:$0x1b];
	[sflag:s8] =	ssyncadd.s32 $0xFFFFF000  }
0x34c: {  	[hbm4b:s20+s2] =	stream.linear.scatter [tilespmem:s5], [sflag:$0x3], $0x1000, $0x38;
	[tilespmem:$0x3000] =	vst v63  }
0x34d: {  	_ =	swait.ge [sflag:s3], $0x1000  }
0x34e: {  	[sflag:s3] =	ssyncset.done $0x0  }
0x34f: {  	[sflag:s3] =	ssyncadd.s32 $0xFFFFF000  }
0x350: {  	[tilespmem:s5], [sflag:$0x2] =	stream.indirect.gather [hbm4b:s10+s7], $0x20, s18, s7, $0xb8;
	[tilespmem:$0x3000] =	vst v63  }
0x351: {  	_ =	swait.ge [sflag:s9], $0x1000  }
0x352: {  	[sflag:s9] =	ssyncset.done $0x0  }
0x353: {  	s21 =	rddreg [dreg:$0x1c];
	[sflag:s9] =	ssyncadd.s32 $0xFFFFF000  }
0x354: {  	[hbm4b:s21+s2] =	stream.linear.scatter [tilespmem:s6], [sflag:$0x3], $0x1000, $0x38;
	[tilespmem:$0x3000] =	vst v63  }
0x355: {  	_ =	swait.ge [sflag:s3], $0x1000  }
0x356: {  	[sflag:s3] =	ssyncset.done $0x0  }
0x357: {  	[sflag:s3] =	ssyncadd.s32 $0xFFFFF000  }
0x358: {  	[tilespmem:s6], [sflag:$0x1] =	stream.indirect.gather [hbm4b:s10+s7], $0x20, s17, s7, $0xb8;
	[tilespmem:$0x3000] =	vst v63  }
0x359: {  	_ =	swait.ge [sflag:s8], $0x1000  }
0x35a: {  	[sflag:s8] =	ssyncset.done $0x0  }
0x35b: {  	s22 =	rddreg [dreg:$0x1d];
	[sflag:s8] =	ssyncadd.s32 $0xFFFFF000  }
0x35c: {  	[hbm4b:s22+s2] =	stream.linear.scatter [tilespmem:s5], [sflag:$0x3], $0x1000, $0x38;
	[tilespmem:$0x3000] =	vst v63  }
0x35d: {  	_ =	swait.ge [sflag:s3], $0x1000  }
0x35e: {  	[sflag:s3] =	ssyncset.done $0x0  }
0x35f: {  	[sflag:s3] =	ssyncadd.s32 $0xFFFFF000  }
0x360: {  	[tilespmem:s5], [sflag:$0x2] =	stream.indirect.gather [hbm4b:s10+s7], $0x20, s16, s7, $0xb8;
	[tilespmem:$0x3000] =	vst v63  }
0x361: {  	_ =	swait.ge [sflag:s9], $0x1000  }
0x362: {  	[sflag:s9] =	ssyncset.done $0x0  }
0x363: {  	s23 =	rddreg [dreg:$0x1e];
	[sflag:s9] =	ssyncadd.s32 $0xFFFFF000  }
0x364: {  	[hbm4b:s23+s2] =	stream.linear.scatter [tilespmem:s6], [sflag:$0x3], $0x1000, $0x38;
	[tilespmem:$0x3000] =	vst v63  }
0x365: {  	_ =	swait.ge [sflag:s3], $0x1000  }
0x366: {  	[sflag:s3] =	ssyncset.done $0x0  }
0x367: {  	[sflag:s3] =	ssyncadd.s32 $0xFFFFF000  }
0x368: {  	_ =	swait.ge [sflag:s8], $0x1000  }
0x369: {  	[sflag:s8] =	ssyncset.done $0x0  }
0x36a: {  	s24 =	rddreg [dreg:$0x1f];
	[sflag:s8] =	ssyncadd.s32 $0xFFFFF000  }
0x36b: {  	[hbm4b:s24+s2] =	stream.linear.scatter [tilespmem:s5], [sflag:$0x3], $0x1000, $0x38;
	[tilespmem:$0x3000] =	vst v63  }
0x36c: {  	_ =	swait.ge [sflag:s3], $0x1000  }
0x36d: {  	s25 =	sld [smem:$0x7ED]  }
0x36e: {  	[sflag:s3] =	ssyncset.done $0x0  }
0x36f: {  	[sflag:s3] =	ssyncadd.s32 $0xFFFFF000  }
0x370: {  	[tilespmem:s13], [sflag:$0x3] =	stream.linear.gather [hbm4b:s25+s2], $0x200, $0x38;
	[tilespmem:$0x3000] =	vst v63  }
0x371: {  	_ =	swait.ge [sflag:s3], $0x200  }
0x372: {  	[sflag:s3] =	ssyncset.done $0x0  }
0x373: {  	[sflag:s3] =	ssyncadd.s32 $0xFFFFFE00  }
0x374: {  	[tilespmem:s6], [sflag:$0x1] =	stream.indirect.gather [hbm4b:s4+s7], $0x20, s13, s7, $0xb8;
	[tilespmem:$0x3000] =	vst v63  }
0x375: {  	_ = 	snop  }
0x376: {  	[tilespmem:s5], [sflag:$0x2] =	stream.indirect.gather [hbm4b:s4+s7], $0x20, s14, s7, $0xb8;
	[tilespmem:$0x3000] =	vst v63  }
0x377: {  	_ =	swait.ge [sflag:s9], $0x1000  }
0x378: {  	s26 =	sld [smem:$0x7EE]  }
0x379: {  	[sflag:s9] =	ssyncset.done $0x0  }
0x37a: {  	[sflag:s9] =	ssyncadd.s32 $0xFFFFF000  }
0x37b: {  	[hbm4b:s26+s2] =	stream.linear.scatter [tilespmem:s6], [sflag:$0x3], $0x1000, $0x38;
	[tilespmem:$0x3000] =	vst v63  }
0x37c: {  	_ =	swait.ge [sflag:s3], $0x1000  }
0x37d: {  	[sflag:s3] =	ssyncset.done $0x0  }
0x37e: {  	[sflag:s3] =	ssyncadd.s32 $0xFFFFF000  }
0x37f: {  	[tilespmem:s6], [sflag:$0x1] =	stream.indirect.gather [hbm4b:s4+s7], $0x20, s12, s7, $0xb8;
	[tilespmem:$0x3000] =	vst v63  }
0x380: {  	_ =	swait.ge [sflag:s8], $0x1000  }
0x381: {  	s28 =	sld [smem:$0x7EF]  }
0x382: {  	[sflag:s8] =	ssyncset.done $0x0  }
0x383: {  	[sflag:s8] =	ssyncadd.s32 $0xFFFFF000  }
0x384: {  	[hbm4b:s28+s2] =	stream.linear.scatter [tilespmem:s5], [sflag:$0x3], $0x1000, $0x38;
	[tilespmem:$0x3000] =	vst v63  }
0x385: {  	_ =	swait.ge [sflag:s3], $0x1000  }
0x386: {  	[sflag:s3] =	ssyncset.done $0x0  }
0x387: {  	[sflag:s3] =	ssyncadd.s32 $0xFFFFF000  }
0x388: {  	[tilespmem:s5], [sflag:$0x2] =	stream.indirect.gather [hbm4b:s4+s7], $0x20, s11, s7, $0xb8;
	[tilespmem:$0x3000] =	vst v63  }
0x389: {  	_ =	swait.ge [sflag:s9], $0x1000  }
0x38a: {  	s29 =	sld [smem:$0x7F0]  }
0x38b: {  	[sflag:s9] =	ssyncset.done $0x0  }
0x38c: {  	[sflag:s9] =	ssyncadd.s32 $0xFFFFF000  }
0x38d: {  	[hbm4b:s29+s2] =	stream.linear.scatter [tilespmem:s6], [sflag:$0x3], $0x1000, $0x38;
	[tilespmem:$0x3000] =	vst v63  }
0x38e: {  	_ =	swait.ge [sflag:s3], $0x1000  }
0x38f: {  	[sflag:s3] =	ssyncset.done $0x0  }
0x390: {  	[sflag:s3] =	ssyncadd.s32 $0xFFFFF000  }
0x391: {  	_ =	swait.ge [sflag:s8], $0x1000  }
0x392: {  	s30 =	sld [smem:$0x7F1]  }
0x393: {  	[sflag:s8] =	ssyncset.done $0x0  }
0x394: {  	[sflag:s8] =	ssyncadd.s32 $0xFFFFF000  }
0x395: {  	[hbm4b:s30+s2] =	stream.linear.scatter [tilespmem:s5], [sflag:$0x3], $0x1000, $0x38;
	[tilespmem:$0x3000] =	vst v63  }
0x396: {  	_ =	swait.ge [sflag:s3], $0x1000  }
0x397: {  	[sflag:s3] =	ssyncset.done $0x0  }
0x398: {  	[sflag:s3] =	ssyncadd.s32 $0xFFFFF000  }
0x399: {  	_ =	sfence.sel $0x180000  }
0x39a: {  	[bflag:$0x0] =	sbarrier.arrive $0xFFFF  }
0x39b: {  	_ =	strace $0x9000004D  }
0x39c: {  	s31 =	stileid.u32;
	[bflag:$0x2] =	sbarrier.arrive $0xFFFF  }
0x39d: {  	p0 =	sne.s32 s31, $0x0;
	s0 =	rddreg [dreg:$0x2]  }
0x39e: {  	s0 =	sadd.s32 @!p0 $0x100000, s0  }
0x39f: {  	[sflag:s0] =	ssyncadd.tile.s32 @!p0 $0x1;
	_ =	shalt  }
.Lfunc_end2:
_tile_overlayer_lowered:
.L_overlay_start_2:
0x3a0: {  	(tag) =	ssettag $0x2  }
0x3a1: {  	s0 =	rddreg [dreg:$0x0];
	s2 =	stileid.u32  }
0x3a2: {  	s1 =	rddreg [dreg:$0x1];
	p0 =	sne.s32 s2, $0x0  }
0x3a3: {  	s3 =	rddreg [dreg:$0x2];
	[bflag:$0x3] =	sbarrier.arrive $0xFFFF;
	s2 =	simm.s32 @!p0 $0x1C03  }
0x3a4: {  	[timem:s3], [sflag:s2] =	dma.local @!p0 [hbm:s0], s1  }
0x3a5: {  	s0 =	simm.s32 @!p0 $0x3  }
0x3a6: {  	_ =	swait.ge @!p0 [sflag:s0], s1  }
0x3a7: {  	s1 =	ssub.s32 @!p0 $0x0, s1;
	[sflag:s0] =	ssyncset.done @!p0 $0x0  }
0x3a8: {  	[sflag:s0] =	ssyncadd.s32 @!p0 s1  }
0x3a9: {  	[bflag:$0x3] =	sbarrier.arrive $0xFFFF  }
0x3aa: {  	_ =	shalt  }

</sc_bundles>
